<compile_context>
chip_gen: v7x
topology: tpu7x:2x2x1
jax: 0.10.2.dev20260603
libtpu: 0.0.44.dev20260713+nightly
codegen_flags: <defaults>
</compile_context>

<pallas_src>
import jax
import jax.numpy as jnp
from jax import lax
from jax.experimental import pallas as pl
from jax.experimental.pallas import tpu as pltpu
from jax.experimental.pallas import tpu_sc as plsc

_NC = 2
_NS = 16
_NW = _NC * _NS


def _sc_body(codes_hbm, *refs):
    (t0, t1, t2, t3, t4, t5, t6, t7, out_hbm, idx_v, rows_v, out_v,
     isem, gsem0, gsem1) = refs
    tabs = (t0, t1, t2, t3, t4, t5, t6, t7)
    N = len(tabs)
    C = idx_v.shape[2]
    D = t0.shape[1]
    n_orow = (2 * C * D) // 128
    B = out_hbm.shape[0] // n_orow
    n_per_w = B // _NW
    wid = lax.axis_index("s") * _NC + lax.axis_index("c")
    b0 = wid * n_per_w
    gsems = (gsem0, gsem1)

    def fire_gathers(slot, h, buf):
        for j in range(N):
            pltpu.async_copy(
                tabs[j].at[idx_v.at[slot, 2 * j + h]],
                rows_v.at[buf, j], gsems[buf])

    def drain_gathers(buf):
        for j in range(N):
            pltpu.make_async_copy(tabs[j].at[pl.ds(0, C)],
                                  rows_v.at[buf, j], gsems[buf]).wait()

    def fire_idx(bi, slot):
        pltpu.async_copy(codes_hbm.at[b0 + bi], idx_v.at[slot], isem)

    def wait_idx(slot):
        pltpu.make_async_copy(codes_hbm.at[0], idx_v.at[slot], isem).wait()

    def reduce_half(buf, h):
        def red(c2, _):
            for ci in range(2):
                c = 2 * c2 + ci
                for d in range(D // 16):
                    acc = rows_v[buf, 0, c, pl.ds(d * 16, 16)]
                    for j in range(1, N):
                        acc = acc + rows_v[buf, j, c, pl.ds(d * 16, 16)]
                    out_v[(h * C) // 2 + c2, pl.ds(ci * D + d * 16, 16)] = acc
            return 0
        lax.fori_loop(0, C // 2, red, 0)

    pltpu.sync_copy(codes_hbm.at[b0], idx_v.at[0])
    fire_gathers(0, 0, 0)
    fire_idx(1, 1)
    fire_idx(2, 2)

    def batch_body(bi, carry):
        b = b0 + bi
        slot = lax.rem(bi, 4)
        drain_gathers(0)
        fire_gathers(slot, 1, 1)
        reduce_half(0, 0)
        drain_gathers(1)

        @pl.when(bi < n_per_w - 1)
        def _():
            wait_idx(lax.rem(bi + 1, 4))
            fire_gathers(lax.rem(bi + 1, 4), 0, 0)

            @pl.when(bi + 3 < n_per_w)
            def _():
                fire_idx(bi + 3, lax.rem(bi + 3, 4))

        reduce_half(1, 1)
        pltpu.sync_copy(out_v, out_hbm.at[pl.ds(b * n_orow, n_orow)])
        return carry

    lax.fori_loop(0, n_per_w, batch_body, 0)


def kernel(codes, tables):
    B, N, L = codes.shape
    D = tables.shape[-1]
    C = L // 2
    codes3 = codes.reshape(B, 2 * N, C)

    k = pl.kernel(
        _sc_body,
        out_type=jax.ShapeDtypeStruct(((B * L * D) // 128, 128), tables.dtype),
        mesh=plsc.VectorSubcoreMesh(core_axis_name="c", subcore_axis_name="s"),
        compiler_params=pltpu.CompilerParams(use_tc_tiling_on_sc=False),
        scratch_types=[
            pltpu.VMEM((4, 2 * N, C), jnp.int32),
            pltpu.VMEM((2, N, C, D), jnp.float32),
            pltpu.VMEM(((L * D) // 128, 128), jnp.float32),
            pltpu.SemaphoreType.DMA,
            pltpu.SemaphoreType.DMA,
            pltpu.SemaphoreType.DMA,
        ],
    )
    return k(codes3, *[tables[j] for j in range(N)]).reshape(B, L, D)

# --- scband reference (transcript-rebuilt; emitter-appended) ---
"""Pipeline reference for scband-very-simple-codebook-embedding-30520037605439 (READ-ONLY COPY).

The authoritative reference and input builder live on the scoring server;
editing this copy changes nothing except your own understanding.
"""

import jax, jax.numpy as jnp
import numpy as np

N_CODEBOOKS = 8
VOCAB = 100000
D_MODEL = 64
B = 1024
L = 200


def setup_inputs(seed: int = 0) -> dict:
    key = jax.random.key(seed)
    k1, k2 = jax.random.split(key)
    codes = jax.random.randint(k1, (B, N_CODEBOOKS, L), 0, VOCAB + 1, dtype=jnp.int32)
    # Learned parameters: one embedding table per codebook, stacked.
    tables = jax.random.normal(k2, (N_CODEBOOKS, VOCAB + 1, D_MODEL), dtype=jnp.float32) * 0.02
    return {"codes": codes, "tables": tables}


def reference(codes, tables):
    batch_size, n_codebooks, seq_len = codes.shape
    d_model = tables.shape[-1]
    output = jnp.zeros((batch_size, seq_len, d_model), dtype=tables.dtype)
    for i in range(n_codebooks):
        cb_codes = codes[:, i, :]
        cb_embed = jnp.take(tables[i], cb_codes, axis=0)
        output = output + cb_embed
    return output

if __name__ == "__main__":
    import jax
    _d = setup_inputs()
    print(jax.jit(kernel)(*tuple(_d.values())))

</pallas_src>

<mosaic_0001>
#map = affine_map<(d0, d1) -> (0, 0, 0)>
#map1 = affine_map<(d0, d1) -> (0, 0)>
module attributes {stable_mosaic.version = 14 : i64} {
  func.func @_sc_body(%arg0: i32, %arg1: i32, %arg2: memref<1024x16x100xi32, #tpu.memory_space<hbm>>, %arg3: memref<100001x64xf32, #tpu.memory_space<hbm>>, %arg4: memref<100001x64xf32, #tpu.memory_space<hbm>>, %arg5: memref<100001x64xf32, #tpu.memory_space<hbm>>, %arg6: memref<100001x64xf32, #tpu.memory_space<hbm>>, %arg7: memref<100001x64xf32, #tpu.memory_space<hbm>>, %arg8: memref<100001x64xf32, #tpu.memory_space<hbm>>, %arg9: memref<100001x64xf32, #tpu.memory_space<hbm>>, %arg10: memref<100001x64xf32, #tpu.memory_space<hbm>>, %arg11: memref<102400x128xf32, #tpu.memory_space<hbm>>, %arg12: memref<4x16x100xi32, #tpu.memory_space<vmem>>, %arg13: memref<2x8x100x64xf32, #tpu.memory_space<vmem>>, %arg14: memref<100x128xf32, #tpu.memory_space<vmem>>, %arg15: memref<!tpu.dma_semaphore, #tpu.memory_space<semaphore_mem>>, %arg16: memref<!tpu.dma_semaphore, #tpu.memory_space<semaphore_mem>>, %arg17: memref<!tpu.dma_semaphore, #tpu.memory_space<semaphore_mem>>) attributes {dimension_semantics = [#tpu.dimension_semantics<core_parallel>, #tpu.dimension_semantics<subcore_parallel>], iteration_bounds = array<i64: 2, 16>, scalar_prefetch = 0 : i64, scratch_operands = 6 : i64, tpu.core_type = #tpu.core_type<sc_vector_subcore>, window_params = [{transform_indices = #map}, {transform_indices = #map1}, {transform_indices = #map1}, {transform_indices = #map1}, {transform_indices = #map1}, {transform_indices = #map1}, {transform_indices = #map1}, {transform_indices = #map1}, {transform_indices = #map1}, {transform_indices = #map1}]} {
    %mul3A = arith.constant 2 : i32
    %mul3A_0 = arith.muli %arg1, %mul3A : i32
    %add3A = arith.addi %mul3A_0, %arg0 : i32
    %mul3A_1 = arith.constant 32 : i32
    %mul3A_2 = arith.muli %add3A, %mul3A_1 : i32
    %run_scoped3A = arith.constant 0 : i32
    "tpu.region"() ({
      %run_scoped3A_157 = tpu.sem_alloc : memref<!tpu.dma_semaphore, #tpu.memory_space<semaphore_mem>>
      %dma_start3A_158 = arith.constant 0 : i32
      %dma_start3A_159 = arith.constant 0 : i32
      %dma_start3A_160 = tpu.memref_slice %arg12[%run_scoped3A, %dma_start3A_158, %dma_start3A_159] : memref<4x16x100xi32, #tpu.memory_space<vmem>> -> memref<1x16x100xi32, #tpu.memory_space<vmem>>
      %dma_start3A_161 = tpu.memref_squeeze %dma_start3A_160 : memref<1x16x100xi32, #tpu.memory_space<vmem>> -> memref<16x100xi32, #tpu.memory_space<vmem>>
      %dma_start3A_162 = arith.constant 0 : i32
      %dma_start3A_163 = arith.constant 0 : i32
      %dma_start3A_164 = tpu.memref_slice %arg2[%mul3A_2, %dma_start3A_162, %dma_start3A_163] : memref<1024x16x100xi32, #tpu.memory_space<hbm>> -> memref<1x16x100xi32, #tpu.memory_space<hbm>>
      %dma_start3A_165 = tpu.memref_squeeze %dma_start3A_164 : memref<1x16x100xi32, #tpu.memory_space<hbm>> -> memref<16x100xi32, #tpu.memory_space<hbm>>
      %dma_start3A_166 = arith.constant 0 : i32
      %dma_start3A_167 = arith.constant 0 : i32
      %dma_start3A_168 = tpu.memref_slice %arg12[%run_scoped3A, %dma_start3A_166, %dma_start3A_167] : memref<4x16x100xi32, #tpu.memory_space<vmem>> -> memref<1x16x100xi32, #tpu.memory_space<vmem>>
      %dma_start3A_169 = tpu.memref_squeeze %dma_start3A_168 : memref<1x16x100xi32, #tpu.memory_space<vmem>> -> memref<16x100xi32, #tpu.memory_space<vmem>>
      %dma_start3A_170 = arith.constant 0 : i32
      %dma_start3A_171 = arith.constant 0 : i32
      %dma_start3A_172 = tpu.memref_slice %arg2[%mul3A_2, %dma_start3A_170, %dma_start3A_171] : memref<1024x16x100xi32, #tpu.memory_space<hbm>> -> memref<1x16x100xi32, #tpu.memory_space<hbm>>
      %dma_start3A_173 = tpu.memref_squeeze %dma_start3A_172 : memref<1x16x100xi32, #tpu.memory_space<hbm>> -> memref<16x100xi32, #tpu.memory_space<hbm>>
      tpu.enqueue_dma source(%dma_start3A_173 : memref<16x100xi32, #tpu.memory_space<hbm>>) target(%dma_start3A_169 : memref<16x100xi32, #tpu.memory_space<vmem>>) target_semaphore(%run_scoped3A_157 : memref<!tpu.dma_semaphore, #tpu.memory_space<semaphore_mem>>)
      %dma_wait3A = arith.constant 0 : i32
      %dma_wait3A_174 = arith.constant 0 : i32
      %dma_wait3A_175 = tpu.memref_slice %arg12[%run_scoped3A, %dma_wait3A, %dma_wait3A_174] : memref<4x16x100xi32, #tpu.memory_space<vmem>> -> memref<1x16x100xi32, #tpu.memory_space<vmem>>
      %dma_wait3A_176 = tpu.memref_squeeze %dma_wait3A_175 : memref<1x16x100xi32, #tpu.memory_space<vmem>> -> memref<16x100xi32, #tpu.memory_space<vmem>>
      %dma_wait3A_177 = arith.constant 0 : i32
      %dma_wait3A_178 = arith.constant 0 : i32
      %dma_wait3A_179 = tpu.memref_slice %arg2[%mul3A_2, %dma_wait3A_177, %dma_wait3A_178] : memref<1024x16x100xi32, #tpu.memory_space<hbm>> -> memref<1x16x100xi32, #tpu.memory_space<hbm>>
      %dma_wait3A_180 = tpu.memref_squeeze %dma_wait3A_179 : memref<1x16x100xi32, #tpu.memory_space<hbm>> -> memref<16x100xi32, #tpu.memory_space<hbm>>
      %dma_wait3A_181 = arith.constant 0 : i32
      %dma_wait3A_182 = arith.constant 0 : i32
      %dma_wait3A_183 = tpu.memref_slice %arg12[%run_scoped3A, %dma_wait3A_181, %dma_wait3A_182] : memref<4x16x100xi32, #tpu.memory_space<vmem>> -> memref<1x16x100xi32, #tpu.memory_space<vmem>>
      %dma_wait3A_184 = tpu.memref_squeeze %dma_wait3A_183 : memref<1x16x100xi32, #tpu.memory_space<vmem>> -> memref<16x100xi32, #tpu.memory_space<vmem>>
      %dma_wait3A_185 = arith.constant 0 : i32
      %dma_wait3A_186 = arith.constant 0 : i32
      %dma_wait3A_187 = tpu.memref_slice %arg2[%mul3A_2, %dma_wait3A_185, %dma_wait3A_186] : memref<1024x16x100xi32, #tpu.memory_space<hbm>> -> memref<1x16x100xi32, #tpu.memory_space<hbm>>
      %dma_wait3A_188 = tpu.memref_squeeze %dma_wait3A_187 : memref<1x16x100xi32, #tpu.memory_space<hbm>> -> memref<16x100xi32, #tpu.memory_space<hbm>>
      tpu.wait_dma2 semaphore(%run_scoped3A_157 : memref<!tpu.dma_semaphore, #tpu.memory_space<semaphore_mem>>) src(%dma_wait3A_188 : memref<16x100xi32, #tpu.memory_space<hbm>>) dst(%dma_wait3A_184 : memref<16x100xi32, #tpu.memory_space<vmem>>)
      tpu.yield
    }) : () -> ()
    %dma_start3A = arith.constant 0 : i32
    %dma_start3A_3 = arith.constant 0 : i32
    %dma_start3A_4 = arith.constant 0 : i32
    %dma_start3A_5 = arith.constant 0 : i32
    %dma_start3A_6 = arith.constant 0 : i32
    %dma_start3A_7 = arith.constant 0 : i32
    %dma_start3A_8 = tpu.memref_slice %arg13[%dma_start3A_4, %dma_start3A_5, %dma_start3A_6, %dma_start3A_7] : memref<2x8x100x64xf32, #tpu.memory_space<vmem>> -> memref<1x1x100x64xf32, #tpu.memory_space<vmem>>
    %dma_start3A_9 = tpu.memref_squeeze %dma_start3A_8 : memref<1x1x100x64xf32, #tpu.memory_space<vmem>> -> memref<100x64xf32, #tpu.memory_space<vmem>>
    %dma_start3A_10 = arith.constant 0 : i32
    %dma_start3A_11 = tpu.memref_slice %arg12[%dma_start3A, %dma_start3A_3, %dma_start3A_10] : memref<4x16x100xi32, #tpu.memory_space<vmem>> -> memref<1x1x100xi32, #tpu.memory_space<vmem>>
    %dma_start3A_12 = tpu.memref_squeeze %dma_start3A_11 : memref<1x1x100xi32, #tpu.memory_space<vmem>> -> memref<100xi32, #tpu.memory_space<vmem>>
    %dma_start3A_13 = arith.constant 0 : i32
    %dma_start3A_14 = arith.constant 0 : i32
    %dma_start3A_15 = tpu.memref_slice %arg3[%dma_start3A_13, %dma_start3A_14] : memref<100001x64xf32, #tpu.memory_space<hbm>> -> memref<100001x64xf32, #tpu.memory_space<hbm>>
    tpu.enqueue_indirect_dma source(%dma_start3A_15 : memref<100001x64xf32, #tpu.memory_space<hbm>>) target(%dma_start3A_9 : memref<100x64xf32, #tpu.memory_space<vmem>>) offsets(%dma_start3A_12 : memref<100xi32, #tpu.memory_space<vmem>>) semaphore(%arg16 : memref<!tpu.dma_semaphore, #tpu.memory_space<semaphore_mem>>)
    %dma_start3A_16 = arith.constant 0 : i32
    %dma_start3A_17 = arith.constant 2 : i32
    %dma_start3A_18 = arith.constant 0 : i32
    %dma_start3A_19 = arith.constant 1 : i32
    %dma_start3A_20 = arith.constant 0 : i32
    %dma_start3A_21 = arith.constant 0 : i32
    %dma_start3A_22 = tpu.memref_slice %arg13[%dma_start3A_18, %dma_start3A_19, %dma_start3A_20, %dma_start3A_21] : memref<2x8x100x64xf32, #tpu.memory_space<vmem>> -> memref<1x1x100x64xf32, #tpu.memory_space<vmem>>
    %dma_start3A_23 = tpu.memref_squeeze %dma_start3A_22 : memref<1x1x100x64xf32, #tpu.memory_space<vmem>> -> memref<100x64xf32, #tpu.memory_space<vmem>>
    %dma_start3A_24 = arith.constant 0 : i32
    %dma_start3A_25 = tpu.memref_slice %arg12[%dma_start3A_16, %dma_start3A_17, %dma_start3A_24] : memref<4x16x100xi32, #tpu.memory_space<vmem>> -> memref<1x1x100xi32, #tpu.memory_space<vmem>>
    %dma_start3A_26 = tpu.memref_squeeze %dma_start3A_25 : memref<1x1x100xi32, #tpu.memory_space<vmem>> -> memref<100xi32, #tpu.memory_space<vmem>>
    %dma_start3A_27 = arith.constant 0 : i32
    %dma_start3A_28 = arith.constant 0 : i32
    %dma_start3A_29 = tpu.memref_slice %arg4[%dma_start3A_27, %dma_start3A_28] : memref<100001x64xf32, #tpu.memory_space<hbm>> -> memref<100001x64xf32, #tpu.memory_space<hbm>>
    tpu.enqueue_indirect_dma source(%dma_start3A_29 : memref<100001x64xf32, #tpu.memory_space<hbm>>) target(%dma_start3A_23 : memref<100x64xf32, #tpu.memory_space<vmem>>) offsets(%dma_start3A_26 : memref<100xi32, #tpu.memory_space<vmem>>) semaphore(%arg16 : memref<!tpu.dma_semaphore, #tpu.memory_space<semaphore_mem>>)
    %dma_start3A_30 = arith.constant 0 : i32
    %dma_start3A_31 = arith.constant 4 : i32
    %dma_start3A_32 = arith.constant 0 : i32
    %dma_start3A_33 = arith.constant 2 : i32
    %dma_start3A_34 = arith.constant 0 : i32
    %dma_start3A_35 = arith.constant 0 : i32
    %dma_start3A_36 = tpu.memref_slice %arg13[%dma_start3A_32, %dma_start3A_33, %dma_start3A_34, %dma_start3A_35] : memref<2x8x100x64xf32, #tpu.memory_space<vmem>> -> memref<1x1x100x64xf32, #tpu.memory_space<vmem>>
    %dma_start3A_37 = tpu.memref_squeeze %dma_start3A_36 : memref<1x1x100x64xf32, #tpu.memory_space<vmem>> -> memref<100x64xf32, #tpu.memory_space<vmem>>
    %dma_start3A_38 = arith.constant 0 : i32
    %dma_start3A_39 = tpu.memref_slice %arg12[%dma_start3A_30, %dma_start3A_31, %dma_start3A_38] : memref<4x16x100xi32, #tpu.memory_space<vmem>> -> memref<1x1x100xi32, #tpu.memory_space<vmem>>
    %dma_start3A_40 = tpu.memref_squeeze %dma_start3A_39 : memref<1x1x100xi32, #tpu.memory_space<vmem>> -> memref<100xi32, #tpu.memory_space<vmem>>
    %dma_start3A_41 = arith.constant 0 : i32
    %dma_start3A_42 = arith.constant 0 : i32
    %dma_start3A_43 = tpu.memref_slice %arg5[%dma_start3A_41, %dma_start3A_42] : memref<100001x64xf32, #tpu.memory_space<hbm>> -> memref<100001x64xf32, #tpu.memory_space<hbm>>
    tpu.enqueue_indirect_dma source(%dma_start3A_43 : memref<100001x64xf32, #tpu.memory_space<hbm>>) target(%dma_start3A_37 : memref<100x64xf32, #tpu.memory_space<vmem>>) offsets(%dma_start3A_40 : memref<100xi32, #tpu.memory_space<vmem>>) semaphore(%arg16 : memref<!tpu.dma_semaphore, #tpu.memory_space<semaphore_mem>>)
    %dma_start3A_44 = arith.constant 0 : i32
    %dma_start3A_45 = arith.constant 6 : i32
    %dma_start3A_46 = arith.constant 0 : i32
    %dma_start3A_47 = arith.constant 3 : i32
    %dma_start3A_48 = arith.constant 0 : i32
    %dma_start3A_49 = arith.constant 0 : i32
    %dma_start3A_50 = tpu.memref_slice %arg13[%dma_start3A_46, %dma_start3A_47, %dma_start3A_48, %dma_start3A_49] : memref<2x8x100x64xf32, #tpu.memory_space<vmem>> -> memref<1x1x100x64xf32, #tpu.memory_space<vmem>>
    %dma_start3A_51 = tpu.memref_squeeze %dma_start3A_50 : memref<1x1x100x64xf32, #tpu.memory_space<vmem>> -> memref<100x64xf32, #tpu.memory_space<vmem>>
    %dma_start3A_52 = arith.constant 0 : i32
    %dma_start3A_53 = tpu.memref_slice %arg12[%dma_start3A_44, %dma_start3A_45, %dma_start3A_52] : memref<4x16x100xi32, #tpu.memory_space<vmem>> -> memref<1x1x100xi32, #tpu.memory_space<vmem>>
    %dma_start3A_54 = tpu.memref_squeeze %dma_start3A_53 : memref<1x1x100xi32, #tpu.memory_space<vmem>> -> memref<100xi32, #tpu.memory_space<vmem>>
    %dma_start3A_55 = arith.constant 0 : i32
    %dma_start3A_56 = arith.constant 0 : i32
    %dma_start3A_57 = tpu.memref_slice %arg6[%dma_start3A_55, %dma_start3A_56] : memref<100001x64xf32, #tpu.memory_space<hbm>> -> memref<100001x64xf32, #tpu.memory_space<hbm>>
    tpu.enqueue_indirect_dma source(%dma_start3A_57 : memref<100001x64xf32, #tpu.memory_space<hbm>>) target(%dma_start3A_51 : memref<100x64xf32, #tpu.memory_space<vmem>>) offsets(%dma_start3A_54 : memref<100xi32, #tpu.memory_space<vmem>>) semaphore(%arg16 : memref<!tpu.dma_semaphore, #tpu.memory_space<semaphore_mem>>)
    %dma_start3A_58 = arith.constant 0 : i32
    %dma_start3A_59 = arith.constant 8 : i32
    %dma_start3A_60 = arith.constant 0 : i32
    %dma_start3A_61 = arith.constant 4 : i32
    %dma_start3A_62 = arith.constant 0 : i32
    %dma_start3A_63 = arith.constant 0 : i32
    %dma_start3A_64 = tpu.memref_slice %arg13[%dma_start3A_60, %dma_start3A_61, %dma_start3A_62, %dma_start3A_63] : memref<2x8x100x64xf32, #tpu.memory_space<vmem>> -> memref<1x1x100x64xf32, #tpu.memory_space<vmem>>
    %dma_start3A_65 = tpu.memref_squeeze %dma_start3A_64 : memref<1x1x100x64xf32, #tpu.memory_space<vmem>> -> memref<100x64xf32, #tpu.memory_space<vmem>>
    %dma_start3A_66 = arith.constant 0 : i32
    %dma_start3A_67 = tpu.memref_slice %arg12[%dma_start3A_58, %dma_start3A_59, %dma_start3A_66] : memref<4x16x100xi32, #tpu.memory_space<vmem>> -> memref<1x1x100xi32, #tpu.memory_space<vmem>>
    %dma_start3A_68 = tpu.memref_squeeze %dma_start3A_67 : memref<1x1x100xi32, #tpu.memory_space<vmem>> -> memref<100xi32, #tpu.memory_space<vmem>>
    %dma_start3A_69 = arith.constant 0 : i32
    %dma_start3A_70 = arith.constant 0 : i32
    %dma_start3A_71 = tpu.memref_slice %arg7[%dma_start3A_69, %dma_start3A_70] : memref<100001x64xf32, #tpu.memory_space<hbm>> -> memref<100001x64xf32, #tpu.memory_space<hbm>>
    tpu.enqueue_indirect_dma source(%dma_start3A_71 : memref<100001x64xf32, #tpu.memory_space<hbm>>) target(%dma_start3A_65 : memref<100x64xf32, #tpu.memory_space<vmem>>) offsets(%dma_start3A_68 : memref<100xi32, #tpu.memory_space<vmem>>) semaphore(%arg16 : memref<!tpu.dma_semaphore, #tpu.memory_space<semaphore_mem>>)
    %dma_start3A_72 = arith.constant 0 : i32
    %dma_start3A_73 = arith.constant 10 : i32
    %dma_start3A_74 = arith.constant 0 : i32
    %dma_start3A_75 = arith.constant 5 : i32
    %dma_start3A_76 = arith.constant 0 : i32
    %dma_start3A_77 = arith.constant 0 : i32
    %dma_start3A_78 = tpu.memref_slice %arg13[%dma_start3A_74, %dma_start3A_75, %dma_start3A_76, %dma_start3A_77] : memref<2x8x100x64xf32, #tpu.memory_space<vmem>> -> memref<1x1x100x64xf32, #tpu.memory_space<vmem>>
    %dma_start3A_79 = tpu.memref_squeeze %dma_start3A_78 : memref<1x1x100x64xf32, #tpu.memory_space<vmem>> -> memref<100x64xf32, #tpu.memory_space<vmem>>
    %dma_start3A_80 = arith.constant 0 : i32
    %dma_start3A_81 = tpu.memref_slice %arg12[%dma_start3A_72, %dma_start3A_73, %dma_start3A_80] : memref<4x16x100xi32, #tpu.memory_space<vmem>> -> memref<1x1x100xi32, #tpu.memory_space<vmem>>
    %dma_start3A_82 = tpu.memref_squeeze %dma_start3A_81 : memref<1x1x100xi32, #tpu.memory_space<vmem>> -> memref<100xi32, #tpu.memory_space<vmem>>
    %dma_start3A_83 = arith.constant 0 : i32
    %dma_start3A_84 = arith.constant 0 : i32
    %dma_start3A_85 = tpu.memref_slice %arg8[%dma_start3A_83, %dma_start3A_84] : memref<100001x64xf32, #tpu.memory_space<hbm>> -> memref<100001x64xf32, #tpu.memory_space<hbm>>
    tpu.enqueue_indirect_dma source(%dma_start3A_85 : memref<100001x64xf32, #tpu.memory_space<hbm>>) target(%dma_start3A_79 : memref<100x64xf32, #tpu.memory_space<vmem>>) offsets(%dma_start3A_82 : memref<100xi32, #tpu.memory_space<vmem>>) semaphore(%arg16 : memref<!tpu.dma_semaphore, #tpu.memory_space<semaphore_mem>>)
    %dma_start3A_86 = arith.constant 0 : i32
    %dma_start3A_87 = arith.constant 12 : i32
    %dma_start3A_88 = arith.constant 0 : i32
    %dma_start3A_89 = arith.constant 6 : i32
    %dma_start3A_90 = arith.constant 0 : i32
    %dma_start3A_91 = arith.constant 0 : i32
    %dma_start3A_92 = tpu.memref_slice %arg13[%dma_start3A_88, %dma_start3A_89, %dma_start3A_90, %dma_start3A_91] : memref<2x8x100x64xf32, #tpu.memory_space<vmem>> -> memref<1x1x100x64xf32, #tpu.memory_space<vmem>>
    %dma_start3A_93 = tpu.memref_squeeze %dma_start3A_92 : memref<1x1x100x64xf32, #tpu.memory_space<vmem>> -> memref<100x64xf32, #tpu.memory_space<vmem>>
    %dma_start3A_94 = arith.constant 0 : i32
    %dma_start3A_95 = tpu.memref_slice %arg12[%dma_start3A_86, %dma_start3A_87, %dma_start3A_94] : memref<4x16x100xi32, #tpu.memory_space<vmem>> -> memref<1x1x100xi32, #tpu.memory_space<vmem>>
    %dma_start3A_96 = tpu.memref_squeeze %dma_start3A_95 : memref<1x1x100xi32, #tpu.memory_space<vmem>> -> memref<100xi32, #tpu.memory_space<vmem>>
    %dma_start3A_97 = arith.constant 0 : i32
    %dma_start3A_98 = arith.constant 0 : i32
    %dma_start3A_99 = tpu.memref_slice %arg9[%dma_start3A_97, %dma_start3A_98] : memref<100001x64xf32, #tpu.memory_space<hbm>> -> memref<100001x64xf32, #tpu.memory_space<hbm>>
    tpu.enqueue_indirect_dma source(%dma_start3A_99 : memref<100001x64xf32, #tpu.memory_space<hbm>>) target(%dma_start3A_93 : memref<100x64xf32, #tpu.memory_space<vmem>>) offsets(%dma_start3A_96 : memref<100xi32, #tpu.memory_space<vmem>>) semaphore(%arg16 : memref<!tpu.dma_semaphore, #tpu.memory_space<semaphore_mem>>)
    %dma_start3A_100 = arith.constant 0 : i32
    %dma_start3A_101 = arith.constant 14 : i32
    %dma_start3A_102 = arith.constant 0 : i32
    %dma_start3A_103 = arith.constant 7 : i32
    %dma_start3A_104 = arith.constant 0 : i32
    %dma_start3A_105 = arith.constant 0 : i32
    %dma_start3A_106 = tpu.memref_slice %arg13[%dma_start3A_102, %dma_start3A_103, %dma_start3A_104, %dma_start3A_105] : memref<2x8x100x64xf32, #tpu.memory_space<vmem>> -> memref<1x1x100x64xf32, #tpu.memory_space<vmem>>
    %dma_start3A_107 = tpu.memref_squeeze %dma_start3A_106 : memref<1x1x100x64xf32, #tpu.memory_space<vmem>> -> memref<100x64xf32, #tpu.memory_space<vmem>>
    %dma_start3A_108 = arith.constant 0 : i32
    %dma_start3A_109 = tpu.memref_slice %arg12[%dma_start3A_100, %dma_start3A_101, %dma_start3A_108] : memref<4x16x100xi32, #tpu.memory_space<vmem>> -> memref<1x1x100xi32, #tpu.memory_space<vmem>>
    %dma_start3A_110 = tpu.memref_squeeze %dma_start3A_109 : memref<1x1x100xi32, #tpu.memory_space<vmem>> -> memref<100xi32, #tpu.memory_space<vmem>>
    %dma_start3A_111 = arith.constant 0 : i32
    %dma_start3A_112 = arith.constant 0 : i32
    %dma_start3A_113 = tpu.memref_slice %arg10[%dma_start3A_111, %dma_start3A_112] : memref<100001x64xf32, #tpu.memory_space<hbm>> -> memref<100001x64xf32, #tpu.memory_space<hbm>>
    tpu.enqueue_indirect_dma source(%dma_start3A_113 : memref<100001x64xf32, #tpu.memory_space<hbm>>) target(%dma_start3A_107 : memref<100x64xf32, #tpu.memory_space<vmem>>) offsets(%dma_start3A_110 : memref<100xi32, #tpu.memory_space<vmem>>) semaphore(%arg16 : memref<!tpu.dma_semaphore, #tpu.memory_space<semaphore_mem>>)
    %add3A_114 = arith.constant 1 : i32
    %add3A_115 = arith.addi %mul3A_2, %add3A_114 : i32
    %dma_start3A_116 = arith.constant 1 : i32
    %dma_start3A_117 = arith.constant 0 : i32
    %dma_start3A_118 = arith.constant 0 : i32
    %dma_start3A_119 = tpu.memref_slice %arg12[%dma_start3A_116, %dma_start3A_117, %dma_start3A_118] : memref<4x16x100xi32, #tpu.memory_space<vmem>> -> memref<1x16x100xi32, #tpu.memory_space<vmem>>
    %dma_start3A_120 = tpu.memref_squeeze %dma_start3A_119 : memref<1x16x100xi32, #tpu.memory_space<vmem>> -> memref<16x100xi32, #tpu.memory_space<vmem>>
    %dma_start3A_121 = arith.constant 0 : i32
    %dma_start3A_122 = arith.constant 0 : i32
    %dma_start3A_123 = tpu.memref_slice %arg2[%add3A_115, %dma_start3A_121, %dma_start3A_122] : memref<1024x16x100xi32, #tpu.memory_space<hbm>> -> memref<1x16x100xi32, #tpu.memory_space<hbm>>
    %dma_start3A_124 = tpu.memref_squeeze %dma_start3A_123 : memref<1x16x100xi32, #tpu.memory_space<hbm>> -> memref<16x100xi32, #tpu.memory_space<hbm>>
    %dma_start3A_125 = arith.constant 0 : i32
    %dma_start3A_126 = arith.constant 0 : i32
    %dma_start3A_127 = tpu.memref_slice %arg12[%dma_start3A_116, %dma_start3A_125, %dma_start3A_126] : memref<4x16x100xi32, #tpu.memory_space<vmem>> -> memref<1x16x100xi32, #tpu.memory_space<vmem>>
    %dma_start3A_128 = tpu.memref_squeeze %dma_start3A_127 : memref<1x16x100xi32, #tpu.memory_space<vmem>> -> memref<16x100xi32, #tpu.memory_space<vmem>>
    %dma_start3A_129 = arith.constant 0 : i32
    %dma_start3A_130 = arith.constant 0 : i32
    %dma_start3A_131 = tpu.memref_slice %arg2[%add3A_115, %dma_start3A_129, %dma_start3A_130] : memref<1024x16x100xi32, #tpu.memory_space<hbm>> -> memref<1x16x100xi32, #tpu.memory_space<hbm>>
    %dma_start3A_132 = tpu.memref_squeeze %dma_start3A_131 : memref<1x16x100xi32, #tpu.memory_space<hbm>> -> memref<16x100xi32, #tpu.memory_space<hbm>>
    tpu.enqueue_dma source(%dma_start3A_132 : memref<16x100xi32, #tpu.memory_space<hbm>>) target(%dma_start3A_128 : memref<16x100xi32, #tpu.memory_space<vmem>>) target_semaphore(%arg15 : memref<!tpu.dma_semaphore, #tpu.memory_space<semaphore_mem>>)
    %add3A_133 = arith.constant 2 : i32
    %add3A_134 = arith.addi %mul3A_2, %add3A_133 : i32
    %dma_start3A_135 = arith.constant 2 : i32
    %dma_start3A_136 = arith.constant 0 : i32
    %dma_start3A_137 = arith.constant 0 : i32
    %dma_start3A_138 = tpu.memref_slice %arg12[%dma_start3A_135, %dma_start3A_136, %dma_start3A_137] : memref<4x16x100xi32, #tpu.memory_space<vmem>> -> memref<1x16x100xi32, #tpu.memory_space<vmem>>
    %dma_start3A_139 = tpu.memref_squeeze %dma_start3A_138 : memref<1x16x100xi32, #tpu.memory_space<vmem>> -> memref<16x100xi32, #tpu.memory_space<vmem>>
    %dma_start3A_140 = arith.constant 0 : i32
    %dma_start3A_141 = arith.constant 0 : i32
    %dma_start3A_142 = tpu.memref_slice %arg2[%add3A_134, %dma_start3A_140, %dma_start3A_141] : memref<1024x16x100xi32, #tpu.memory_space<hbm>> -> memref<1x16x100xi32, #tpu.memory_space<hbm>>
    %dma_start3A_143 = tpu.memref_squeeze %dma_start3A_142 : memref<1x16x100xi32, #tpu.memory_space<hbm>> -> memref<16x100xi32, #tpu.memory_space<hbm>>
    %dma_start3A_144 = arith.constant 0 : i32
    %dma_start3A_145 = arith.constant 0 : i32
    %dma_start3A_146 = tpu.memref_slice %arg12[%dma_start3A_135, %dma_start3A_144, %dma_start3A_145] : memref<4x16x100xi32, #tpu.memory_space<vmem>> -> memref<1x16x100xi32, #tpu.memory_space<vmem>>
    %dma_start3A_147 = tpu.memref_squeeze %dma_start3A_146 : memref<1x16x100xi32, #tpu.memory_space<vmem>> -> memref<16x100xi32, #tpu.memory_space<vmem>>
    %dma_start3A_148 = arith.constant 0 : i32
    %dma_start3A_149 = arith.constant 0 : i32
    %dma_start3A_150 = tpu.memref_slice %arg2[%add3A_134, %dma_start3A_148, %dma_start3A_149] : memref<1024x16x100xi32, #tpu.memory_space<hbm>> -> memref<1x16x100xi32, #tpu.memory_space<hbm>>
    %dma_start3A_151 = tpu.memref_squeeze %dma_start3A_150 : memref<1x16x100xi32, #tpu.memory_space<hbm>> -> memref<16x100xi32, #tpu.memory_space<hbm>>
    tpu.enqueue_dma source(%dma_start3A_151 : memref<16x100xi32, #tpu.memory_space<hbm>>) target(%dma_start3A_147 : memref<16x100xi32, #tpu.memory_space<vmem>>) target_semaphore(%arg15 : memref<!tpu.dma_semaphore, #tpu.memory_space<semaphore_mem>>)
    %scan3A = arith.constant 0 : i32
    %scan3A_152 = arith.constant 0 : i32
    %scan3A_153 = arith.constant 32 : i32
    %scan3A_154 = arith.addi %scan3A_152, %scan3A_153 : i32
    %scan3A_155 = arith.constant 1 : i32
    scf.for %scan3A_157 = %scan3A_152 to %scan3A_154 step %scan3A_155  : i32 {
      %add3A_158 = arith.addi %mul3A_2, %scan3A_157 : i32
      %rem3A = arith.constant 4 : i32
      %rem3A_159 = arith.remsi %scan3A_157, %rem3A : i32
      %dma_wait3A = arith.constant 0 : i32
      %dma_wait3A_160 = arith.constant 0 : i32
      %dma_wait3A_161 = arith.constant 0 : i32
      %dma_wait3A_162 = arith.constant 0 : i32
      %dma_wait3A_163 = tpu.memref_slice %arg13[%dma_wait3A, %dma_wait3A_160, %dma_wait3A_161, %dma_wait3A_162] : memref<2x8x100x64xf32, #tpu.memory_space<vmem>> -> memref<1x1x100x64xf32, #tpu.memory_space<vmem>>
      %dma_wait3A_164 = tpu.memref_squeeze %dma_wait3A_163 : memref<1x1x100x64xf32, #tpu.memory_space<vmem>> -> memref<100x64xf32, #tpu.memory_space<vmem>>
      %dma_wait3A_165 = arith.constant 0 : i32
      %dma_wait3A_166 = arith.constant 0 : i32
      %dma_wait3A_167 = tpu.memref_slice %arg3[%dma_wait3A_165, %dma_wait3A_166] : memref<100001x64xf32, #tpu.memory_space<hbm>> -> memref<100x64xf32, #tpu.memory_space<hbm>>
      %dma_wait3A_168 = arith.constant 0 : i32
      %dma_wait3A_169 = arith.constant 0 : i32
      %dma_wait3A_170 = tpu.memref_slice %arg13[%dma_wait3A, %dma_wait3A_160, %dma_wait3A_168, %dma_wait3A_169] : memref<2x8x100x64xf32, #tpu.memory_space<vmem>> -> memref<1x1x100x64xf32, #tpu.memory_space<vmem>>
      %dma_wait3A_171 = tpu.memref_squeeze %dma_wait3A_170 : memref<1x1x100x64xf32, #tpu.memory_space<vmem>> -> memref<100x64xf32, #tpu.memory_space<vmem>>
      %dma_wait3A_172 = arith.constant 0 : i32
      %dma_wait3A_173 = arith.constant 0 : i32
      %dma_wait3A_174 = tpu.memref_slice %arg3[%dma_wait3A_172, %dma_wait3A_173] : memref<100001x64xf32, #tpu.memory_space<hbm>> -> memref<100x64xf32, #tpu.memory_space<hbm>>
      tpu.wait_dma2 semaphore(%arg16 : memref<!tpu.dma_semaphore, #tpu.memory_space<semaphore_mem>>) src(%dma_wait3A_174 : memref<100x64xf32, #tpu.memory_space<hbm>>) dst(%dma_wait3A_171 : memref<100x64xf32, #tpu.memory_space<vmem>>)
      %dma_wait3A_175 = arith.constant 0 : i32
      %dma_wait3A_176 = arith.constant 1 : i32
      %dma_wait3A_177 = arith.constant 0 : i32
      %dma_wait3A_178 = arith.constant 0 : i32
      %dma_wait3A_179 = tpu.memref_slice %arg13[%dma_wait3A_175, %dma_wait3A_176, %dma_wait3A_177, %dma_wait3A_178] : memref<2x8x100x64xf32, #tpu.memory_space<vmem>> -> memref<1x1x100x64xf32, #tpu.memory_space<vmem>>
      %dma_wait3A_180 = tpu.memref_squeeze %dma_wait3A_179 : memref<1x1x100x64xf32, #tpu.memory_space<vmem>> -> memref<100x64xf32, #tpu.memory_space<vmem>>
      %dma_wait3A_181 = arith.constant 0 : i32
      %dma_wait3A_182 = arith.constant 0 : i32
      %dma_wait3A_183 = tpu.memref_slice %arg4[%dma_wait3A_181, %dma_wait3A_182] : memref<100001x64xf32, #tpu.memory_space<hbm>> -> memref<100x64xf32, #tpu.memory_space<hbm>>
      %dma_wait3A_184 = arith.constant 0 : i32
      %dma_wait3A_185 = arith.constant 0 : i32
      %dma_wait3A_186 = tpu.memref_slice %arg13[%dma_wait3A_175, %dma_wait3A_176, %dma_wait3A_184, %dma_wait3A_185] : memref<2x8x100x64xf32, #tpu.memory_space<vmem>> -> memref<1x1x100x64xf32, #tpu.memory_space<vmem>>
      %dma_wait3A_187 = tpu.memref_squeeze %dma_wait3A_186 : memref<1x1x100x64xf32, #tpu.memory_space<vmem>> -> memref<100x64xf32, #tpu.memory_space<vmem>>
      %dma_wait3A_188 = arith.constant 0 : i32
      %dma_wait3A_189 = arith.constant 0 : i32
      %dma_wait3A_190 = tpu.memref_slice %arg4[%dma_wait3A_188, %dma_wait3A_189] : memref<100001x64xf32, #tpu.memory_space<hbm>> -> memref<100x64xf32, #tpu.memory_space<hbm>>
      tpu.wait_dma2 semaphore(%arg16 : memref<!tpu.dma_semaphore, #tpu.memory_space<semaphore_mem>>) src(%dma_wait3A_190 : memref<100x64xf32, #tpu.memory_space<hbm>>) dst(%dma_wait3A_187 : memref<100x64xf32, #tpu.memory_space<vmem>>)
      %dma_wait3A_191 = arith.constant 0 : i32
      %dma_wait3A_192 = arith.constant 2 : i32
      %dma_wait3A_193 = arith.constant 0 : i32
      %dma_wait3A_194 = arith.constant 0 : i32
      %dma_wait3A_195 = tpu.memref_slice %arg13[%dma_wait3A_191, %dma_wait3A_192, %dma_wait3A_193, %dma_wait3A_194] : memref<2x8x100x64xf32, #tpu.memory_space<vmem>> -> memref<1x1x100x64xf32, #tpu.memory_space<vmem>>
      %dma_wait3A_196 = tpu.memref_squeeze %dma_wait3A_195 : memref<1x1x100x64xf32, #tpu.memory_space<vmem>> -> memref<100x64xf32, #tpu.memory_space<vmem>>
      %dma_wait3A_197 = arith.constant 0 : i32
      %dma_wait3A_198 = arith.constant 0 : i32
      %dma_wait3A_199 = tpu.memref_slice %arg5[%dma_wait3A_197, %dma_wait3A_198] : memref<100001x64xf32, #tpu.memory_space<hbm>> -> memref<100x64xf32, #tpu.memory_space<hbm>>
      %dma_wait3A_200 = arith.constant 0 : i32
      %dma_wait3A_201 = arith.constant 0 : i32
      %dma_wait3A_202 = tpu.memref_slice %arg13[%dma_wait3A_191, %dma_wait3A_192, %dma_wait3A_200, %dma_wait3A_201] : memref<2x8x100x64xf32, #tpu.memory_space<vmem>> -> memref<1x1x100x64xf32, #tpu.memory_space<vmem>>
      %dma_wait3A_203 = tpu.memref_squeeze %dma_wait3A_202 : memref<1x1x100x64xf32, #tpu.memory_space<vmem>> -> memref<100x64xf32, #tpu.memory_space<vmem>>
      %dma_wait3A_204 = arith.constant 0 : i32
      %dma_wait3A_205 = arith.constant 0 : i32
      %dma_wait3A_206 = tpu.memref_slice %arg5[%dma_wait3A_204, %dma_wait3A_205] : memref<100001x64xf32, #tpu.memory_space<hbm>> -> memref<100x64xf32, #tpu.memory_space<hbm>>
      tpu.wait_dma2 semaphore(%arg16 : memref<!tpu.dma_semaphore, #tpu.memory_space<semaphore_mem>>) src(%dma_wait3A_206 : memref<100x64xf32, #tpu.memory_space<hbm>>) dst(%dma_wait3A_203 : memref<100x64xf32, #tpu.memory_space<vmem>>)
      %dma_wait3A_207 = arith.constant 0 : i32
      %dma_wait3A_208 = arith.constant 3 : i32
      %dma_wait3A_209 = arith.constant 0 : i32
      %dma_wait3A_210 = arith.constant 0 : i32
      %dma_wait3A_211 = tpu.memref_slice %arg13[%dma_wait3A_207, %dma_wait3A_208, %dma_wait3A_209, %dma_wait3A_210] : memref<2x8x100x64xf32, #tpu.memory_space<vmem>> -> memref<1x1x100x64xf32, #tpu.memory_space<vmem>>
      %dma_wait3A_212 = tpu.memref_squeeze %dma_wait3A_211 : memref<1x1x100x64xf32, #tpu.memory_space<vmem>> -> memref<100x64xf32, #tpu.memory_space<vmem>>
      %dma_wait3A_213 = arith.constant 0 : i32
      %dma_wait3A_214 = arith.constant 0 : i32
      %dma_wait3A_215 = tpu.memref_slice %arg6[%dma_wait3A_213, %dma_wait3A_214] : memref<100001x64xf32, #tpu.memory_space<hbm>> -> memref<100x64xf32, #tpu.memory_space<hbm>>
      %dma_wait3A_216 = arith.constant 0 : i32
      %dma_wait3A_217 = arith.constant 0 : i32
      %dma_wait3A_218 = tpu.memref_slice %arg13[%dma_wait3A_207, %dma_wait3A_208, %dma_wait3A_216, %dma_wait3A_217] : memref<2x8x100x64xf32, #tpu.memory_space<vmem>> -> memref<1x1x100x64xf32, #tpu.memory_space<vmem>>
      %dma_wait3A_219 = tpu.memref_squeeze %dma_wait3A_218 : memref<1x1x100x64xf32, #tpu.memory_space<vmem>> -> memref<100x64xf32, #tpu.memory_space<vmem>>
      %dma_wait3A_220 = arith.constant 0 : i32
      %dma_wait3A_221 = arith.constant 0 : i32
      %dma_wait3A_222 = tpu.memref_slice %arg6[%dma_wait3A_220, %dma_wait3A_221] : memref<100001x64xf32, #tpu.memory_space<hbm>> -> memref<100x64xf32, #tpu.memory_space<hbm>>
      tpu.wait_dma2 semaphore(%arg16 : memref<!tpu.dma_semaphore, #tpu.memory_space<semaphore_mem>>) src(%dma_wait3A_222 : memref<100x64xf32, #tpu.memory_space<hbm>>) dst(%dma_wait3A_219 : memref<100x64xf32, #tpu.memory_space<vmem>>)
      %dma_wait3A_223 = arith.constant 0 : i32
      %dma_wait3A_224 = arith.constant 4 : i32
      %dma_wait3A_225 = arith.constant 0 : i32
      %dma_wait3A_226 = arith.constant 0 : i32
      %dma_wait3A_227 = tpu.memref_slice %arg13[%dma_wait3A_223, %dma_wait3A_224, %dma_wait3A_225, %dma_wait3A_226] : memref<2x8x100x64xf32, #tpu.memory_space<vmem>> -> memref<1x1x100x64xf32, #tpu.memory_space<vmem>>
      %dma_wait3A_228 = tpu.memref_squeeze %dma_wait3A_227 : memref<1x1x100x64xf32, #tpu.memory_space<vmem>> -> memref<100x64xf32, #tpu.memory_space<vmem>>
      %dma_wait3A_229 = arith.constant 0 : i32
      %dma_wait3A_230 = arith.constant 0 : i32
      %dma_wait3A_231 = tpu.memref_slice %arg7[%dma_wait3A_229, %dma_wait3A_230] : memref<100001x64xf32, #tpu.memory_space<hbm>> -> memref<100x64xf32, #tpu.memory_space<hbm>>
      %dma_wait3A_232 = arith.constant 0 : i32
      %dma_wait3A_233 = arith.constant 0 : i32
      %dma_wait3A_234 = tpu.memref_slice %arg13[%dma_wait3A_223, %dma_wait3A_224, %dma_wait3A_232, %dma_wait3A_233] : memref<2x8x100x64xf32, #tpu.memory_space<vmem>> -> memref<1x1x100x64xf32, #tpu.memory_space<vmem>>
      %dma_wait3A_235 = tpu.memref_squeeze %dma_wait3A_234 : memref<1x1x100x64xf32, #tpu.memory_space<vmem>> -> memref<100x64xf32, #tpu.memory_space<vmem>>
      %dma_wait3A_236 = arith.constant 0 : i32
      %dma_wait3A_237 = arith.constant 0 : i32
      %dma_wait3A_238 = tpu.memref_slice %arg7[%dma_wait3A_236, %dma_wait3A_237] : memref<100001x64xf32, #tpu.memory_space<hbm>> -> memref<100x64xf32, #tpu.memory_space<hbm>>
      tpu.wait_dma2 semaphore(%arg16 : memref<!tpu.dma_semaphore, #tpu.memory_space<semaphore_mem>>) src(%dma_wait3A_238 : memref<100x64xf32, #tpu.memory_space<hbm>>) dst(%dma_wait3A_235 : memref<100x64xf32, #tpu.memory_space<vmem>>)
      %dma_wait3A_239 = arith.constant 0 : i32
      %dma_wait3A_240 = arith.constant 5 : i32
      %dma_wait3A_241 = arith.constant 0 : i32
      %dma_wait3A_242 = arith.constant 0 : i32
      %dma_wait3A_243 = tpu.memref_slice %arg13[%dma_wait3A_239, %dma_wait3A_240, %dma_wait3A_241, %dma_wait3A_242] : memref<2x8x100x64xf32, #tpu.memory_space<vmem>> -> memref<1x1x100x64xf32, #tpu.memory_space<vmem>>
      %dma_wait3A_244 = tpu.memref_squeeze %dma_wait3A_243 : memref<1x1x100x64xf32, #tpu.memory_space<vmem>> -> memref<100x64xf32, #tpu.memory_space<vmem>>
      %dma_wait3A_245 = arith.constant 0 : i32
      %dma_wait3A_246 = arith.constant 0 : i32
      %dma_wait3A_247 = tpu.memref_slice %arg8[%dma_wait3A_245, %dma_wait3A_246] : memref<100001x64xf32, #tpu.memory_space<hbm>> -> memref<100x64xf32, #tpu.memory_space<hbm>>
      %dma_wait3A_248 = arith.constant 0 : i32
      %dma_wait3A_249 = arith.constant 0 : i32
      %dma_wait3A_250 = tpu.memref_slice %arg13[%dma_wait3A_239, %dma_wait3A_240, %dma_wait3A_248, %dma_wait3A_249] : memref<2x8x100x64xf32, #tpu.memory_space<vmem>> -> memref<1x1x100x64xf32, #tpu.memory_space<vmem>>
      %dma_wait3A_251 = tpu.memref_squeeze %dma_wait3A_250 : memref<1x1x100x64xf32, #tpu.memory_space<vmem>> -> memref<100x64xf32, #tpu.memory_space<vmem>>
      %dma_wait3A_252 = arith.constant 0 : i32
      %dma_wait3A_253 = arith.constant 0 : i32
      %dma_wait3A_254 = tpu.memref_slice %arg8[%dma_wait3A_252, %dma_wait3A_253] : memref<100001x64xf32, #tpu.memory_space<hbm>> -> memref<100x64xf32, #tpu.memory_space<hbm>>
      tpu.wait_dma2 semaphore(%arg16 : memref<!tpu.dma_semaphore, #tpu.memory_space<semaphore_mem>>) src(%dma_wait3A_254 : memref<100x64xf32, #tpu.memory_space<hbm>>) dst(%dma_wait3A_251 : memref<100x64xf32, #tpu.memory_space<vmem>>)
      %dma_wait3A_255 = arith.constant 0 : i32
      %dma_wait3A_256 = arith.constant 6 : i32
      %dma_wait3A_257 = arith.constant 0 : i32
      %dma_wait3A_258 = arith.constant 0 : i32
      %dma_wait3A_259 = tpu.memref_slice %arg13[%dma_wait3A_255, %dma_wait3A_256, %dma_wait3A_257, %dma_wait3A_258] : memref<2x8x100x64xf32, #tpu.memory_space<vmem>> -> memref<1x1x100x64xf32, #tpu.memory_space<vmem>>
      %dma_wait3A_260 = tpu.memref_squeeze %dma_wait3A_259 : memref<1x1x100x64xf32, #tpu.memory_space<vmem>> -> memref<100x64xf32, #tpu.memory_space<vmem>>
      %dma_wait3A_261 = arith.constant 0 : i32
      %dma_wait3A_262 = arith.constant 0 : i32
      %dma_wait3A_263 = tpu.memref_slice %arg9[%dma_wait3A_261, %dma_wait3A_262] : memref<100001x64xf32, #tpu.memory_space<hbm>> -> memref<100x64xf32, #tpu.memory_space<hbm>>
      %dma_wait3A_264 = arith.constant 0 : i32
      %dma_wait3A_265 = arith.constant 0 : i32
      %dma_wait3A_266 = tpu.memref_slice %arg13[%dma_wait3A_255, %dma_wait3A_256, %dma_wait3A_264, %dma_wait3A_265] : memref<2x8x100x64xf32, #tpu.memory_space<vmem>> -> memref<1x1x100x64xf32, #tpu.memory_space<vmem>>
      %dma_wait3A_267 = tpu.memref_squeeze %dma_wait3A_266 : memref<1x1x100x64xf32, #tpu.memory_space<vmem>> -> memref<100x64xf32, #tpu.memory_space<vmem>>
      %dma_wait3A_268 = arith.constant 0 : i32
      %dma_wait3A_269 = arith.constant 0 : i32
      %dma_wait3A_270 = tpu.memref_slice %arg9[%dma_wait3A_268, %dma_wait3A_269] : memref<100001x64xf32, #tpu.memory_space<hbm>> -> memref<100x64xf32, #tpu.memory_space<hbm>>
      tpu.wait_dma2 semaphore(%arg16 : memref<!tpu.dma_semaphore, #tpu.memory_space<semaphore_mem>>) src(%dma_wait3A_270 : memref<100x64xf32, #tpu.memory_space<hbm>>) dst(%dma_wait3A_267 : memref<100x64xf32, #tpu.memory_space<vmem>>)
      %dma_wait3A_271 = arith.constant 0 : i32
      %dma_wait3A_272 = arith.constant 7 : i32
      %dma_wait3A_273 = arith.constant 0 : i32
      %dma_wait3A_274 = arith.constant 0 : i32
      %dma_wait3A_275 = tpu.memref_slice %arg13[%dma_wait3A_271, %dma_wait3A_272, %dma_wait3A_273, %dma_wait3A_274] : memref<2x8x100x64xf32, #tpu.memory_space<vmem>> -> memref<1x1x100x64xf32, #tpu.memory_space<vmem>>
      %dma_wait3A_276 = tpu.memref_squeeze %dma_wait3A_275 : memref<1x1x100x64xf32, #tpu.memory_space<vmem>> -> memref<100x64xf32, #tpu.memory_space<vmem>>
      %dma_wait3A_277 = arith.constant 0 : i32
      %dma_wait3A_278 = arith.constant 0 : i32
      %dma_wait3A_279 = tpu.memref_slice %arg10[%dma_wait3A_277, %dma_wait3A_278] : memref<100001x64xf32, #tpu.memory_space<hbm>> -> memref<100x64xf32, #tpu.memory_space<hbm>>
      %dma_wait3A_280 = arith.constant 0 : i32
      %dma_wait3A_281 = arith.constant 0 : i32
      %dma_wait3A_282 = tpu.memref_slice %arg13[%dma_wait3A_271, %dma_wait3A_272, %dma_wait3A_280, %dma_wait3A_281] : memref<2x8x100x64xf32, #tpu.memory_space<vmem>> -> memref<1x1x100x64xf32, #tpu.memory_space<vmem>>
      %dma_wait3A_283 = tpu.memref_squeeze %dma_wait3A_282 : memref<1x1x100x64xf32, #tpu.memory_space<vmem>> -> memref<100x64xf32, #tpu.memory_space<vmem>>
      %dma_wait3A_284 = arith.constant 0 : i32
      %dma_wait3A_285 = arith.constant 0 : i32
      %dma_wait3A_286 = tpu.memref_slice %arg10[%dma_wait3A_284, %dma_wait3A_285] : memref<100001x64xf32, #tpu.memory_space<hbm>> -> memref<100x64xf32, #tpu.memory_space<hbm>>
      tpu.wait_dma2 semaphore(%arg16 : memref<!tpu.dma_semaphore, #tpu.memory_space<semaphore_mem>>) src(%dma_wait3A_286 : memref<100x64xf32, #tpu.memory_space<hbm>>) dst(%dma_wait3A_283 : memref<100x64xf32, #tpu.memory_space<vmem>>)
      %dma_start3A_287 = arith.constant 1 : i32
      %dma_start3A_288 = arith.constant 1 : i32
      %dma_start3A_289 = arith.constant 0 : i32
      %dma_start3A_290 = arith.constant 0 : i32
      %dma_start3A_291 = arith.constant 0 : i32
      %dma_start3A_292 = tpu.memref_slice %arg13[%dma_start3A_288, %dma_start3A_289, %dma_start3A_290, %dma_start3A_291] : memref<2x8x100x64xf32, #tpu.memory_space<vmem>> -> memref<1x1x100x64xf32, #tpu.memory_space<vmem>>
      %dma_start3A_293 = tpu.memref_squeeze %dma_start3A_292 : memref<1x1x100x64xf32, #tpu.memory_space<vmem>> -> memref<100x64xf32, #tpu.memory_space<vmem>>
      %dma_start3A_294 = arith.constant 0 : i32
      %dma_start3A_295 = tpu.memref_slice %arg12[%rem3A_159, %dma_start3A_287, %dma_start3A_294] : memref<4x16x100xi32, #tpu.memory_space<vmem>> -> memref<1x1x100xi32, #tpu.memory_space<vmem>>
      %dma_start3A_296 = tpu.memref_squeeze %dma_start3A_295 : memref<1x1x100xi32, #tpu.memory_space<vmem>> -> memref<100xi32, #tpu.memory_space<vmem>>
      %dma_start3A_297 = arith.constant 0 : i32
      %dma_start3A_298 = arith.constant 0 : i32
      %dma_start3A_299 = tpu.memref_slice %arg3[%dma_start3A_297, %dma_start3A_298] : memref<100001x64xf32, #tpu.memory_space<hbm>> -> memref<100001x64xf32, #tpu.memory_space<hbm>>
      tpu.enqueue_indirect_dma source(%dma_start3A_299 : memref<100001x64xf32, #tpu.memory_space<hbm>>) target(%dma_start3A_293 : memref<100x64xf32, #tpu.memory_space<vmem>>) offsets(%dma_start3A_296 : memref<100xi32, #tpu.memory_space<vmem>>) semaphore(%arg17 : memref<!tpu.dma_semaphore, #tpu.memory_space<semaphore_mem>>)
      %dma_start3A_300 = arith.constant 3 : i32
      %dma_start3A_301 = arith.constant 1 : i32
      %dma_start3A_302 = arith.constant 1 : i32
      %dma_start3A_303 = arith.constant 0 : i32
      %dma_start3A_304 = arith.constant 0 : i32
      %dma_start3A_305 = tpu.memref_slice %arg13[%dma_start3A_301, %dma_start3A_302, %dma_start3A_303, %dma_start3A_304] : memref<2x8x100x64xf32, #tpu.memory_space<vmem>> -> memref<1x1x100x64xf32, #tpu.memory_space<vmem>>
      %dma_start3A_306 = tpu.memref_squeeze %dma_start3A_305 : memref<1x1x100x64xf32, #tpu.memory_space<vmem>> -> memref<100x64xf32, #tpu.memory_space<vmem>>
      %dma_start3A_307 = arith.constant 0 : i32
      %dma_start3A_308 = tpu.memref_slice %arg12[%rem3A_159, %dma_start3A_300, %dma_start3A_307] : memref<4x16x100xi32, #tpu.memory_space<vmem>> -> memref<1x1x100xi32, #tpu.memory_space<vmem>>
      %dma_start3A_309 = tpu.memref_squeeze %dma_start3A_308 : memref<1x1x100xi32, #tpu.memory_space<vmem>> -> memref<100xi32, #tpu.memory_space<vmem>>
      %dma_start3A_310 = arith.constant 0 : i32
      %dma_start3A_311 = arith.constant 0 : i32
      %dma_start3A_312 = tpu.memref_slice %arg4[%dma_start3A_310, %dma_start3A_311] : memref<100001x64xf32, #tpu.memory_space<hbm>> -> memref<100001x64xf32, #tpu.memory_space<hbm>>
      tpu.enqueue_indirect_dma source(%dma_start3A_312 : memref<100001x64xf32, #tpu.memory_space<hbm>>) target(%dma_start3A_306 : memref<100x64xf32, #tpu.memory_space<vmem>>) offsets(%dma_start3A_309 : memref<100xi32, #tpu.memory_space<vmem>>) semaphore(%arg17 : memref<!tpu.dma_semaphore, #tpu.memory_space<semaphore_mem>>)
      %dma_start3A_313 = arith.constant 5 : i32
      %dma_start3A_314 = arith.constant 1 : i32
      %dma_start3A_315 = arith.constant 2 : i32
      %dma_start3A_316 = arith.constant 0 : i32
      %dma_start3A_317 = arith.constant 0 : i32
      %dma_start3A_318 = tpu.memref_slice %arg13[%dma_start3A_314, %dma_start3A_315, %dma_start3A_316, %dma_start3A_317] : memref<2x8x100x64xf32, #tpu.memory_space<vmem>> -> memref<1x1x100x64xf32, #tpu.memory_space<vmem>>
      %dma_start3A_319 = tpu.memref_squeeze %dma_start3A_318 : memref<1x1x100x64xf32, #tpu.memory_space<vmem>> -> memref<100x64xf32, #tpu.memory_space<vmem>>
      %dma_start3A_320 = arith.constant 0 : i32
      %dma_start3A_321 = tpu.memref_slice %arg12[%rem3A_159, %dma_start3A_313, %dma_start3A_320] : memref<4x16x100xi32, #tpu.memory_space<vmem>> -> memref<1x1x100xi32, #tpu.memory_space<vmem>>
      %dma_start3A_322 = tpu.memref_squeeze %dma_start3A_321 : memref<1x1x100xi32, #tpu.memory_space<vmem>> -> memref<100xi32, #tpu.memory_space<vmem>>
      %dma_start3A_323 = arith.constant 0 : i32
      %dma_start3A_324 = arith.constant 0 : i32
      %dma_start3A_325 = tpu.memref_slice %arg5[%dma_start3A_323, %dma_start3A_324] : memref<100001x64xf32, #tpu.memory_space<hbm>> -> memref<100001x64xf32, #tpu.memory_space<hbm>>
      tpu.enqueue_indirect_dma source(%dma_start3A_325 : memref<100001x64xf32, #tpu.memory_space<hbm>>) target(%dma_start3A_319 : memref<100x64xf32, #tpu.memory_space<vmem>>) offsets(%dma_start3A_322 : memref<100xi32, #tpu.memory_space<vmem>>) semaphore(%arg17 : memref<!tpu.dma_semaphore, #tpu.memory_space<semaphore_mem>>)
      %dma_start3A_326 = arith.constant 7 : i32
      %dma_start3A_327 = arith.constant 1 : i32
      %dma_start3A_328 = arith.constant 3 : i32
      %dma_start3A_329 = arith.constant 0 : i32
      %dma_start3A_330 = arith.constant 0 : i32
      %dma_start3A_331 = tpu.memref_slice %arg13[%dma_start3A_327, %dma_start3A_328, %dma_start3A_329, %dma_start3A_330] : memref<2x8x100x64xf32, #tpu.memory_space<vmem>> -> memref<1x1x100x64xf32, #tpu.memory_space<vmem>>
      %dma_start3A_332 = tpu.memref_squeeze %dma_start3A_331 : memref<1x1x100x64xf32, #tpu.memory_space<vmem>> -> memref<100x64xf32, #tpu.memory_space<vmem>>
      %dma_start3A_333 = arith.constant 0 : i32
      %dma_start3A_334 = tpu.memref_slice %arg12[%rem3A_159, %dma_start3A_326, %dma_start3A_333] : memref<4x16x100xi32, #tpu.memory_space<vmem>> -> memref<1x1x100xi32, #tpu.memory_space<vmem>>
      %dma_start3A_335 = tpu.memref_squeeze %dma_start3A_334 : memref<1x1x100xi32, #tpu.memory_space<vmem>> -> memref<100xi32, #tpu.memory_space<vmem>>
      %dma_start3A_336 = arith.constant 0 : i32
      %dma_start3A_337 = arith.constant 0 : i32
      %dma_start3A_338 = tpu.memref_slice %arg6[%dma_start3A_336, %dma_start3A_337] : memref<100001x64xf32, #tpu.memory_space<hbm>> -> memref<100001x64xf32, #tpu.memory_space<hbm>>
      tpu.enqueue_indirect_dma source(%dma_start3A_338 : memref<100001x64xf32, #tpu.memory_space<hbm>>) target(%dma_start3A_332 : memref<100x64xf32, #tpu.memory_space<vmem>>) offsets(%dma_start3A_335 : memref<100xi32, #tpu.memory_space<vmem>>) semaphore(%arg17 : memref<!tpu.dma_semaphore, #tpu.memory_space<semaphore_mem>>)
      %dma_start3A_339 = arith.constant 9 : i32
      %dma_start3A_340 = arith.constant 1 : i32
      %dma_start3A_341 = arith.constant 4 : i32
      %dma_start3A_342 = arith.constant 0 : i32
      %dma_start3A_343 = arith.constant 0 : i32
      %dma_start3A_344 = tpu.memref_slice %arg13[%dma_start3A_340, %dma_start3A_341, %dma_start3A_342, %dma_start3A_343] : memref<2x8x100x64xf32, #tpu.memory_space<vmem>> -> memref<1x1x100x64xf32, #tpu.memory_space<vmem>>
      %dma_start3A_345 = tpu.memref_squeeze %dma_start3A_344 : memref<1x1x100x64xf32, #tpu.memory_space<vmem>> -> memref<100x64xf32, #tpu.memory_space<vmem>>
      %dma_start3A_346 = arith.constant 0 : i32
      %dma_start3A_347 = tpu.memref_slice %arg12[%rem3A_159, %dma_start3A_339, %dma_start3A_346] : memref<4x16x100xi32, #tpu.memory_space<vmem>> -> memref<1x1x100xi32, #tpu.memory_space<vmem>>
      %dma_start3A_348 = tpu.memref_squeeze %dma_start3A_347 : memref<1x1x100xi32, #tpu.memory_space<vmem>> -> memref<100xi32, #tpu.memory_space<vmem>>
      %dma_start3A_349 = arith.constant 0 : i32
      %dma_start3A_350 = arith.constant 0 : i32
      %dma_start3A_351 = tpu.memref_slice %arg7[%dma_start3A_349, %dma_start3A_350] : memref<100001x64xf32, #tpu.memory_space<hbm>> -> memref<100001x64xf32, #tpu.memory_space<hbm>>
      tpu.enqueue_indirect_dma source(%dma_start3A_351 : memref<100001x64xf32, #tpu.memory_space<hbm>>) target(%dma_start3A_345 : memref<100x64xf32, #tpu.memory_space<vmem>>) offsets(%dma_start3A_348 : memref<100xi32, #tpu.memory_space<vmem>>) semaphore(%arg17 : memref<!tpu.dma_semaphore, #tpu.memory_space<semaphore_mem>>)
      %dma_start3A_352 = arith.constant 11 : i32
      %dma_start3A_353 = arith.constant 1 : i32
      %dma_start3A_354 = arith.constant 5 : i32
      %dma_start3A_355 = arith.constant 0 : i32
      %dma_start3A_356 = arith.constant 0 : i32
      %dma_start3A_357 = tpu.memref_slice %arg13[%dma_start3A_353, %dma_start3A_354, %dma_start3A_355, %dma_start3A_356] : memref<2x8x100x64xf32, #tpu.memory_space<vmem>> -> memref<1x1x100x64xf32, #tpu.memory_space<vmem>>
      %dma_start3A_358 = tpu.memref_squeeze %dma_start3A_357 : memref<1x1x100x64xf32, #tpu.memory_space<vmem>> -> memref<100x64xf32, #tpu.memory_space<vmem>>
      %dma_start3A_359 = arith.constant 0 : i32
      %dma_start3A_360 = tpu.memref_slice %arg12[%rem3A_159, %dma_start3A_352, %dma_start3A_359] : memref<4x16x100xi32, #tpu.memory_space<vmem>> -> memref<1x1x100xi32, #tpu.memory_space<vmem>>
      %dma_start3A_361 = tpu.memref_squeeze %dma_start3A_360 : memref<1x1x100xi32, #tpu.memory_space<vmem>> -> memref<100xi32, #tpu.memory_space<vmem>>
      %dma_start3A_362 = arith.constant 0 : i32
      %dma_start3A_363 = arith.constant 0 : i32
      %dma_start3A_364 = tpu.memref_slice %arg8[%dma_start3A_362, %dma_start3A_363] : memref<100001x64xf32, #tpu.memory_space<hbm>> -> memref<100001x64xf32, #tpu.memory_space<hbm>>
      tpu.enqueue_indirect_dma source(%dma_start3A_364 : memref<100001x64xf32, #tpu.memory_space<hbm>>) target(%dma_start3A_358 : memref<100x64xf32, #tpu.memory_space<vmem>>) offsets(%dma_start3A_361 : memref<100xi32, #tpu.memory_space<vmem>>) semaphore(%arg17 : memref<!tpu.dma_semaphore, #tpu.memory_space<semaphore_mem>>)
      %dma_start3A_365 = arith.constant 13 : i32
      %dma_start3A_366 = arith.constant 1 : i32
      %dma_start3A_367 = arith.constant 6 : i32
      %dma_start3A_368 = arith.constant 0 : i32
      %dma_start3A_369 = arith.constant 0 : i32
      %dma_start3A_370 = tpu.memref_slice %arg13[%dma_start3A_366, %dma_start3A_367, %dma_start3A_368, %dma_start3A_369] : memref<2x8x100x64xf32, #tpu.memory_space<vmem>> -> memref<1x1x100x64xf32, #tpu.memory_space<vmem>>
      %dma_start3A_371 = tpu.memref_squeeze %dma_start3A_370 : memref<1x1x100x64xf32, #tpu.memory_space<vmem>> -> memref<100x64xf32, #tpu.memory_space<vmem>>
      %dma_start3A_372 = arith.constant 0 : i32
      %dma_start3A_373 = tpu.memref_slice %arg12[%rem3A_159, %dma_start3A_365, %dma_start3A_372] : memref<4x16x100xi32, #tpu.memory_space<vmem>> -> memref<1x1x100xi32, #tpu.memory_space<vmem>>
      %dma_start3A_374 = tpu.memref_squeeze %dma_start3A_373 : memref<1x1x100xi32, #tpu.memory_space<vmem>> -> memref<100xi32, #tpu.memory_space<vmem>>
      %dma_start3A_375 = arith.constant 0 : i32
      %dma_start3A_376 = arith.constant 0 : i32
      %dma_start3A_377 = tpu.memref_slice %arg9[%dma_start3A_375, %dma_start3A_376] : memref<100001x64xf32, #tpu.memory_space<hbm>> -> memref<100001x64xf32, #tpu.memory_space<hbm>>
      tpu.enqueue_indirect_dma source(%dma_start3A_377 : memref<100001x64xf32, #tpu.memory_space<hbm>>) target(%dma_start3A_371 : memref<100x64xf32, #tpu.memory_space<vmem>>) offsets(%dma_start3A_374 : memref<100xi32, #tpu.memory_space<vmem>>) semaphore(%arg17 : memref<!tpu.dma_semaphore, #tpu.memory_space<semaphore_mem>>)
      %dma_start3A_378 = arith.constant 15 : i32
      %dma_start3A_379 = arith.constant 1 : i32
      %dma_start3A_380 = arith.constant 7 : i32
      %dma_start3A_381 = arith.constant 0 : i32
      %dma_start3A_382 = arith.constant 0 : i32
      %dma_start3A_383 = tpu.memref_slice %arg13[%dma_start3A_379, %dma_start3A_380, %dma_start3A_381, %dma_start3A_382] : memref<2x8x100x64xf32, #tpu.memory_space<vmem>> -> memref<1x1x100x64xf32, #tpu.memory_space<vmem>>
      %dma_start3A_384 = tpu.memref_squeeze %dma_start3A_383 : memref<1x1x100x64xf32, #tpu.memory_space<vmem>> -> memref<100x64xf32, #tpu.memory_space<vmem>>
      %dma_start3A_385 = arith.constant 0 : i32
      %dma_start3A_386 = tpu.memref_slice %arg12[%rem3A_159, %dma_start3A_378, %dma_start3A_385] : memref<4x16x100xi32, #tpu.memory_space<vmem>> -> memref<1x1x100xi32, #tpu.memory_space<vmem>>
      %dma_start3A_387 = tpu.memref_squeeze %dma_start3A_386 : memref<1x1x100xi32, #tpu.memory_space<vmem>> -> memref<100xi32, #tpu.memory_space<vmem>>
      %dma_start3A_388 = arith.constant 0 : i32
      %dma_start3A_389 = arith.constant 0 : i32
      %dma_start3A_390 = tpu.memref_slice %arg10[%dma_start3A_388, %dma_start3A_389] : memref<100001x64xf32, #tpu.memory_space<hbm>> -> memref<100001x64xf32, #tpu.memory_space<hbm>>
      tpu.enqueue_indirect_dma source(%dma_start3A_390 : memref<100001x64xf32, #tpu.memory_space<hbm>>) target(%dma_start3A_384 : memref<100x64xf32, #tpu.memory_space<vmem>>) offsets(%dma_start3A_387 : memref<100xi32, #tpu.memory_space<vmem>>) semaphore(%arg17 : memref<!tpu.dma_semaphore, #tpu.memory_space<semaphore_mem>>)
      %scan3A_391 = arith.constant 0 : i32
      %scan3A_392 = arith.constant 0 : i32
      %scan3A_393 = arith.constant 50 : i32
      %scan3A_394 = arith.addi %scan3A_392, %scan3A_393 : i32
      %scan3A_395 = arith.constant 1 : i32
      %scan3A_396 = scf.for %scan3A_537 = %scan3A_392 to %scan3A_394 step %scan3A_395 iter_args(%scan3A_538 = %scan3A_391) -> (i32)  : i32 {
        %mul3A_539 = arith.constant 2 : i32
        %mul3A_540 = arith.muli %mul3A_539, %scan3A_537 : i32
        %add3A_541 = arith.constant 0 : i32
        %add3A_542 = arith.addi %mul3A_540, %add3A_541 : i32
        %get3A = arith.constant 0 : i32
        %get3A_543 = arith.constant 0 : i32
        %get3A_544 = arith.index_cast %get3A : i32 to index
        %get3A_545 = arith.index_cast %get3A_543 : i32 to index
        %get3A_546 = arith.index_cast %add3A_542 : i32 to index
        %get3A_547 = arith.constant 0 : index
        %get3A_548 = tpu.vector_load %arg13[%get3A_544, %get3A_545, %get3A_546, %get3A_547] {strides = array<i32>} : memref<2x8x100x64xf32, #tpu.memory_space<vmem>>, vector<1x1x1x16xf32>,
        %get3A_549 = vector.shape_cast %get3A_548 : vector<1x1x1x16xf32> to vector<16xf32>
        %get3A_550 = arith.constant 0 : i32
        %get3A_551 = arith.constant 1 : i32
        %get3A_552 = arith.index_cast %get3A_550 : i32 to index
        %get3A_553 = arith.index_cast %get3A_551 : i32 to index
        %get3A_554 = arith.index_cast %add3A_542 : i32 to index
        %get3A_555 = arith.constant 0 : index
        %get3A_556 = tpu.vector_load %arg13[%get3A_552, %get3A_553, %get3A_554, %get3A_555] {strides = array<i32>} : memref<2x8x100x64xf32, #tpu.memory_space<vmem>>, vector<1x1x1x16xf32>,
        %get3A_557 = vector.shape_cast %get3A_556 : vector<1x1x1x16xf32> to vector<16xf32>
        %add3A_558 = arith.addf %get3A_549, %get3A_557 : vector<16xf32>
        %get3A_559 = arith.constant 0 : i32
        %get3A_560 = arith.constant 2 : i32
        %get3A_561 = arith.index_cast %get3A_559 : i32 to index
        %get3A_562 = arith.index_cast %get3A_560 : i32 to index
        %get3A_563 = arith.index_cast %add3A_542 : i32 to index
        %get3A_564 = arith.constant 0 : index
        %get3A_565 = tpu.vector_load %arg13[%get3A_561, %get3A_562, %get3A_563, %get3A_564] {strides = array<i32>} : memref<2x8x100x64xf32, #tpu.memory_space<vmem>>, vector<1x1x1x16xf32>,
        %get3A_566 = vector.shape_cast %get3A_565 : vector<1x1x1x16xf32> to vector<16xf32>
        %add3A_567 = arith.addf %add3A_558, %get3A_566 : vector<16xf32>
        %get3A_568 = arith.constant 0 : i32
        %get3A_569 = arith.constant 3 : i32
        %get3A_570 = arith.index_cast %get3A_568 : i32 to index
        %get3A_571 = arith.index_cast %get3A_569 : i32 to index
        %get3A_572 = arith.index_cast %add3A_542 : i32 to index
        %get3A_573 = arith.constant 0 : index
        %get3A_574 = tpu.vector_load %arg13[%get3A_570, %get3A_571, %get3A_572, %get3A_573] {strides = array<i32>} : memref<2x8x100x64xf32, #tpu.memory_space<vmem>>, vector<1x1x1x16xf32>,
        %get3A_575 = vector.shape_cast %get3A_574 : vector<1x1x1x16xf32> to vector<16xf32>
        %add3A_576 = arith.addf %add3A_567, %get3A_575 : vector<16xf32>
        %get3A_577 = arith.constant 0 : i32
        %get3A_578 = arith.constant 4 : i32
        %get3A_579 = arith.index_cast %get3A_577 : i32 to index
        %get3A_580 = arith.index_cast %get3A_578 : i32 to index
        %get3A_581 = arith.index_cast %add3A_542 : i32 to index
        %get3A_582 = arith.constant 0 : index
        %get3A_583 = tpu.vector_load %arg13[%get3A_579, %get3A_580, %get3A_581, %get3A_582] {strides = array<i32>} : memref<2x8x100x64xf32, #tpu.memory_space<vmem>>, vector<1x1x1x16xf32>,
        %get3A_584 = vector.shape_cast %get3A_583 : vector<1x1x1x16xf32> to vector<16xf32>
        %add3A_585 = arith.addf %add3A_576, %get3A_584 : vector<16xf32>
        %get3A_586 = arith.constant 0 : i32
        %get3A_587 = arith.constant 5 : i32
        %get3A_588 = arith.index_cast %get3A_586 : i32 to index
        %get3A_589 = arith.index_cast %get3A_587 : i32 to index
        %get3A_590 = arith.index_cast %add3A_542 : i32 to index
        %get3A_591 = arith.constant 0 : index
        %get3A_592 = tpu.vector_load %arg13[%get3A_588, %get3A_589, %get3A_590, %get3A_591] {strides = array<i32>} : memref<2x8x100x64xf32, #tpu.memory_space<vmem>>, vector<1x1x1x16xf32>,
        %get3A_593 = vector.shape_cast %get3A_592 : vector<1x1x1x16xf32> to vector<16xf32>
        %add3A_594 = arith.addf %add3A_585, %get3A_593 : vector<16xf32>
        %get3A_595 = arith.constant 0 : i32
        %get3A_596 = arith.constant 6 : i32
        %get3A_597 = arith.index_cast %get3A_595 : i32 to index
        %get3A_598 = arith.index_cast %get3A_596 : i32 to index
        %get3A_599 = arith.index_cast %add3A_542 : i32 to index
        %get3A_600 = arith.constant 0 : index
        %get3A_601 = tpu.vector_load %arg13[%get3A_597, %get3A_598, %get3A_599, %get3A_600] {strides = array<i32>} : memref<2x8x100x64xf32, #tpu.memory_space<vmem>>, vector<1x1x1x16xf32>,
        %get3A_602 = vector.shape_cast %get3A_601 : vector<1x1x1x16xf32> to vector<16xf32>
        %add3A_603 = arith.addf %add3A_594, %get3A_602 : vector<16xf32>
        %get3A_604 = arith.constant 0 : i32
        %get3A_605 = arith.constant 7 : i32
        %get3A_606 = arith.index_cast %get3A_604 : i32 to index
        %get3A_607 = arith.index_cast %get3A_605 : i32 to index
        %get3A_608 = arith.index_cast %add3A_542 : i32 to index
        %get3A_609 = arith.constant 0 : index
        %get3A_610 = tpu.vector_load %arg13[%get3A_606, %get3A_607, %get3A_608, %get3A_609] {strides = array<i32>} : memref<2x8x100x64xf32, #tpu.memory_space<vmem>>, vector<1x1x1x16xf32>,
        %get3A_611 = vector.shape_cast %get3A_610 : vector<1x1x1x16xf32> to vector<16xf32>
        %add3A_612 = arith.addf %add3A_603, %get3A_611 : vector<16xf32>
        %add3A_613 = arith.constant 0 : i32
        %add3A_614 = arith.addi %add3A_613, %scan3A_537 : i32
        %swap3A = arith.index_cast %add3A_614 : i32 to index
        %swap3A_615 = arith.constant 0 : index
        %swap3A_616 = tpu.vector_load %arg14[%swap3A, %swap3A_615] {strides = array<i32>} : memref<100x128xf32, #tpu.memory_space<vmem>>, vector<1x16xf32>,
        %swap3A_617 = vector.shape_cast %swap3A_616 : vector<1x16xf32> to vector<16xf32>
        %swap3A_618 = vector.shape_cast %add3A_612 : vector<16xf32> to vector<1x16xf32>
        tpu.vector_store %arg14[%swap3A, %swap3A_615], %swap3A_618 {strides = array<i32>} : memref<100x128xf32, #tpu.memory_space<vmem>>, vector<1x16xf32>,
        %get3A_619 = arith.constant 0 : i32
        %get3A_620 = arith.constant 0 : i32
        %get3A_621 = arith.index_cast %get3A_619 : i32 to index
        %get3A_622 = arith.index_cast %get3A_620 : i32 to index
        %get3A_623 = arith.index_cast %add3A_542 : i32 to index
        %get3A_624 = arith.constant 16 : index
        %get3A_625 = tpu.vector_load %arg13[%get3A_621, %get3A_622, %get3A_623, %get3A_624] {strides = array<i32>} : memref<2x8x100x64xf32, #tpu.memory_space<vmem>>, vector<1x1x1x16xf32>,
        %get3A_626 = vector.shape_cast %get3A_625 : vector<1x1x1x16xf32> to vector<16xf32>
        %get3A_627 = arith.constant 0 : i32
        %get3A_628 = arith.constant 1 : i32
        %get3A_629 = arith.index_cast %get3A_627 : i32 to index
        %get3A_630 = arith.index_cast %get3A_628 : i32 to index
        %get3A_631 = arith.index_cast %add3A_542 : i32 to index
        %get3A_632 = arith.constant 16 : index
        %get3A_633 = tpu.vector_load %arg13[%get3A_629, %get3A_630, %get3A_631, %get3A_632] {strides = array<i32>} : memref<2x8x100x64xf32, #tpu.memory_space<vmem>>, vector<1x1x1x16xf32>,
        %get3A_634 = vector.shape_cast %get3A_633 : vector<1x1x1x16xf32> to vector<16xf32>
        %add3A_635 = arith.addf %get3A_626, %get3A_634 : vector<16xf32>
        %get3A_636 = arith.constant 0 : i32
        %get3A_637 = arith.constant 2 : i32
        %get3A_638 = arith.index_cast %get3A_636 : i32 to index
        %get3A_639 = arith.index_cast %get3A_637 : i32 to index
        %get3A_640 = arith.index_cast %add3A_542 : i32 to index
        %get3A_641 = arith.constant 16 : index
        %get3A_642 = tpu.vector_load %arg13[%get3A_638, %get3A_639, %get3A_640, %get3A_641] {strides = array<i32>} : memref<2x8x100x64xf32, #tpu.memory_space<vmem>>, vector<1x1x1x16xf32>,
        %get3A_643 = vector.shape_cast %get3A_642 : vector<1x1x1x16xf32> to vector<16xf32>
        %add3A_644 = arith.addf %add3A_635, %get3A_643 : vector<16xf32>
        %get3A_645 = arith.constant 0 : i32
        %get3A_646 = arith.constant 3 : i32
        %get3A_647 = arith.index_cast %get3A_645 : i32 to index
        %get3A_648 = arith.index_cast %get3A_646 : i32 to index
        %get3A_649 = arith.index_cast %add3A_542 : i32 to index
        %get3A_650 = arith.constant 16 : index
        %get3A_651 = tpu.vector_load %arg13[%get3A_647, %get3A_648, %get3A_649, %get3A_650] {strides = array<i32>} : memref<2x8x100x64xf32, #tpu.memory_space<vmem>>, vector<1x1x1x16xf32>,
        %get3A_652 = vector.shape_cast %get3A_651 : vector<1x1x1x16xf32> to vector<16xf32>
        %add3A_653 = arith.addf %add3A_644, %get3A_652 : vector<16xf32>
        %get3A_654 = arith.constant 0 : i32
        %get3A_655 = arith.constant 4 : i32
        %get3A_656 = arith.index_cast %get3A_654 : i32 to index
        %get3A_657 = arith.index_cast %get3A_655 : i32 to index
        %get3A_658 = arith.index_cast %add3A_542 : i32 to index
        %get3A_659 = arith.constant 16 : index
        %get3A_660 = tpu.vector_load %arg13[%get3A_656, %get3A_657, %get3A_658, %get3A_659] {strides = array<i32>} : memref<2x8x100x64xf32, #tpu.memory_space<vmem>>, vector<1x1x1x16xf32>,
        %get3A_661 = vector.shape_cast %get3A_660 : vector<1x1x1x16xf32> to vector<16xf32>
        %add3A_662 = arith.addf %add3A_653, %get3A_661 : vector<16xf32>
        %get3A_663 = arith.constant 0 : i32
        %get3A_664 = arith.constant 5 : i32
        %get3A_665 = arith.index_cast %get3A_663 : i32 to index
        %get3A_666 = arith.index_cast %get3A_664 : i32 to index
        %get3A_667 = arith.index_cast %add3A_542 : i32 to index
        %get3A_668 = arith.constant 16 : index
        %get3A_669 = tpu.vector_load %arg13[%get3A_665, %get3A_666, %get3A_667, %get3A_668] {strides = array<i32>} : memref<2x8x100x64xf32, #tpu.memory_space<vmem>>, vector<1x1x1x16xf32>,
        %get3A_670 = vector.shape_cast %get3A_669 : vector<1x1x1x16xf32> to vector<16xf32>
        %add3A_671 = arith.addf %add3A_662, %get3A_670 : vector<16xf32>
        %get3A_672 = arith.constant 0 : i32
        %get3A_673 = arith.constant 6 : i32
        %get3A_674 = arith.index_cast %get3A_672 : i32 to index
        %get3A_675 = arith.index_cast %get3A_673 : i32 to index
        %get3A_676 = arith.index_cast %add3A_542 : i32 to index
        %get3A_677 = arith.constant 16 : index
        %get3A_678 = tpu.vector_load %arg13[%get3A_674, %get3A_675, %get3A_676, %get3A_677] {strides = array<i32>} : memref<2x8x100x64xf32, #tpu.memory_space<vmem>>, vector<1x1x1x16xf32>,
        %get3A_679 = vector.shape_cast %get3A_678 : vector<1x1x1x16xf32> to vector<16xf32>
        %add3A_680 = arith.addf %add3A_671, %get3A_679 : vector<16xf32>
        %get3A_681 = arith.constant 0 : i32
        %get3A_682 = arith.constant 7 : i32
        %get3A_683 = arith.index_cast %get3A_681 : i32 to index
        %get3A_684 = arith.index_cast %get3A_682 : i32 to index
        %get3A_685 = arith.index_cast %add3A_542 : i32 to index
        %get3A_686 = arith.constant 16 : index
        %get3A_687 = tpu.vector_load %arg13[%get3A_683, %get3A_684, %get3A_685, %get3A_686] {strides = array<i32>} : memref<2x8x100x64xf32, #tpu.memory_space<vmem>>, vector<1x1x1x16xf32>,
        %get3A_688 = vector.shape_cast %get3A_687 : vector<1x1x1x16xf32> to vector<16xf32>
        %add3A_689 = arith.addf %add3A_680, %get3A_688 : vector<16xf32>
        %add3A_690 = arith.constant 0 : i32
        %add3A_691 = arith.addi %add3A_690, %scan3A_537 : i32
        %swap3A_692 = arith.index_cast %add3A_691 : i32 to index
        %swap3A_693 = arith.constant 16 : index
        %swap3A_694 = tpu.vector_load %arg14[%swap3A_692, %swap3A_693] {strides = array<i32>} : memref<100x128xf32, #tpu.memory_space<vmem>>, vector<1x16xf32>,
        %swap3A_695 = vector.shape_cast %swap3A_694 : vector<1x16xf32> to vector<16xf32>
        %swap3A_696 = vector.shape_cast %add3A_689 : vector<16xf32> to vector<1x16xf32>
        tpu.vector_store %arg14[%swap3A_692, %swap3A_693], %swap3A_696 {strides = array<i32>} : memref<100x128xf32, #tpu.memory_space<vmem>>, vector<1x16xf32>,
        %get3A_697 = arith.constant 0 : i32
        %get3A_698 = arith.constant 0 : i32
        %get3A_699 = arith.index_cast %get3A_697 : i32 to index
        %get3A_700 = arith.index_cast %get3A_698 : i32 to index
        %get3A_701 = arith.index_cast %add3A_542 : i32 to index
        %get3A_702 = arith.constant 32 : index
        %get3A_703 = tpu.vector_load %arg13[%get3A_699, %get3A_700, %get3A_701, %get3A_702] {strides = array<i32>} : memref<2x8x100x64xf32, #tpu.memory_space<vmem>>, vector<1x1x1x16xf32>,
        %get3A_704 = vector.shape_cast %get3A_703 : vector<1x1x1x16xf32> to vector<16xf32>
        %get3A_705 = arith.constant 0 : i32
        %get3A_706 = arith.constant 1 : i32
        %get3A_707 = arith.index_cast %get3A_705 : i32 to index
        %get3A_708 = arith.index_cast %get3A_706 : i32 to index
        %get3A_709 = arith.index_cast %add3A_542 : i32 to index
        %get3A_710 = arith.constant 32 : index
        %get3A_711 = tpu.vector_load %arg13[%get3A_707, %get3A_708, %get3A_709, %get3A_710] {strides = array<i32>} : memref<2x8x100x64xf32, #tpu.memory_space<vmem>>, vector<1x1x1x16xf32>,
        %get3A_712 = vector.shape_cast %get3A_711 : vector<1x1x1x16xf32> to vector<16xf32>
        %add3A_713 = arith.addf %get3A_704, %get3A_712 : vector<16xf32>
        %get3A_714 = arith.constant 0 : i32
        %get3A_715 = arith.constant 2 : i32
        %get3A_716 = arith.index_cast %get3A_714 : i32 to index
        %get3A_717 = arith.index_cast %get3A_715 : i32 to index
        %get3A_718 = arith.index_cast %add3A_542 : i32 to index
        %get3A_719 = arith.constant 32 : index
        %get3A_720 = tpu.vector_load %arg13[%get3A_716, %get3A_717, %get3A_718, %get3A_719] {strides = array<i32>} : memref<2x8x100x64xf32, #tpu.memory_space<vmem>>, vector<1x1x1x16xf32>,
        %get3A_721 = vector.shape_cast %get3A_720 : vector<1x1x1x16xf32> to vector<16xf32>
        %add3A_722 = arith.addf %add3A_713, %get3A_721 : vector<16xf32>
        %get3A_723 = arith.constant 0 : i32
        %get3A_724 = arith.constant 3 : i32
        %get3A_725 = arith.index_cast %get3A_723 : i32 to index
        %get3A_726 = arith.index_cast %get3A_724 : i32 to index
        %get3A_727 = arith.index_cast %add3A_542 : i32 to index
        %get3A_728 = arith.constant 32 : index
        %get3A_729 = tpu.vector_load %arg13[%get3A_725, %get3A_726, %get3A_727, %get3A_728] {strides = array<i32>} : memref<2x8x100x64xf32, #tpu.memory_space<vmem>>, vector<1x1x1x16xf32>,
        %get3A_730 = vector.shape_cast %get3A_729 : vector<1x1x1x16xf32> to vector<16xf32>
        %add3A_731 = arith.addf %add3A_722, %get3A_730 : vector<16xf32>
        %get3A_732 = arith.constant 0 : i32
        %get3A_733 = arith.constant 4 : i32
        %get3A_734 = arith.index_cast %get3A_732 : i32 to index
        %get3A_735 = arith.index_cast %get3A_733 : i32 to index
        %get3A_736 = arith.index_cast %add3A_542 : i32 to index
        %get3A_737 = arith.constant 32 : index
        %get3A_738 = tpu.vector_load %arg13[%get3A_734, %get3A_735, %get3A_736, %get3A_737] {strides = array<i32>} : memref<2x8x100x64xf32, #tpu.memory_space<vmem>>, vector<1x1x1x16xf32>,
        %get3A_739 = vector.shape_cast %get3A_738 : vector<1x1x1x16xf32> to vector<16xf32>
        %add3A_740 = arith.addf %add3A_731, %get3A_739 : vector<16xf32>
        %get3A_741 = arith.constant 0 : i32
        %get3A_742 = arith.constant 5 : i32
        %get3A_743 = arith.index_cast %get3A_741 : i32 to index
        %get3A_744 = arith.index_cast %get3A_742 : i32 to index
        %get3A_745 = arith.index_cast %add3A_542 : i32 to index
        %get3A_746 = arith.constant 32 : index
        %get3A_747 = tpu.vector_load %arg13[%get3A_743, %get3A_744, %get3A_745, %get3A_746] {strides = array<i32>} : memref<2x8x100x64xf32, #tpu.memory_space<vmem>>, vector<1x1x1x16xf32>,
        %get3A_748 = vector.shape_cast %get3A_747 : vector<1x1x1x16xf32> to vector<16xf32>
        %add3A_749 = arith.addf %add3A_740, %get3A_748 : vector<16xf32>
        %get3A_750 = arith.constant 0 : i32
        %get3A_751 = arith.constant 6 : i32
        %get3A_752 = arith.index_cast %get3A_750 : i32 to index
        %get3A_753 = arith.index_cast %get3A_751 : i32 to index
        %get3A_754 = arith.index_cast %add3A_542 : i32 to index
        %get3A_755 = arith.constant 32 : index
        %get3A_756 = tpu.vector_load %arg13[%get3A_752, %get3A_753, %get3A_754, %get3A_755] {strides = array<i32>} : memref<2x8x100x64xf32, #tpu.memory_space<vmem>>, vector<1x1x1x16xf32>,
        %get3A_757 = vector.shape_cast %get3A_756 : vector<1x1x1x16xf32> to vector<16xf32>
        %add3A_758 = arith.addf %add3A_749, %get3A_757 : vector<16xf32>
        %get3A_759 = arith.constant 0 : i32
        %get3A_760 = arith.constant 7 : i32
        %get3A_761 = arith.index_cast %get3A_759 : i32 to index
        %get3A_762 = arith.index_cast %get3A_760 : i32 to index
        %get3A_763 = arith.index_cast %add3A_542 : i32 to index
        %get3A_764 = arith.constant 32 : index
        %get3A_765 = tpu.vector_load %arg13[%get3A_761, %get3A_762, %get3A_763, %get3A_764] {strides = array<i32>} : memref<2x8x100x64xf32, #tpu.memory_space<vmem>>, vector<1x1x1x16xf32>,
        %get3A_766 = vector.shape_cast %get3A_765 : vector<1x1x1x16xf32> to vector<16xf32>
        %add3A_767 = arith.addf %add3A_758, %get3A_766 : vector<16xf32>
        %add3A_768 = arith.constant 0 : i32
        %add3A_769 = arith.addi %add3A_768, %scan3A_537 : i32
        %swap3A_770 = arith.index_cast %add3A_769 : i32 to index
        %swap3A_771 = arith.constant 32 : index
        %swap3A_772 = tpu.vector_load %arg14[%swap3A_770, %swap3A_771] {strides = array<i32>} : memref<100x128xf32, #tpu.memory_space<vmem>>, vector<1x16xf32>,
        %swap3A_773 = vector.shape_cast %swap3A_772 : vector<1x16xf32> to vector<16xf32>
        %swap3A_774 = vector.shape_cast %add3A_767 : vector<16xf32> to vector<1x16xf32>
        tpu.vector_store %arg14[%swap3A_770, %swap3A_771], %swap3A_774 {strides = array<i32>} : memref<100x128xf32, #tpu.memory_space<vmem>>, vector<1x16xf32>,
        %get3A_775 = arith.constant 0 : i32
        %get3A_776 = arith.constant 0 : i32
        %get3A_777 = arith.index_cast %get3A_775 : i32 to index
        %get3A_778 = arith.index_cast %get3A_776 : i32 to index
        %get3A_779 = arith.index_cast %add3A_542 : i32 to index
        %get3A_780 = arith.constant 48 : index
        %get3A_781 = tpu.vector_load %arg13[%get3A_777, %get3A_778, %get3A_779, %get3A_780] {strides = array<i32>} : memref<2x8x100x64xf32, #tpu.memory_space<vmem>>, vector<1x1x1x16xf32>,
        %get3A_782 = vector.shape_cast %get3A_781 : vector<1x1x1x16xf32> to vector<16xf32>
        %get3A_783 = arith.constant 0 : i32
        %get3A_784 = arith.constant 1 : i32
        %get3A_785 = arith.index_cast %get3A_783 : i32 to index
        %get3A_786 = arith.index_cast %get3A_784 : i32 to index
        %get3A_787 = arith.index_cast %add3A_542 : i32 to index
        %get3A_788 = arith.constant 48 : index
        %get3A_789 = tpu.vector_load %arg13[%get3A_785, %get3A_786, %get3A_787, %get3A_788] {strides = array<i32>} : memref<2x8x100x64xf32, #tpu.memory_space<vmem>>, vector<1x1x1x16xf32>,
        %get3A_790 = vector.shape_cast %get3A_789 : vector<1x1x1x16xf32> to vector<16xf32>
        %add3A_791 = arith.addf %get3A_782, %get3A_790 : vector<16xf32>
        %get3A_792 = arith.constant 0 : i32
        %get3A_793 = arith.constant 2 : i32
        %get3A_794 = arith.index_cast %get3A_792 : i32 to index
        %get3A_795 = arith.index_cast %get3A_793 : i32 to index
        %get3A_796 = arith.index_cast %add3A_542 : i32 to index
        %get3A_797 = arith.constant 48 : index
        %get3A_798 = tpu.vector_load %arg13[%get3A_794, %get3A_795, %get3A_796, %get3A_797] {strides = array<i32>} : memref<2x8x100x64xf32, #tpu.memory_space<vmem>>, vector<1x1x1x16xf32>,
        %get3A_799 = vector.shape_cast %get3A_798 : vector<1x1x1x16xf32> to vector<16xf32>
        %add3A_800 = arith.addf %add3A_791, %get3A_799 : vector<16xf32>
        %get3A_801 = arith.constant 0 : i32
        %get3A_802 = arith.constant 3 : i32
        %get3A_803 = arith.index_cast %get3A_801 : i32 to index
        %get3A_804 = arith.index_cast %get3A_802 : i32 to index
        %get3A_805 = arith.index_cast %add3A_542 : i32 to index
        %get3A_806 = arith.constant 48 : index
        %get3A_807 = tpu.vector_load %arg13[%get3A_803, %get3A_804, %get3A_805, %get3A_806] {strides = array<i32>} : memref<2x8x100x64xf32, #tpu.memory_space<vmem>>, vector<1x1x1x16xf32>,
        %get3A_808 = vector.shape_cast %get3A_807 : vector<1x1x1x16xf32> to vector<16xf32>
        %add3A_809 = arith.addf %add3A_800, %get3A_808 : vector<16xf32>
        %get3A_810 = arith.constant 0 : i32
        %get3A_811 = arith.constant 4 : i32
        %get3A_812 = arith.index_cast %get3A_810 : i32 to index
        %get3A_813 = arith.index_cast %get3A_811 : i32 to index
        %get3A_814 = arith.index_cast %add3A_542 : i32 to index
        %get3A_815 = arith.constant 48 : index
        %get3A_816 = tpu.vector_load %arg13[%get3A_812, %get3A_813, %get3A_814, %get3A_815] {strides = array<i32>} : memref<2x8x100x64xf32, #tpu.memory_space<vmem>>, vector<1x1x1x16xf32>,
        %get3A_817 = vector.shape_cast %get3A_816 : vector<1x1x1x16xf32> to vector<16xf32>
        %add3A_818 = arith.addf %add3A_809, %get3A_817 : vector<16xf32>
        %get3A_819 = arith.constant 0 : i32
        %get3A_820 = arith.constant 5 : i32
        %get3A_821 = arith.index_cast %get3A_819 : i32 to index
        %get3A_822 = arith.index_cast %get3A_820 : i32 to index
        %get3A_823 = arith.index_cast %add3A_542 : i32 to index
        %get3A_824 = arith.constant 48 : index
        %get3A_825 = tpu.vector_load %arg13[%get3A_821, %get3A_822, %get3A_823, %get3A_824] {strides = array<i32>} : memref<2x8x100x64xf32, #tpu.memory_space<vmem>>, vector<1x1x1x16xf32>,
        %get3A_826 = vector.shape_cast %get3A_825 : vector<1x1x1x16xf32> to vector<16xf32>
        %add3A_827 = arith.addf %add3A_818, %get3A_826 : vector<16xf32>
        %get3A_828 = arith.constant 0 : i32
        %get3A_829 = arith.constant 6 : i32
        %get3A_830 = arith.index_cast %get3A_828 : i32 to index
        %get3A_831 = arith.index_cast %get3A_829 : i32 to index
        %get3A_832 = arith.index_cast %add3A_542 : i32 to index
        %get3A_833 = arith.constant 48 : index
        %get3A_834 = tpu.vector_load %arg13[%get3A_830, %get3A_831, %get3A_832, %get3A_833] {strides = array<i32>} : memref<2x8x100x64xf32, #tpu.memory_space<vmem>>, vector<1x1x1x16xf32>,
        %get3A_835 = vector.shape_cast %get3A_834 : vector<1x1x1x16xf32> to vector<16xf32>
        %add3A_836 = arith.addf %add3A_827, %get3A_835 : vector<16xf32>
        %get3A_837 = arith.constant 0 : i32
        %get3A_838 = arith.constant 7 : i32
        %get3A_839 = arith.index_cast %get3A_837 : i32 to index
        %get3A_840 = arith.index_cast %get3A_838 : i32 to index
        %get3A_841 = arith.index_cast %add3A_542 : i32 to index
        %get3A_842 = arith.constant 48 : index
        %get3A_843 = tpu.vector_load %arg13[%get3A_839, %get3A_840, %get3A_841, %get3A_842] {strides = array<i32>} : memref<2x8x100x64xf32, #tpu.memory_space<vmem>>, vector<1x1x1x16xf32>,
        %get3A_844 = vector.shape_cast %get3A_843 : vector<1x1x1x16xf32> to vector<16xf32>
        %add3A_845 = arith.addf %add3A_836, %get3A_844 : vector<16xf32>
        %add3A_846 = arith.constant 0 : i32
        %add3A_847 = arith.addi %add3A_846, %scan3A_537 : i32
        %swap3A_848 = arith.index_cast %add3A_847 : i32 to index
        %swap3A_849 = arith.constant 48 : index
        %swap3A_850 = tpu.vector_load %arg14[%swap3A_848, %swap3A_849] {strides = array<i32>} : memref<100x128xf32, #tpu.memory_space<vmem>>, vector<1x16xf32>,
        %swap3A_851 = vector.shape_cast %swap3A_850 : vector<1x16xf32> to vector<16xf32>
        %swap3A_852 = vector.shape_cast %add3A_845 : vector<16xf32> to vector<1x16xf32>
        tpu.vector_store %arg14[%swap3A_848, %swap3A_849], %swap3A_852 {strides = array<i32>} : memref<100x128xf32, #tpu.memory_space<vmem>>, vector<1x16xf32>,
        %mul3A_853 = arith.constant 2 : i32
        %mul3A_854 = arith.muli %mul3A_853, %scan3A_537 : i32
        %add3A_855 = arith.constant 1 : i32
        %add3A_856 = arith.addi %mul3A_854, %add3A_855 : i32
        %get3A_857 = arith.constant 0 : i32
        %get3A_858 = arith.constant 0 : i32
        %get3A_859 = arith.index_cast %get3A_857 : i32 to index
        %get3A_860 = arith.index_cast %get3A_858 : i32 to index
        %get3A_861 = arith.index_cast %add3A_856 : i32 to index
        %get3A_862 = arith.constant 0 : index
        %get3A_863 = tpu.vector_load %arg13[%get3A_859, %get3A_860, %get3A_861, %get3A_862] {strides = array<i32>} : memref<2x8x100x64xf32, #tpu.memory_space<vmem>>, vector<1x1x1x16xf32>,
        %get3A_864 = vector.shape_cast %get3A_863 : vector<1x1x1x16xf32> to vector<16xf32>
        %get3A_865 = arith.constant 0 : i32
        %get3A_866 = arith.constant 1 : i32
        %get3A_867 = arith.index_cast %get3A_865 : i32 to index
        %get3A_868 = arith.index_cast %get3A_866 : i32 to index
        %get3A_869 = arith.index_cast %add3A_856 : i32 to index
        %get3A_870 = arith.constant 0 : index
        %get3A_871 = tpu.vector_load %arg13[%get3A_867, %get3A_868, %get3A_869, %get3A_870] {strides = array<i32>} : memref<2x8x100x64xf32, #tpu.memory_space<vmem>>, vector<1x1x1x16xf32>,
        %get3A_872 = vector.shape_cast %get3A_871 : vector<1x1x1x16xf32> to vector<16xf32>
        %add3A_873 = arith.addf %get3A_864, %get3A_872 : vector<16xf32>
        %get3A_874 = arith.constant 0 : i32
        %get3A_875 = arith.constant 2 : i32
        %get3A_876 = arith.index_cast %get3A_874 : i32 to index
        %get3A_877 = arith.index_cast %get3A_875 : i32 to index
        %get3A_878 = arith.index_cast %add3A_856 : i32 to index
        %get3A_879 = arith.constant 0 : index
        %get3A_880 = tpu.vector_load %arg13[%get3A_876, %get3A_877, %get3A_878, %get3A_879] {strides = array<i32>} : memref<2x8x100x64xf32, #tpu.memory_space<vmem>>, vector<1x1x1x16xf32>,
        %get3A_881 = vector.shape_cast %get3A_880 : vector<1x1x1x16xf32> to vector<16xf32>
        %add3A_882 = arith.addf %add3A_873, %get3A_881 : vector<16xf32>
        %get3A_883 = arith.constant 0 : i32
        %get3A_884 = arith.constant 3 : i32
        %get3A_885 = arith.index_cast %get3A_883 : i32 to index
        %get3A_886 = arith.index_cast %get3A_884 : i32 to index
        %get3A_887 = arith.index_cast %add3A_856 : i32 to index
        %get3A_888 = arith.constant 0 : index
        %get3A_889 = tpu.vector_load %arg13[%get3A_885, %get3A_886, %get3A_887, %get3A_888] {strides = array<i32>} : memref<2x8x100x64xf32, #tpu.memory_space<vmem>>, vector<1x1x1x16xf32>,
        %get3A_890 = vector.shape_cast %get3A_889 : vector<1x1x1x16xf32> to vector<16xf32>
        %add3A_891 = arith.addf %add3A_882, %get3A_890 : vector<16xf32>
        %get3A_892 = arith.constant 0 : i32
        %get3A_893 = arith.constant 4 : i32
        %get3A_894 = arith.index_cast %get3A_892 : i32 to index
        %get3A_895 = arith.index_cast %get3A_893 : i32 to index
        %get3A_896 = arith.index_cast %add3A_856 : i32 to index
        %get3A_897 = arith.constant 0 : index
        %get3A_898 = tpu.vector_load %arg13[%get3A_894, %get3A_895, %get3A_896, %get3A_897] {strides = array<i32>} : memref<2x8x100x64xf32, #tpu.memory_space<vmem>>, vector<1x1x1x16xf32>,
        %get3A_899 = vector.shape_cast %get3A_898 : vector<1x1x1x16xf32> to vector<16xf32>
        %add3A_900 = arith.addf %add3A_891, %get3A_899 : vector<16xf32>
        %get3A_901 = arith.constant 0 : i32
        %get3A_902 = arith.constant 5 : i32
        %get3A_903 = arith.index_cast %get3A_901 : i32 to index
        %get3A_904 = arith.index_cast %get3A_902 : i32 to index
        %get3A_905 = arith.index_cast %add3A_856 : i32 to index
        %get3A_906 = arith.constant 0 : index
        %get3A_907 = tpu.vector_load %arg13[%get3A_903, %get3A_904, %get3A_905, %get3A_906] {strides = array<i32>} : memref<2x8x100x64xf32, #tpu.memory_space<vmem>>, vector<1x1x1x16xf32>,
        %get3A_908 = vector.shape_cast %get3A_907 : vector<1x1x1x16xf32> to vector<16xf32>
        %add3A_909 = arith.addf %add3A_900, %get3A_908 : vector<16xf32>
        %get3A_910 = arith.constant 0 : i32
        %get3A_911 = arith.constant 6 : i32
        %get3A_912 = arith.index_cast %get3A_910 : i32 to index
        %get3A_913 = arith.index_cast %get3A_911 : i32 to index
        %get3A_914 = arith.index_cast %add3A_856 : i32 to index
        %get3A_915 = arith.constant 0 : index
        %get3A_916 = tpu.vector_load %arg13[%get3A_912, %get3A_913, %get3A_914, %get3A_915] {strides = array<i32>} : memref<2x8x100x64xf32, #tpu.memory_space<vmem>>, vector<1x1x1x16xf32>,
        %get3A_917 = vector.shape_cast %get3A_916 : vector<1x1x1x16xf32> to vector<16xf32>
        %add3A_918 = arith.addf %add3A_909, %get3A_917 : vector<16xf32>
        %get3A_919 = arith.constant 0 : i32
        %get3A_920 = arith.constant 7 : i32
        %get3A_921 = arith.index_cast %get3A_919 : i32 to index
        %get3A_922 = arith.index_cast %get3A_920 : i32 to index
        %get3A_923 = arith.index_cast %add3A_856 : i32 to index
        %get3A_924 = arith.constant 0 : index
        %get3A_925 = tpu.vector_load %arg13[%get3A_921, %get3A_922, %get3A_923, %get3A_924] {strides = array<i32>} : memref<2x8x100x64xf32, #tpu.memory_space<vmem>>, vector<1x1x1x16xf32>,
        %get3A_926 = vector.shape_cast %get3A_925 : vector<1x1x1x16xf32> to vector<16xf32>
        %add3A_927 = arith.addf %add3A_918, %get3A_926 : vector<16xf32>
        %add3A_928 = arith.constant 0 : i32
        %add3A_929 = arith.addi %add3A_928, %scan3A_537 : i32
        %swap3A_930 = arith.index_cast %add3A_929 : i32 to index
        %swap3A_931 = arith.constant 64 : index
        %swap3A_932 = tpu.vector_load %arg14[%swap3A_930, %swap3A_931] {strides = array<i32>} : memref<100x128xf32, #tpu.memory_space<vmem>>, vector<1x16xf32>,
        %swap3A_933 = vector.shape_cast %swap3A_932 : vector<1x16xf32> to vector<16xf32>
        %swap3A_934 = vector.shape_cast %add3A_927 : vector<16xf32> to vector<1x16xf32>
        tpu.vector_store %arg14[%swap3A_930, %swap3A_931], %swap3A_934 {strides = array<i32>} : memref<100x128xf32, #tpu.memory_space<vmem>>, vector<1x16xf32>,
        %get3A_935 = arith.constant 0 : i32
        %get3A_936 = arith.constant 0 : i32
        %get3A_937 = arith.index_cast %get3A_935 : i32 to index
        %get3A_938 = arith.index_cast %get3A_936 : i32 to index
        %get3A_939 = arith.index_cast %add3A_856 : i32 to index
        %get3A_940 = arith.constant 16 : index
        %get3A_941 = tpu.vector_load %arg13[%get3A_937, %get3A_938, %get3A_939, %get3A_940] {strides = array<i32>} : memref<2x8x100x64xf32, #tpu.memory_space<vmem>>, vector<1x1x1x16xf32>,
        %get3A_942 = vector.shape_cast %get3A_941 : vector<1x1x1x16xf32> to vector<16xf32>
        %get3A_943 = arith.constant 0 : i32
        %get3A_944 = arith.constant 1 : i32
        %get3A_945 = arith.index_cast %get3A_943 : i32 to index
        %get3A_946 = arith.index_cast %get3A_944 : i32 to index
        %get3A_947 = arith.index_cast %add3A_856 : i32 to index
        %get3A_948 = arith.constant 16 : index
        %get3A_949 = tpu.vector_load %arg13[%get3A_945, %get3A_946, %get3A_947, %get3A_948] {strides = array<i32>} : memref<2x8x100x64xf32, #tpu.memory_space<vmem>>, vector<1x1x1x16xf32>,
        %get3A_950 = vector.shape_cast %get3A_949 : vector<1x1x1x16xf32> to vector<16xf32>
        %add3A_951 = arith.addf %get3A_942, %get3A_950 : vector<16xf32>
        %get3A_952 = arith.constant 0 : i32
        %get3A_953 = arith.constant 2 : i32
        %get3A_954 = arith.index_cast %get3A_952 : i32 to index
        %get3A_955 = arith.index_cast %get3A_953 : i32 to index
        %get3A_956 = arith.index_cast %add3A_856 : i32 to index
        %get3A_957 = arith.constant 16 : index
        %get3A_958 = tpu.vector_load %arg13[%get3A_954, %get3A_955, %get3A_956, %get3A_957] {strides = array<i32>} : memref<2x8x100x64xf32, #tpu.memory_space<vmem>>, vector<1x1x1x16xf32>,
        %get3A_959 = vector.shape_cast %get3A_958 : vector<1x1x1x16xf32> to vector<16xf32>
        %add3A_960 = arith.addf %add3A_951, %get3A_959 : vector<16xf32>
        %get3A_961 = arith.constant 0 : i32
        %get3A_962 = arith.constant 3 : i32
        %get3A_963 = arith.index_cast %get3A_961 : i32 to index
        %get3A_964 = arith.index_cast %get3A_962 : i32 to index
        %get3A_965 = arith.index_cast %add3A_856 : i32 to index
        %get3A_966 = arith.constant 16 : index
        %get3A_967 = tpu.vector_load %arg13[%get3A_963, %get3A_964, %get3A_965, %get3A_966] {strides = array<i32>} : memref<2x8x100x64xf32, #tpu.memory_space<vmem>>, vector<1x1x1x16xf32>,
        %get3A_968 = vector.shape_cast %get3A_967 : vector<1x1x1x16xf32> to vector<16xf32>
        %add3A_969 = arith.addf %add3A_960, %get3A_968 : vector<16xf32>
        %get3A_970 = arith.constant 0 : i32
        %get3A_971 = arith.constant 4 : i32
        %get3A_972 = arith.index_cast %get3A_970 : i32 to index
        %get3A_973 = arith.index_cast %get3A_971 : i32 to index
        %get3A_974 = arith.index_cast %add3A_856 : i32 to index
        %get3A_975 = arith.constant 16 : index
        %get3A_976 = tpu.vector_load %arg13[%get3A_972, %get3A_973, %get3A_974, %get3A_975] {strides = array<i32>} : memref<2x8x100x64xf32, #tpu.memory_space<vmem>>, vector<1x1x1x16xf32>,
        %get3A_977 = vector.shape_cast %get3A_976 : vector<1x1x1x16xf32> to vector<16xf32>
        %add3A_978 = arith.addf %add3A_969, %get3A_977 : vector<16xf32>
        %get3A_979 = arith.constant 0 : i32
        %get3A_980 = arith.constant 5 : i32
        %get3A_981 = arith.index_cast %get3A_979 : i32 to index
        %get3A_982 = arith.index_cast %get3A_980 : i32 to index
        %get3A_983 = arith.index_cast %add3A_856 : i32 to index
        %get3A_984 = arith.constant 16 : index
        %get3A_985 = tpu.vector_load %arg13[%get3A_981, %get3A_982, %get3A_983, %get3A_984] {strides = array<i32>} : memref<2x8x100x64xf32, #tpu.memory_space<vmem>>, vector<1x1x1x16xf32>,
        %get3A_986 = vector.shape_cast %get3A_985 : vector<1x1x1x16xf32> to vector<16xf32>
        %add3A_987 = arith.addf %add3A_978, %get3A_986 : vector<16xf32>
        %get3A_988 = arith.constant 0 : i32
        %get3A_989 = arith.constant 6 : i32
        %get3A_990 = arith.index_cast %get3A_988 : i32 to index
        %get3A_991 = arith.index_cast %get3A_989 : i32 to index
        %get3A_992 = arith.index_cast %add3A_856 : i32 to index
        %get3A_993 = arith.constant 16 : index
        %get3A_994 = tpu.vector_load %arg13[%get3A_990, %get3A_991, %get3A_992, %get3A_993] {strides = array<i32>} : memref<2x8x100x64xf32, #tpu.memory_space<vmem>>, vector<1x1x1x16xf32>,
        %get3A_995 = vector.shape_cast %get3A_994 : vector<1x1x1x16xf32> to vector<16xf32>
        %add3A_996 = arith.addf %add3A_987, %get3A_995 : vector<16xf32>
        %get3A_997 = arith.constant 0 : i32
        %get3A_998 = arith.constant 7 : i32
        %get3A_999 = arith.index_cast %get3A_997 : i32 to index
        %get3A_1000 = arith.index_cast %get3A_998 : i32 to index
        %get3A_1001 = arith.index_cast %add3A_856 : i32 to index
        %get3A_1002 = arith.constant 16 : index
        %get3A_1003 = tpu.vector_load %arg13[%get3A_999, %get3A_1000, %get3A_1001, %get3A_1002] {strides = array<i32>} : memref<2x8x100x64xf32, #tpu.memory_space<vmem>>, vector<1x1x1x16xf32>,
        %get3A_1004 = vector.shape_cast %get3A_1003 : vector<1x1x1x16xf32> to vector<16xf32>
        %add3A_1005 = arith.addf %add3A_996, %get3A_1004 : vector<16xf32>
        %add3A_1006 = arith.constant 0 : i32
        %add3A_1007 = arith.addi %add3A_1006, %scan3A_537 : i32
        %swap3A_1008 = arith.index_cast %add3A_1007 : i32 to index
        %swap3A_1009 = arith.constant 80 : index
        %swap3A_1010 = tpu.vector_load %arg14[%swap3A_1008, %swap3A_1009] {strides = array<i32>} : memref<100x128xf32, #tpu.memory_space<vmem>>, vector<1x16xf32>,
        %swap3A_1011 = vector.shape_cast %swap3A_1010 : vector<1x16xf32> to vector<16xf32>
        %swap3A_1012 = vector.shape_cast %add3A_1005 : vector<16xf32> to vector<1x16xf32>
        tpu.vector_store %arg14[%swap3A_1008, %swap3A_1009], %swap3A_1012 {strides = array<i32>} : memref<100x128xf32, #tpu.memory_space<vmem>>, vector<1x16xf32>,
        %get3A_1013 = arith.constant 0 : i32
        %get3A_1014 = arith.constant 0 : i32
        %get3A_1015 = arith.index_cast %get3A_1013 : i32 to index
        %get3A_1016 = arith.index_cast %get3A_1014 : i32 to index
        %get3A_1017 = arith.index_cast %add3A_856 : i32 to index
        %get3A_1018 = arith.constant 32 : index
        %get3A_1019 = tpu.vector_load %arg13[%get3A_1015, %get3A_1016, %get3A_1017, %get3A_1018] {strides = array<i32>} : memref<2x8x100x64xf32, #tpu.memory_space<vmem>>, vector<1x1x1x16xf32>,
        %get3A_1020 = vector.shape_cast %get3A_1019 : vector<1x1x1x16xf32> to vector<16xf32>
        %get3A_1021 = arith.constant 0 : i32
        %get3A_1022 = arith.constant 1 : i32
        %get3A_1023 = arith.index_cast %get3A_1021 : i32 to index
        %get3A_1024 = arith.index_cast %get3A_1022 : i32 to index
        %get3A_1025 = arith.index_cast %add3A_856 : i32 to index
        %get3A_1026 = arith.constant 32 : index
        %get3A_1027 = tpu.vector_load %arg13[%get3A_1023, %get3A_1024, %get3A_1025, %get3A_1026] {strides = array<i32>} : memref<2x8x100x64xf32, #tpu.memory_space<vmem>>, vector<1x1x1x16xf32>,
        %get3A_1028 = vector.shape_cast %get3A_1027 : vector<1x1x1x16xf32> to vector<16xf32>
        %add3A_1029 = arith.addf %get3A_1020, %get3A_1028 : vector<16xf32>
        %get3A_1030 = arith.constant 0 : i32
        %get3A_1031 = arith.constant 2 : i32
        %get3A_1032 = arith.index_cast %get3A_1030 : i32 to index
        %get3A_1033 = arith.index_cast %get3A_1031 : i32 to index
        %get3A_1034 = arith.index_cast %add3A_856 : i32 to index
        %get3A_1035 = arith.constant 32 : index
        %get3A_1036 = tpu.vector_load %arg13[%get3A_1032, %get3A_1033, %get3A_1034, %get3A_1035] {strides = array<i32>} : memref<2x8x100x64xf32, #tpu.memory_space<vmem>>, vector<1x1x1x16xf32>,
        %get3A_1037 = vector.shape_cast %get3A_1036 : vector<1x1x1x16xf32> to vector<16xf32>
        %add3A_1038 = arith.addf %add3A_1029, %get3A_1037 : vector<16xf32>
        %get3A_1039 = arith.constant 0 : i32
        %get3A_1040 = arith.constant 3 : i32
        %get3A_1041 = arith.index_cast %get3A_1039 : i32 to index
        %get3A_1042 = arith.index_cast %get3A_1040 : i32 to index
        %get3A_1043 = arith.index_cast %add3A_856 : i32 to index
        %get3A_1044 = arith.constant 32 : index
        %get3A_1045 = tpu.vector_load %arg13[%get3A_1041, %get3A_1042, %get3A_1043, %get3A_1044] {strides = array<i32>} : memref<2x8x100x64xf32, #tpu.memory_space<vmem>>, vector<1x1x1x16xf32>,
        %get3A_1046 = vector.shape_cast %get3A_1045 : vector<1x1x1x16xf32> to vector<16xf32>
        %add3A_1047 = arith.addf %add3A_1038, %get3A_1046 : vector<16xf32>
        %get3A_1048 = arith.constant 0 : i32
        %get3A_1049 = arith.constant 4 : i32
        %get3A_1050 = arith.index_cast %get3A_1048 : i32 to index
        %get3A_1051 = arith.index_cast %get3A_1049 : i32 to index
        %get3A_1052 = arith.index_cast %add3A_856 : i32 to index
        %get3A_1053 = arith.constant 32 : index
        %get3A_1054 = tpu.vector_load %arg13[%get3A_1050, %get3A_1051, %get3A_1052, %get3A_1053] {strides = array<i32>} : memref<2x8x100x64xf32, #tpu.memory_space<vmem>>, vector<1x1x1x16xf32>,
        %get3A_1055 = vector.shape_cast %get3A_1054 : vector<1x1x1x16xf32> to vector<16xf32>
        %add3A_1056 = arith.addf %add3A_1047, %get3A_1055 : vector<16xf32>
        %get3A_1057 = arith.constant 0 : i32
        %get3A_1058 = arith.constant 5 : i32
        %get3A_1059 = arith.index_cast %get3A_1057 : i32 to index
        %get3A_1060 = arith.index_cast %get3A_1058 : i32 to index
        %get3A_1061 = arith.index_cast %add3A_856 : i32 to index
        %get3A_1062 = arith.constant 32 : index
        %get3A_1063 = tpu.vector_load %arg13[%get3A_1059, %get3A_1060, %get3A_1061, %get3A_1062] {strides = array<i32>} : memref<2x8x100x64xf32, #tpu.memory_space<vmem>>, vector<1x1x1x16xf32>,
        %get3A_1064 = vector.shape_cast %get3A_1063 : vector<1x1x1x16xf32> to vector<16xf32>
        %add3A_1065 = arith.addf %add3A_1056, %get3A_1064 : vector<16xf32>
        %get3A_1066 = arith.constant 0 : i32
        %get3A_1067 = arith.constant 6 : i32
        %get3A_1068 = arith.index_cast %get3A_1066 : i32 to index
        %get3A_1069 = arith.index_cast %get3A_1067 : i32 to index
        %get3A_1070 = arith.index_cast %add3A_856 : i32 to index
        %get3A_1071 = arith.constant 32 : index
        %get3A_1072 = tpu.vector_load %arg13[%get3A_1068, %get3A_1069, %get3A_1070, %get3A_1071] {strides = array<i32>} : memref<2x8x100x64xf32, #tpu.memory_space<vmem>>, vector<1x1x1x16xf32>,
        %get3A_1073 = vector.shape_cast %get3A_1072 : vector<1x1x1x16xf32> to vector<16xf32>
        %add3A_1074 = arith.addf %add3A_1065, %get3A_1073 : vector<16xf32>
        %get3A_1075 = arith.constant 0 : i32
        %get3A_1076 = arith.constant 7 : i32
        %get3A_1077 = arith.index_cast %get3A_1075 : i32 to index
        %get3A_1078 = arith.index_cast %get3A_1076 : i32 to index
        %get3A_1079 = arith.index_cast %add3A_856 : i32 to index
        %get3A_1080 = arith.constant 32 : index
        %get3A_1081 = tpu.vector_load %arg13[%get3A_1077, %get3A_1078, %get3A_1079, %get3A_1080] {strides = array<i32>} : memref<2x8x100x64xf32, #tpu.memory_space<vmem>>, vector<1x1x1x16xf32>,
        %get3A_1082 = vector.shape_cast %get3A_1081 : vector<1x1x1x16xf32> to vector<16xf32>
        %add3A_1083 = arith.addf %add3A_1074, %get3A_1082 : vector<16xf32>
        %add3A_1084 = arith.constant 0 : i32
        %add3A_1085 = arith.addi %add3A_1084, %scan3A_537 : i32
        %swap3A_1086 = arith.index_cast %add3A_1085 : i32 to index
        %swap3A_1087 = arith.constant 96 : index
        %swap3A_1088 = tpu.vector_load %arg14[%swap3A_1086, %swap3A_1087] {strides = array<i32>} : memref<100x128xf32, #tpu.memory_space<vmem>>, vector<1x16xf32>,
        %swap3A_1089 = vector.shape_cast %swap3A_1088 : vector<1x16xf32> to vector<16xf32>
        %swap3A_1090 = vector.shape_cast %add3A_1083 : vector<16xf32> to vector<1x16xf32>
        tpu.vector_store %arg14[%swap3A_1086, %swap3A_1087], %swap3A_1090 {strides = array<i32>} : memref<100x128xf32, #tpu.memory_space<vmem>>, vector<1x16xf32>,
        %get3A_1091 = arith.constant 0 : i32
        %get3A_1092 = arith.constant 0 : i32
        %get3A_1093 = arith.index_cast %get3A_1091 : i32 to index
        %get3A_1094 = arith.index_cast %get3A_1092 : i32 to index
        %get3A_1095 = arith.index_cast %add3A_856 : i32 to index
        %get3A_1096 = arith.constant 48 : index
        %get3A_1097 = tpu.vector_load %arg13[%get3A_1093, %get3A_1094, %get3A_1095, %get3A_1096] {strides = array<i32>} : memref<2x8x100x64xf32, #tpu.memory_space<vmem>>, vector<1x1x1x16xf32>,
        %get3A_1098 = vector.shape_cast %get3A_1097 : vector<1x1x1x16xf32> to vector<16xf32>
        %get3A_1099 = arith.constant 0 : i32
        %get3A_1100 = arith.constant 1 : i32
        %get3A_1101 = arith.index_cast %get3A_1099 : i32 to index
        %get3A_1102 = arith.index_cast %get3A_1100 : i32 to index
        %get3A_1103 = arith.index_cast %add3A_856 : i32 to index
        %get3A_1104 = arith.constant 48 : index
        %get3A_1105 = tpu.vector_load %arg13[%get3A_1101, %get3A_1102, %get3A_1103, %get3A_1104] {strides = array<i32>} : memref<2x8x100x64xf32, #tpu.memory_space<vmem>>, vector<1x1x1x16xf32>,
        %get3A_1106 = vector.shape_cast %get3A_1105 : vector<1x1x1x16xf32> to vector<16xf32>
        %add3A_1107 = arith.addf %get3A_1098, %get3A_1106 : vector<16xf32>
        %get3A_1108 = arith.constant 0 : i32
        %get3A_1109 = arith.constant 2 : i32
        %get3A_1110 = arith.index_cast %get3A_1108 : i32 to index
        %get3A_1111 = arith.index_cast %get3A_1109 : i32 to index
        %get3A_1112 = arith.index_cast %add3A_856 : i32 to index
        %get3A_1113 = arith.constant 48 : index
        %get3A_1114 = tpu.vector_load %arg13[%get3A_1110, %get3A_1111, %get3A_1112, %get3A_1113] {strides = array<i32>} : memref<2x8x100x64xf32, #tpu.memory_space<vmem>>, vector<1x1x1x16xf32>,
        %get3A_1115 = vector.shape_cast %get3A_1114 : vector<1x1x1x16xf32> to vector<16xf32>
        %add3A_1116 = arith.addf %add3A_1107, %get3A_1115 : vector<16xf32>
        %get3A_1117 = arith.constant 0 : i32
        %get3A_1118 = arith.constant 3 : i32
        %get3A_1119 = arith.index_cast %get3A_1117 : i32 to index
        %get3A_1120 = arith.index_cast %get3A_1118 : i32 to index
        %get3A_1121 = arith.index_cast %add3A_856 : i32 to index
        %get3A_1122 = arith.constant 48 : index
        %get3A_1123 = tpu.vector_load %arg13[%get3A_1119, %get3A_1120, %get3A_1121, %get3A_1122] {strides = array<i32>} : memref<2x8x100x64xf32, #tpu.memory_space<vmem>>, vector<1x1x1x16xf32>,
        %get3A_1124 = vector.shape_cast %get3A_1123 : vector<1x1x1x16xf32> to vector<16xf32>
        %add3A_1125 = arith.addf %add3A_1116, %get3A_1124 : vector<16xf32>
        %get3A_1126 = arith.constant 0 : i32
        %get3A_1127 = arith.constant 4 : i32
        %get3A_1128 = arith.index_cast %get3A_1126 : i32 to index
        %get3A_1129 = arith.index_cast %get3A_1127 : i32 to index
        %get3A_1130 = arith.index_cast %add3A_856 : i32 to index
        %get3A_1131 = arith.constant 48 : index
        %get3A_1132 = tpu.vector_load %arg13[%get3A_1128, %get3A_1129, %get3A_1130, %get3A_1131] {strides = array<i32>} : memref<2x8x100x64xf32, #tpu.memory_space<vmem>>, vector<1x1x1x16xf32>,
        %get3A_1133 = vector.shape_cast %get3A_1132 : vector<1x1x1x16xf32> to vector<16xf32>
        %add3A_1134 = arith.addf %add3A_1125, %get3A_1133 : vector<16xf32>
        %get3A_1135 = arith.constant 0 : i32
        %get3A_1136 = arith.constant 5 : i32
        %get3A_1137 = arith.index_cast %get3A_1135 : i32 to index
        %get3A_1138 = arith.index_cast %get3A_1136 : i32 to index
        %get3A_1139 = arith.index_cast %add3A_856 : i32 to index
        %get3A_1140 = arith.constant 48 : index
        %get3A_1141 = tpu.vector_load %arg13[%get3A_1137, %get3A_1138, %get3A_1139, %get3A_1140] {strides = array<i32>} : memref<2x8x100x64xf32, #tpu.memory_space<vmem>>, vector<1x1x1x16xf32>,
        %get3A_1142 = vector.shape_cast %get3A_1141 : vector<1x1x1x16xf32> to vector<16xf32>
        %add3A_1143 = arith.addf %add3A_1134, %get3A_1142 : vector<16xf32>
        %get3A_1144 = arith.constant 0 : i32
        %get3A_1145 = arith.constant 6 : i32
        %get3A_1146 = arith.index_cast %get3A_1144 : i32 to index
        %get3A_1147 = arith.index_cast %get3A_1145 : i32 to index
        %get3A_1148 = arith.index_cast %add3A_856 : i32 to index
        %get3A_1149 = arith.constant 48 : index
        %get3A_1150 = tpu.vector_load %arg13[%get3A_1146, %get3A_1147, %get3A_1148, %get3A_1149] {strides = array<i32>} : memref<2x8x100x64xf32, #tpu.memory_space<vmem>>, vector<1x1x1x16xf32>,
        %get3A_1151 = vector.shape_cast %get3A_1150 : vector<1x1x1x16xf32> to vector<16xf32>
        %add3A_1152 = arith.addf %add3A_1143, %get3A_1151 : vector<16xf32>
        %get3A_1153 = arith.constant 0 : i32
        %get3A_1154 = arith.constant 7 : i32
        %get3A_1155 = arith.index_cast %get3A_1153 : i32 to index
        %get3A_1156 = arith.index_cast %get3A_1154 : i32 to index
        %get3A_1157 = arith.index_cast %add3A_856 : i32 to index
        %get3A_1158 = arith.constant 48 : index
        %get3A_1159 = tpu.vector_load %arg13[%get3A_1155, %get3A_1156, %get3A_1157, %get3A_1158] {strides = array<i32>} : memref<2x8x100x64xf32, #tpu.memory_space<vmem>>, vector<1x1x1x16xf32>,
        %get3A_1160 = vector.shape_cast %get3A_1159 : vector<1x1x1x16xf32> to vector<16xf32>
        %add3A_1161 = arith.addf %add3A_1152, %get3A_1160 : vector<16xf32>
        %add3A_1162 = arith.constant 0 : i32
        %add3A_1163 = arith.addi %add3A_1162, %scan3A_537 : i32
        %swap3A_1164 = arith.index_cast %add3A_1163 : i32 to index
        %swap3A_1165 = arith.constant 112 : index
        %swap3A_1166 = tpu.vector_load %arg14[%swap3A_1164, %swap3A_1165] {strides = array<i32>} : memref<100x128xf32, #tpu.memory_space<vmem>>, vector<1x16xf32>,
        %swap3A_1167 = vector.shape_cast %swap3A_1166 : vector<1x16xf32> to vector<16xf32>
        %swap3A_1168 = vector.shape_cast %add3A_1161 : vector<16xf32> to vector<1x16xf32>
        tpu.vector_store %arg14[%swap3A_1164, %swap3A_1165], %swap3A_1168 {strides = array<i32>} : memref<100x128xf32, #tpu.memory_space<vmem>>, vector<1x16xf32>,
        %scan3A_1169 = arith.constant 0 : i32
        scf.yield %scan3A_1169 : i32
      }
      %scan3A_397 = arith.constant 50 : i32
      %dma_wait3A_398 = arith.constant 1 : i32
      %dma_wait3A_399 = arith.constant 0 : i32
      %dma_wait3A_400 = arith.constant 0 : i32
      %dma_wait3A_401 = arith.constant 0 : i32
      %dma_wait3A_402 = tpu.memref_slice %arg13[%dma_wait3A_398, %dma_wait3A_399, %dma_wait3A_400, %dma_wait3A_401] : memref<2x8x100x64xf32, #tpu.memory_space<vmem>> -> memref<1x1x100x64xf32, #tpu.memory_space<vmem>>
      %dma_wait3A_403 = tpu.memref_squeeze %dma_wait3A_402 : memref<1x1x100x64xf32, #tpu.memory_space<vmem>> -> memref<100x64xf32, #tpu.memory_space<vmem>>
      %dma_wait3A_404 = arith.constant 0 : i32
      %dma_wait3A_405 = arith.constant 0 : i32
      %dma_wait3A_406 = tpu.memref_slice %arg3[%dma_wait3A_404, %dma_wait3A_405] : memref<100001x64xf32, #tpu.memory_space<hbm>> -> memref<100x64xf32, #tpu.memory_space<hbm>>
      %dma_wait3A_407 = arith.constant 0 : i32
      %dma_wait3A_408 = arith.constant 0 : i32
      %dma_wait3A_409 = tpu.memref_slice %arg13[%dma_wait3A_398, %dma_wait3A_399, %dma_wait3A_407, %dma_wait3A_408] : memref<2x8x100x64xf32, #tpu.memory_space<vmem>> -> memref<1x1x100x64xf32, #tpu.memory_space<vmem>>
      %dma_wait3A_410 = tpu.memref_squeeze %dma_wait3A_409 : memref<1x1x100x64xf32, #tpu.memory_space<vmem>> -> memref<100x64xf32, #tpu.memory_space<vmem>>
      %dma_wait3A_411 = arith.constant 0 : i32
      %dma_wait3A_412 = arith.constant 0 : i32
      %dma_wait3A_413 = tpu.memref_slice %arg3[%dma_wait3A_411, %dma_wait3A_412] : memref<100001x64xf32, #tpu.memory_space<hbm>> -> memref<100x64xf32, #tpu.memory_space<hbm>>
      tpu.wait_dma2 semaphore(%arg17 : memref<!tpu.dma_semaphore, #tpu.memory_space<semaphore_mem>>) src(%dma_wait3A_413 : memref<100x64xf32, #tpu.memory_space<hbm>>) dst(%dma_wait3A_410 : memref<100x64xf32, #tpu.memory_space<vmem>>)
      %dma_wait3A_414 = arith.constant 1 : i32
      %dma_wait3A_415 = arith.constant 1 : i32
      %dma_wait3A_416 = arith.constant 0 : i32
      %dma_wait3A_417 = arith.constant 0 : i32
      %dma_wait3A_418 = tpu.memref_slice %arg13[%dma_wait3A_414, %dma_wait3A_415, %dma_wait3A_416, %dma_wait3A_417] : memref<2x8x100x64xf32, #tpu.memory_space<vmem>> -> memref<1x1x100x64xf32, #tpu.memory_space<vmem>>
      %dma_wait3A_419 = tpu.memref_squeeze %dma_wait3A_418 : memref<1x1x100x64xf32, #tpu.memory_space<vmem>> -> memref<100x64xf32, #tpu.memory_space<vmem>>
      %dma_wait3A_420 = arith.constant 0 : i32
      %dma_wait3A_421 = arith.constant 0 : i32
      %dma_wait3A_422 = tpu.memref_slice %arg4[%dma_wait3A_420, %dma_wait3A_421] : memref<100001x64xf32, #tpu.memory_space<hbm>> -> memref<100x64xf32, #tpu.memory_space<hbm>>
      %dma_wait3A_423 = arith.constant 0 : i32
      %dma_wait3A_424 = arith.constant 0 : i32
      %dma_wait3A_425 = tpu.memref_slice %arg13[%dma_wait3A_414, %dma_wait3A_415, %dma_wait3A_423, %dma_wait3A_424] : memref<2x8x100x64xf32, #tpu.memory_space<vmem>> -> memref<1x1x100x64xf32, #tpu.memory_space<vmem>>
      %dma_wait3A_426 = tpu.memref_squeeze %dma_wait3A_425 : memref<1x1x100x64xf32, #tpu.memory_space<vmem>> -> memref<100x64xf32, #tpu.memory_space<vmem>>
      %dma_wait3A_427 = arith.constant 0 : i32
      %dma_wait3A_428 = arith.constant 0 : i32
      %dma_wait3A_429 = tpu.memref_slice %arg4[%dma_wait3A_427, %dma_wait3A_428] : memref<100001x64xf32, #tpu.memory_space<hbm>> -> memref<100x64xf32, #tpu.memory_space<hbm>>
      tpu.wait_dma2 semaphore(%arg17 : memref<!tpu.dma_semaphore, #tpu.memory_space<semaphore_mem>>) src(%dma_wait3A_429 : memref<100x64xf32, #tpu.memory_space<hbm>>) dst(%dma_wait3A_426 : memref<100x64xf32, #tpu.memory_space<vmem>>)
      %dma_wait3A_430 = arith.constant 1 : i32
      %dma_wait3A_431 = arith.constant 2 : i32
      %dma_wait3A_432 = arith.constant 0 : i32
      %dma_wait3A_433 = arith.constant 0 : i32
      %dma_wait3A_434 = tpu.memref_slice %arg13[%dma_wait3A_430, %dma_wait3A_431, %dma_wait3A_432, %dma_wait3A_433] : memref<2x8x100x64xf32, #tpu.memory_space<vmem>> -> memref<1x1x100x64xf32, #tpu.memory_space<vmem>>
      %dma_wait3A_435 = tpu.memref_squeeze %dma_wait3A_434 : memref<1x1x100x64xf32, #tpu.memory_space<vmem>> -> memref<100x64xf32, #tpu.memory_space<vmem>>
      %dma_wait3A_436 = arith.constant 0 : i32
      %dma_wait3A_437 = arith.constant 0 : i32
      %dma_wait3A_438 = tpu.memref_slice %arg5[%dma_wait3A_436, %dma_wait3A_437] : memref<100001x64xf32, #tpu.memory_space<hbm>> -> memref<100x64xf32, #tpu.memory_space<hbm>>
      %dma_wait3A_439 = arith.constant 0 : i32
      %dma_wait3A_440 = arith.constant 0 : i32
      %dma_wait3A_441 = tpu.memref_slice %arg13[%dma_wait3A_430, %dma_wait3A_431, %dma_wait3A_439, %dma_wait3A_440] : memref<2x8x100x64xf32, #tpu.memory_space<vmem>> -> memref<1x1x100x64xf32, #tpu.memory_space<vmem>>
      %dma_wait3A_442 = tpu.memref_squeeze %dma_wait3A_441 : memref<1x1x100x64xf32, #tpu.memory_space<vmem>> -> memref<100x64xf32, #tpu.memory_space<vmem>>
      %dma_wait3A_443 = arith.constant 0 : i32
      %dma_wait3A_444 = arith.constant 0 : i32
      %dma_wait3A_445 = tpu.memref_slice %arg5[%dma_wait3A_443, %dma_wait3A_444] : memref<100001x64xf32, #tpu.memory_space<hbm>> -> memref<100x64xf32, #tpu.memory_space<hbm>>
      tpu.wait_dma2 semaphore(%arg17 : memref<!tpu.dma_semaphore, #tpu.memory_space<semaphore_mem>>) src(%dma_wait3A_445 : memref<100x64xf32, #tpu.memory_space<hbm>>) dst(%dma_wait3A_442 : memref<100x64xf32, #tpu.memory_space<vmem>>)
      %dma_wait3A_446 = arith.constant 1 : i32
      %dma_wait3A_447 = arith.constant 3 : i32
      %dma_wait3A_448 = arith.constant 0 : i32
      %dma_wait3A_449 = arith.constant 0 : i32
      %dma_wait3A_450 = tpu.memref_slice %arg13[%dma_wait3A_446, %dma_wait3A_447, %dma_wait3A_448, %dma_wait3A_449] : memref<2x8x100x64xf32, #tpu.memory_space<vmem>> -> memref<1x1x100x64xf32, #tpu.memory_space<vmem>>
      %dma_wait3A_451 = tpu.memref_squeeze %dma_wait3A_450 : memref<1x1x100x64xf32, #tpu.memory_space<vmem>> -> memref<100x64xf32, #tpu.memory_space<vmem>>
      %dma_wait3A_452 = arith.constant 0 : i32
      %dma_wait3A_453 = arith.constant 0 : i32
      %dma_wait3A_454 = tpu.memref_slice %arg6[%dma_wait3A_452, %dma_wait3A_453] : memref<100001x64xf32, #tpu.memory_space<hbm>> -> memref<100x64xf32, #tpu.memory_space<hbm>>
      %dma_wait3A_455 = arith.constant 0 : i32
      %dma_wait3A_456 = arith.constant 0 : i32
      %dma_wait3A_457 = tpu.memref_slice %arg13[%dma_wait3A_446, %dma_wait3A_447, %dma_wait3A_455, %dma_wait3A_456] : memref<2x8x100x64xf32, #tpu.memory_space<vmem>> -> memref<1x1x100x64xf32, #tpu.memory_space<vmem>>
      %dma_wait3A_458 = tpu.memref_squeeze %dma_wait3A_457 : memref<1x1x100x64xf32, #tpu.memory_space<vmem>> -> memref<100x64xf32, #tpu.memory_space<vmem>>
      %dma_wait3A_459 = arith.constant 0 : i32
      %dma_wait3A_460 = arith.constant 0 : i32
      %dma_wait3A_461 = tpu.memref_slice %arg6[%dma_wait3A_459, %dma_wait3A_460] : memref<100001x64xf32, #tpu.memory_space<hbm>> -> memref<100x64xf32, #tpu.memory_space<hbm>>
      tpu.wait_dma2 semaphore(%arg17 : memref<!tpu.dma_semaphore, #tpu.memory_space<semaphore_mem>>) src(%dma_wait3A_461 : memref<100x64xf32, #tpu.memory_space<hbm>>) dst(%dma_wait3A_458 : memref<100x64xf32, #tpu.memory_space<vmem>>)
      %dma_wait3A_462 = arith.constant 1 : i32
      %dma_wait3A_463 = arith.constant 4 : i32
      %dma_wait3A_464 = arith.constant 0 : i32
      %dma_wait3A_465 = arith.constant 0 : i32
      %dma_wait3A_466 = tpu.memref_slice %arg13[%dma_wait3A_462, %dma_wait3A_463, %dma_wait3A_464, %dma_wait3A_465] : memref<2x8x100x64xf32, #tpu.memory_space<vmem>> -> memref<1x1x100x64xf32, #tpu.memory_space<vmem>>
      %dma_wait3A_467 = tpu.memref_squeeze %dma_wait3A_466 : memref<1x1x100x64xf32, #tpu.memory_space<vmem>> -> memref<100x64xf32, #tpu.memory_space<vmem>>
      %dma_wait3A_468 = arith.constant 0 : i32
      %dma_wait3A_469 = arith.constant 0 : i32
      %dma_wait3A_470 = tpu.memref_slice %arg7[%dma_wait3A_468, %dma_wait3A_469] : memref<100001x64xf32, #tpu.memory_space<hbm>> -> memref<100x64xf32, #tpu.memory_space<hbm>>
      %dma_wait3A_471 = arith.constant 0 : i32
      %dma_wait3A_472 = arith.constant 0 : i32
      %dma_wait3A_473 = tpu.memref_slice %arg13[%dma_wait3A_462, %dma_wait3A_463, %dma_wait3A_471, %dma_wait3A_472] : memref<2x8x100x64xf32, #tpu.memory_space<vmem>> -> memref<1x1x100x64xf32, #tpu.memory_space<vmem>>
      %dma_wait3A_474 = tpu.memref_squeeze %dma_wait3A_473 : memref<1x1x100x64xf32, #tpu.memory_space<vmem>> -> memref<100x64xf32, #tpu.memory_space<vmem>>
      %dma_wait3A_475 = arith.constant 0 : i32
      %dma_wait3A_476 = arith.constant 0 : i32
      %dma_wait3A_477 = tpu.memref_slice %arg7[%dma_wait3A_475, %dma_wait3A_476] : memref<100001x64xf32, #tpu.memory_space<hbm>> -> memref<100x64xf32, #tpu.memory_space<hbm>>
      tpu.wait_dma2 semaphore(%arg17 : memref<!tpu.dma_semaphore, #tpu.memory_space<semaphore_mem>>) src(%dma_wait3A_477 : memref<100x64xf32, #tpu.memory_space<hbm>>) dst(%dma_wait3A_474 : memref<100x64xf32, #tpu.memory_space<vmem>>)
      %dma_wait3A_478 = arith.constant 1 : i32
      %dma_wait3A_479 = arith.constant 5 : i32
      %dma_wait3A_480 = arith.constant 0 : i32
      %dma_wait3A_481 = arith.constant 0 : i32
      %dma_wait3A_482 = tpu.memref_slice %arg13[%dma_wait3A_478, %dma_wait3A_479, %dma_wait3A_480, %dma_wait3A_481] : memref<2x8x100x64xf32, #tpu.memory_space<vmem>> -> memref<1x1x100x64xf32, #tpu.memory_space<vmem>>
      %dma_wait3A_483 = tpu.memref_squeeze %dma_wait3A_482 : memref<1x1x100x64xf32, #tpu.memory_space<vmem>> -> memref<100x64xf32, #tpu.memory_space<vmem>>
      %dma_wait3A_484 = arith.constant 0 : i32
      %dma_wait3A_485 = arith.constant 0 : i32
      %dma_wait3A_486 = tpu.memref_slice %arg8[%dma_wait3A_484, %dma_wait3A_485] : memref<100001x64xf32, #tpu.memory_space<hbm>> -> memref<100x64xf32, #tpu.memory_space<hbm>>
      %dma_wait3A_487 = arith.constant 0 : i32
      %dma_wait3A_488 = arith.constant 0 : i32
      %dma_wait3A_489 = tpu.memref_slice %arg13[%dma_wait3A_478, %dma_wait3A_479, %dma_wait3A_487, %dma_wait3A_488] : memref<2x8x100x64xf32, #tpu.memory_space<vmem>> -> memref<1x1x100x64xf32, #tpu.memory_space<vmem>>
      %dma_wait3A_490 = tpu.memref_squeeze %dma_wait3A_489 : memref<1x1x100x64xf32, #tpu.memory_space<vmem>> -> memref<100x64xf32, #tpu.memory_space<vmem>>
      %dma_wait3A_491 = arith.constant 0 : i32
      %dma_wait3A_492 = arith.constant 0 : i32
      %dma_wait3A_493 = tpu.memref_slice %arg8[%dma_wait3A_491, %dma_wait3A_492] : memref<100001x64xf32, #tpu.memory_space<hbm>> -> memref<100x64xf32, #tpu.memory_space<hbm>>
      tpu.wait_dma2 semaphore(%arg17 : memref<!tpu.dma_semaphore, #tpu.memory_space<semaphore_mem>>) src(%dma_wait3A_493 : memref<100x64xf32, #tpu.memory_space<hbm>>) dst(%dma_wait3A_490 : memref<100x64xf32, #tpu.memory_space<vmem>>)
      %dma_wait3A_494 = arith.constant 1 : i32
      %dma_wait3A_495 = arith.constant 6 : i32
      %dma_wait3A_496 = arith.constant 0 : i32
      %dma_wait3A_497 = arith.constant 0 : i32
      %dma_wait3A_498 = tpu.memref_slice %arg13[%dma_wait3A_494, %dma_wait3A_495, %dma_wait3A_496, %dma_wait3A_497] : memref<2x8x100x64xf32, #tpu.memory_space<vmem>> -> memref<1x1x100x64xf32, #tpu.memory_space<vmem>>
      %dma_wait3A_499 = tpu.memref_squeeze %dma_wait3A_498 : memref<1x1x100x64xf32, #tpu.memory_space<vmem>> -> memref<100x64xf32, #tpu.memory_space<vmem>>
      %dma_wait3A_500 = arith.constant 0 : i32
      %dma_wait3A_501 = arith.constant 0 : i32
      %dma_wait3A_502 = tpu.memref_slice %arg9[%dma_wait3A_500, %dma_wait3A_501] : memref<100001x64xf32, #tpu.memory_space<hbm>> -> memref<100x64xf32, #tpu.memory_space<hbm>>
      %dma_wait3A_503 = arith.constant 0 : i32
      %dma_wait3A_504 = arith.constant 0 : i32
      %dma_wait3A_505 = tpu.memref_slice %arg13[%dma_wait3A_494, %dma_wait3A_495, %dma_wait3A_503, %dma_wait3A_504] : memref<2x8x100x64xf32, #tpu.memory_space<vmem>> -> memref<1x1x100x64xf32, #tpu.memory_space<vmem>>
      %dma_wait3A_506 = tpu.memref_squeeze %dma_wait3A_505 : memref<1x1x100x64xf32, #tpu.memory_space<vmem>> -> memref<100x64xf32, #tpu.memory_space<vmem>>
      %dma_wait3A_507 = arith.constant 0 : i32
      %dma_wait3A_508 = arith.constant 0 : i32
      %dma_wait3A_509 = tpu.memref_slice %arg9[%dma_wait3A_507, %dma_wait3A_508] : memref<100001x64xf32, #tpu.memory_space<hbm>> -> memref<100x64xf32, #tpu.memory_space<hbm>>
      tpu.wait_dma2 semaphore(%arg17 : memref<!tpu.dma_semaphore, #tpu.memory_space<semaphore_mem>>) src(%dma_wait3A_509 : memref<100x64xf32, #tpu.memory_space<hbm>>) dst(%dma_wait3A_506 : memref<100x64xf32, #tpu.memory_space<vmem>>)
      %dma_wait3A_510 = arith.constant 1 : i32
      %dma_wait3A_511 = arith.constant 7 : i32
      %dma_wait3A_512 = arith.constant 0 : i32
      %dma_wait3A_513 = arith.constant 0 : i32
      %dma_wait3A_514 = tpu.memref_slice %arg13[%dma_wait3A_510, %dma_wait3A_511, %dma_wait3A_512, %dma_wait3A_513] : memref<2x8x100x64xf32, #tpu.memory_space<vmem>> -> memref<1x1x100x64xf32, #tpu.memory_space<vmem>>
      %dma_wait3A_515 = tpu.memref_squeeze %dma_wait3A_514 : memref<1x1x100x64xf32, #tpu.memory_space<vmem>> -> memref<100x64xf32, #tpu.memory_space<vmem>>
      %dma_wait3A_516 = arith.constant 0 : i32
      %dma_wait3A_517 = arith.constant 0 : i32
      %dma_wait3A_518 = tpu.memref_slice %arg10[%dma_wait3A_516, %dma_wait3A_517] : memref<100001x64xf32, #tpu.memory_space<hbm>> -> memref<100x64xf32, #tpu.memory_space<hbm>>
      %dma_wait3A_519 = arith.constant 0 : i32
      %dma_wait3A_520 = arith.constant 0 : i32
      %dma_wait3A_521 = tpu.memref_slice %arg13[%dma_wait3A_510, %dma_wait3A_511, %dma_wait3A_519, %dma_wait3A_520] : memref<2x8x100x64xf32, #tpu.memory_space<vmem>> -> memref<1x1x100x64xf32, #tpu.memory_space<vmem>>
      %dma_wait3A_522 = tpu.memref_squeeze %dma_wait3A_521 : memref<1x1x100x64xf32, #tpu.memory_space<vmem>> -> memref<100x64xf32, #tpu.memory_space<vmem>>
      %dma_wait3A_523 = arith.constant 0 : i32
      %dma_wait3A_524 = arith.constant 0 : i32
      %dma_wait3A_525 = tpu.memref_slice %arg10[%dma_wait3A_523, %dma_wait3A_524] : memref<100001x64xf32, #tpu.memory_space<hbm>> -> memref<100x64xf32, #tpu.memory_space<hbm>>
      tpu.wait_dma2 semaphore(%arg17 : memref<!tpu.dma_semaphore, #tpu.memory_space<semaphore_mem>>) src(%dma_wait3A_525 : memref<100x64xf32, #tpu.memory_space<hbm>>) dst(%dma_wait3A_522 : memref<100x64xf32, #tpu.memory_space<vmem>>)
      %lt3A = arith.constant 31 : i32
      %lt3A_526 = arith.cmpi slt, %scan3A_157, %lt3A : i32
      %convert_element_type3A = arith.extui %lt3A_526 : i1 to i32
      %cond3A = arith.constant 0 : i32
      %cond3A_527 = arith.cmpi ne, %convert_element_type3A, %cond3A : i32
      scf.if %cond3A_527 {
        %add3A_537 = arith.constant 1 : i32
        %add3A_538 = arith.addi %scan3A_157, %add3A_537 : i32
        %rem3A_539 = arith.constant 4 : i32
        %rem3A_540 = arith.remsi %add3A_538, %rem3A_539 : i32
        %dma_wait3A_541 = arith.constant 0 : i32
        %dma_wait3A_542 = arith.constant 0 : i32
        %dma_wait3A_543 = arith.constant 0 : i32
        %dma_wait3A_544 = tpu.memref_slice %arg12[%rem3A_540, %dma_wait3A_542, %dma_wait3A_543] : memref<4x16x100xi32, #tpu.memory_space<vmem>> -> memref<1x16x100xi32, #tpu.memory_space<vmem>>
        %dma_wait3A_545 = tpu.memref_squeeze %dma_wait3A_544 : memref<1x16x100xi32, #tpu.memory_space<vmem>> -> memref<16x100xi32, #tpu.memory_space<vmem>>
        %dma_wait3A_546 = arith.constant 0 : i32
        %dma_wait3A_547 = arith.constant 0 : i32
        %dma_wait3A_548 = tpu.memref_slice %arg2[%dma_wait3A_541, %dma_wait3A_546, %dma_wait3A_547] : memref<1024x16x100xi32, #tpu.memory_space<hbm>> -> memref<1x16x100xi32, #tpu.memory_space<hbm>>
        %dma_wait3A_549 = tpu.memref_squeeze %dma_wait3A_548 : memref<1x16x100xi32, #tpu.memory_space<hbm>> -> memref<16x100xi32, #tpu.memory_space<hbm>>
        %dma_wait3A_550 = arith.constant 0 : i32
        %dma_wait3A_551 = arith.constant 0 : i32
        %dma_wait3A_552 = tpu.memref_slice %arg12[%rem3A_540, %dma_wait3A_550, %dma_wait3A_551] : memref<4x16x100xi32, #tpu.memory_space<vmem>> -> memref<1x16x100xi32, #tpu.memory_space<vmem>>
        %dma_wait3A_553 = tpu.memref_squeeze %dma_wait3A_552 : memref<1x16x100xi32, #tpu.memory_space<vmem>> -> memref<16x100xi32, #tpu.memory_space<vmem>>
        %dma_wait3A_554 = arith.constant 0 : i32
        %dma_wait3A_555 = arith.constant 0 : i32
        %dma_wait3A_556 = tpu.memref_slice %arg2[%dma_wait3A_541, %dma_wait3A_554, %dma_wait3A_555] : memref<1024x16x100xi32, #tpu.memory_space<hbm>> -> memref<1x16x100xi32, #tpu.memory_space<hbm>>
        %dma_wait3A_557 = tpu.memref_squeeze %dma_wait3A_556 : memref<1x16x100xi32, #tpu.memory_space<hbm>> -> memref<16x100xi32, #tpu.memory_space<hbm>>
        tpu.wait_dma2 semaphore(%arg15 : memref<!tpu.dma_semaphore, #tpu.memory_space<semaphore_mem>>) src(%dma_wait3A_557 : memref<16x100xi32, #tpu.memory_space<hbm>>) dst(%dma_wait3A_553 : memref<16x100xi32, #tpu.memory_space<vmem>>)
        %add3A_558 = arith.constant 1 : i32
        %add3A_559 = arith.addi %scan3A_157, %add3A_558 : i32
        %rem3A_560 = arith.constant 4 : i32
        %rem3A_561 = arith.remsi %add3A_559, %rem3A_560 : i32
        %dma_start3A_562 = arith.constant 0 : i32
        %dma_start3A_563 = arith.constant 0 : i32
        %dma_start3A_564 = arith.constant 0 : i32
        %dma_start3A_565 = arith.constant 0 : i32
        %dma_start3A_566 = arith.constant 0 : i32
        %dma_start3A_567 = tpu.memref_slice %arg13[%dma_start3A_563, %dma_start3A_564, %dma_start3A_565, %dma_start3A_566] : memref<2x8x100x64xf32, #tpu.memory_space<vmem>> -> memref<1x1x100x64xf32, #tpu.memory_space<vmem>>
        %dma_start3A_568 = tpu.memref_squeeze %dma_start3A_567 : memref<1x1x100x64xf32, #tpu.memory_space<vmem>> -> memref<100x64xf32, #tpu.memory_space<vmem>>
        %dma_start3A_569 = arith.constant 0 : i32
        %dma_start3A_570 = tpu.memref_slice %arg12[%rem3A_561, %dma_start3A_562, %dma_start3A_569] : memref<4x16x100xi32, #tpu.memory_space<vmem>> -> memref<1x1x100xi32, #tpu.memory_space<vmem>>
        %dma_start3A_571 = tpu.memref_squeeze %dma_start3A_570 : memref<1x1x100xi32, #tpu.memory_space<vmem>> -> memref<100xi32, #tpu.memory_space<vmem>>
        %dma_start3A_572 = arith.constant 0 : i32
        %dma_start3A_573 = arith.constant 0 : i32
        %dma_start3A_574 = tpu.memref_slice %arg3[%dma_start3A_572, %dma_start3A_573] : memref<100001x64xf32, #tpu.memory_space<hbm>> -> memref<100001x64xf32, #tpu.memory_space<hbm>>
        tpu.enqueue_indirect_dma source(%dma_start3A_574 : memref<100001x64xf32, #tpu.memory_space<hbm>>) target(%dma_start3A_568 : memref<100x64xf32, #tpu.memory_space<vmem>>) offsets(%dma_start3A_571 : memref<100xi32, #tpu.memory_space<vmem>>) semaphore(%arg16 : memref<!tpu.dma_semaphore, #tpu.memory_space<semaphore_mem>>)
        %dma_start3A_575 = arith.constant 2 : i32
        %dma_start3A_576 = arith.constant 0 : i32
        %dma_start3A_577 = arith.constant 1 : i32
        %dma_start3A_578 = arith.constant 0 : i32
        %dma_start3A_579 = arith.constant 0 : i32
        %dma_start3A_580 = tpu.memref_slice %arg13[%dma_start3A_576, %dma_start3A_577, %dma_start3A_578, %dma_start3A_579] : memref<2x8x100x64xf32, #tpu.memory_space<vmem>> -> memref<1x1x100x64xf32, #tpu.memory_space<vmem>>
        %dma_start3A_581 = tpu.memref_squeeze %dma_start3A_580 : memref<1x1x100x64xf32, #tpu.memory_space<vmem>> -> memref<100x64xf32, #tpu.memory_space<vmem>>
        %dma_start3A_582 = arith.constant 0 : i32
        %dma_start3A_583 = tpu.memref_slice %arg12[%rem3A_561, %dma_start3A_575, %dma_start3A_582] : memref<4x16x100xi32, #tpu.memory_space<vmem>> -> memref<1x1x100xi32, #tpu.memory_space<vmem>>
        %dma_start3A_584 = tpu.memref_squeeze %dma_start3A_583 : memref<1x1x100xi32, #tpu.memory_space<vmem>> -> memref<100xi32, #tpu.memory_space<vmem>>
        %dma_start3A_585 = arith.constant 0 : i32
        %dma_start3A_586 = arith.constant 0 : i32
        %dma_start3A_587 = tpu.memref_slice %arg4[%dma_start3A_585, %dma_start3A_586] : memref<100001x64xf32, #tpu.memory_space<hbm>> -> memref<100001x64xf32, #tpu.memory_space<hbm>>
        tpu.enqueue_indirect_dma source(%dma_start3A_587 : memref<100001x64xf32, #tpu.memory_space<hbm>>) target(%dma_start3A_581 : memref<100x64xf32, #tpu.memory_space<vmem>>) offsets(%dma_start3A_584 : memref<100xi32, #tpu.memory_space<vmem>>) semaphore(%arg16 : memref<!tpu.dma_semaphore, #tpu.memory_space<semaphore_mem>>)
        %dma_start3A_588 = arith.constant 4 : i32
        %dma_start3A_589 = arith.constant 0 : i32
        %dma_start3A_590 = arith.constant 2 : i32
        %dma_start3A_591 = arith.constant 0 : i32
        %dma_start3A_592 = arith.constant 0 : i32
        %dma_start3A_593 = tpu.memref_slice %arg13[%dma_start3A_589, %dma_start3A_590, %dma_start3A_591, %dma_start3A_592] : memref<2x8x100x64xf32, #tpu.memory_space<vmem>> -> memref<1x1x100x64xf32, #tpu.memory_space<vmem>>
        %dma_start3A_594 = tpu.memref_squeeze %dma_start3A_593 : memref<1x1x100x64xf32, #tpu.memory_space<vmem>> -> memref<100x64xf32, #tpu.memory_space<vmem>>
        %dma_start3A_595 = arith.constant 0 : i32
        %dma_start3A_596 = tpu.memref_slice %arg12[%rem3A_561, %dma_start3A_588, %dma_start3A_595] : memref<4x16x100xi32, #tpu.memory_space<vmem>> -> memref<1x1x100xi32, #tpu.memory_space<vmem>>
        %dma_start3A_597 = tpu.memref_squeeze %dma_start3A_596 : memref<1x1x100xi32, #tpu.memory_space<vmem>> -> memref<100xi32, #tpu.memory_space<vmem>>
        %dma_start3A_598 = arith.constant 0 : i32
        %dma_start3A_599 = arith.constant 0 : i32
        %dma_start3A_600 = tpu.memref_slice %arg5[%dma_start3A_598, %dma_start3A_599] : memref<100001x64xf32, #tpu.memory_space<hbm>> -> memref<100001x64xf32, #tpu.memory_space<hbm>>
        tpu.enqueue_indirect_dma source(%dma_start3A_600 : memref<100001x64xf32, #tpu.memory_space<hbm>>) target(%dma_start3A_594 : memref<100x64xf32, #tpu.memory_space<vmem>>) offsets(%dma_start3A_597 : memref<100xi32, #tpu.memory_space<vmem>>) semaphore(%arg16 : memref<!tpu.dma_semaphore, #tpu.memory_space<semaphore_mem>>)
        %dma_start3A_601 = arith.constant 6 : i32
        %dma_start3A_602 = arith.constant 0 : i32
        %dma_start3A_603 = arith.constant 3 : i32
        %dma_start3A_604 = arith.constant 0 : i32
        %dma_start3A_605 = arith.constant 0 : i32
        %dma_start3A_606 = tpu.memref_slice %arg13[%dma_start3A_602, %dma_start3A_603, %dma_start3A_604, %dma_start3A_605] : memref<2x8x100x64xf32, #tpu.memory_space<vmem>> -> memref<1x1x100x64xf32, #tpu.memory_space<vmem>>
        %dma_start3A_607 = tpu.memref_squeeze %dma_start3A_606 : memref<1x1x100x64xf32, #tpu.memory_space<vmem>> -> memref<100x64xf32, #tpu.memory_space<vmem>>
        %dma_start3A_608 = arith.constant 0 : i32
        %dma_start3A_609 = tpu.memref_slice %arg12[%rem3A_561, %dma_start3A_601, %dma_start3A_608] : memref<4x16x100xi32, #tpu.memory_space<vmem>> -> memref<1x1x100xi32, #tpu.memory_space<vmem>>
        %dma_start3A_610 = tpu.memref_squeeze %dma_start3A_609 : memref<1x1x100xi32, #tpu.memory_space<vmem>> -> memref<100xi32, #tpu.memory_space<vmem>>
        %dma_start3A_611 = arith.constant 0 : i32
        %dma_start3A_612 = arith.constant 0 : i32
        %dma_start3A_613 = tpu.memref_slice %arg6[%dma_start3A_611, %dma_start3A_612] : memref<100001x64xf32, #tpu.memory_space<hbm>> -> memref<100001x64xf32, #tpu.memory_space<hbm>>
        tpu.enqueue_indirect_dma source(%dma_start3A_613 : memref<100001x64xf32, #tpu.memory_space<hbm>>) target(%dma_start3A_607 : memref<100x64xf32, #tpu.memory_space<vmem>>) offsets(%dma_start3A_610 : memref<100xi32, #tpu.memory_space<vmem>>) semaphore(%arg16 : memref<!tpu.dma_semaphore, #tpu.memory_space<semaphore_mem>>)
        %dma_start3A_614 = arith.constant 8 : i32
        %dma_start3A_615 = arith.constant 0 : i32
        %dma_start3A_616 = arith.constant 4 : i32
        %dma_start3A_617 = arith.constant 0 : i32
        %dma_start3A_618 = arith.constant 0 : i32
        %dma_start3A_619 = tpu.memref_slice %arg13[%dma_start3A_615, %dma_start3A_616, %dma_start3A_617, %dma_start3A_618] : memref<2x8x100x64xf32, #tpu.memory_space<vmem>> -> memref<1x1x100x64xf32, #tpu.memory_space<vmem>>
        %dma_start3A_620 = tpu.memref_squeeze %dma_start3A_619 : memref<1x1x100x64xf32, #tpu.memory_space<vmem>> -> memref<100x64xf32, #tpu.memory_space<vmem>>
        %dma_start3A_621 = arith.constant 0 : i32
        %dma_start3A_622 = tpu.memref_slice %arg12[%rem3A_561, %dma_start3A_614, %dma_start3A_621] : memref<4x16x100xi32, #tpu.memory_space<vmem>> -> memref<1x1x100xi32, #tpu.memory_space<vmem>>
        %dma_start3A_623 = tpu.memref_squeeze %dma_start3A_622 : memref<1x1x100xi32, #tpu.memory_space<vmem>> -> memref<100xi32, #tpu.memory_space<vmem>>
        %dma_start3A_624 = arith.constant 0 : i32
        %dma_start3A_625 = arith.constant 0 : i32
        %dma_start3A_626 = tpu.memref_slice %arg7[%dma_start3A_624, %dma_start3A_625] : memref<100001x64xf32, #tpu.memory_space<hbm>> -> memref<100001x64xf32, #tpu.memory_space<hbm>>
        tpu.enqueue_indirect_dma source(%dma_start3A_626 : memref<100001x64xf32, #tpu.memory_space<hbm>>) target(%dma_start3A_620 : memref<100x64xf32, #tpu.memory_space<vmem>>) offsets(%dma_start3A_623 : memref<100xi32, #tpu.memory_space<vmem>>) semaphore(%arg16 : memref<!tpu.dma_semaphore, #tpu.memory_space<semaphore_mem>>)
        %dma_start3A_627 = arith.constant 10 : i32
        %dma_start3A_628 = arith.constant 0 : i32
        %dma_start3A_629 = arith.constant 5 : i32
        %dma_start3A_630 = arith.constant 0 : i32
        %dma_start3A_631 = arith.constant 0 : i32
        %dma_start3A_632 = tpu.memref_slice %arg13[%dma_start3A_628, %dma_start3A_629, %dma_start3A_630, %dma_start3A_631] : memref<2x8x100x64xf32, #tpu.memory_space<vmem>> -> memref<1x1x100x64xf32, #tpu.memory_space<vmem>>
        %dma_start3A_633 = tpu.memref_squeeze %dma_start3A_632 : memref<1x1x100x64xf32, #tpu.memory_space<vmem>> -> memref<100x64xf32, #tpu.memory_space<vmem>>
        %dma_start3A_634 = arith.constant 0 : i32
        %dma_start3A_635 = tpu.memref_slice %arg12[%rem3A_561, %dma_start3A_627, %dma_start3A_634] : memref<4x16x100xi32, #tpu.memory_space<vmem>> -> memref<1x1x100xi32, #tpu.memory_space<vmem>>
        %dma_start3A_636 = tpu.memref_squeeze %dma_start3A_635 : memref<1x1x100xi32, #tpu.memory_space<vmem>> -> memref<100xi32, #tpu.memory_space<vmem>>
        %dma_start3A_637 = arith.constant 0 : i32
        %dma_start3A_638 = arith.constant 0 : i32
        %dma_start3A_639 = tpu.memref_slice %arg8[%dma_start3A_637, %dma_start3A_638] : memref<100001x64xf32, #tpu.memory_space<hbm>> -> memref<100001x64xf32, #tpu.memory_space<hbm>>
        tpu.enqueue_indirect_dma source(%dma_start3A_639 : memref<100001x64xf32, #tpu.memory_space<hbm>>) target(%dma_start3A_633 : memref<100x64xf32, #tpu.memory_space<vmem>>) offsets(%dma_start3A_636 : memref<100xi32, #tpu.memory_space<vmem>>) semaphore(%arg16 : memref<!tpu.dma_semaphore, #tpu.memory_space<semaphore_mem>>)
        %dma_start3A_640 = arith.constant 12 : i32
        %dma_start3A_641 = arith.constant 0 : i32
        %dma_start3A_642 = arith.constant 6 : i32
        %dma_start3A_643 = arith.constant 0 : i32
        %dma_start3A_644 = arith.constant 0 : i32
        %dma_start3A_645 = tpu.memref_slice %arg13[%dma_start3A_641, %dma_start3A_642, %dma_start3A_643, %dma_start3A_644] : memref<2x8x100x64xf32, #tpu.memory_space<vmem>> -> memref<1x1x100x64xf32, #tpu.memory_space<vmem>>
        %dma_start3A_646 = tpu.memref_squeeze %dma_start3A_645 : memref<1x1x100x64xf32, #tpu.memory_space<vmem>> -> memref<100x64xf32, #tpu.memory_space<vmem>>
        %dma_start3A_647 = arith.constant 0 : i32
        %dma_start3A_648 = tpu.memref_slice %arg12[%rem3A_561, %dma_start3A_640, %dma_start3A_647] : memref<4x16x100xi32, #tpu.memory_space<vmem>> -> memref<1x1x100xi32, #tpu.memory_space<vmem>>
        %dma_start3A_649 = tpu.memref_squeeze %dma_start3A_648 : memref<1x1x100xi32, #tpu.memory_space<vmem>> -> memref<100xi32, #tpu.memory_space<vmem>>
        %dma_start3A_650 = arith.constant 0 : i32
        %dma_start3A_651 = arith.constant 0 : i32
        %dma_start3A_652 = tpu.memref_slice %arg9[%dma_start3A_650, %dma_start3A_651] : memref<100001x64xf32, #tpu.memory_space<hbm>> -> memref<100001x64xf32, #tpu.memory_space<hbm>>
        tpu.enqueue_indirect_dma source(%dma_start3A_652 : memref<100001x64xf32, #tpu.memory_space<hbm>>) target(%dma_start3A_646 : memref<100x64xf32, #tpu.memory_space<vmem>>) offsets(%dma_start3A_649 : memref<100xi32, #tpu.memory_space<vmem>>) semaphore(%arg16 : memref<!tpu.dma_semaphore, #tpu.memory_space<semaphore_mem>>)
        %dma_start3A_653 = arith.constant 14 : i32
        %dma_start3A_654 = arith.constant 0 : i32
        %dma_start3A_655 = arith.constant 7 : i32
        %dma_start3A_656 = arith.constant 0 : i32
        %dma_start3A_657 = arith.constant 0 : i32
        %dma_start3A_658 = tpu.memref_slice %arg13[%dma_start3A_654, %dma_start3A_655, %dma_start3A_656, %dma_start3A_657] : memref<2x8x100x64xf32, #tpu.memory_space<vmem>> -> memref<1x1x100x64xf32, #tpu.memory_space<vmem>>
        %dma_start3A_659 = tpu.memref_squeeze %dma_start3A_658 : memref<1x1x100x64xf32, #tpu.memory_space<vmem>> -> memref<100x64xf32, #tpu.memory_space<vmem>>
        %dma_start3A_660 = arith.constant 0 : i32
        %dma_start3A_661 = tpu.memref_slice %arg12[%rem3A_561, %dma_start3A_653, %dma_start3A_660] : memref<4x16x100xi32, #tpu.memory_space<vmem>> -> memref<1x1x100xi32, #tpu.memory_space<vmem>>
        %dma_start3A_662 = tpu.memref_squeeze %dma_start3A_661 : memref<1x1x100xi32, #tpu.memory_space<vmem>> -> memref<100xi32, #tpu.memory_space<vmem>>
        %dma_start3A_663 = arith.constant 0 : i32
        %dma_start3A_664 = arith.constant 0 : i32
        %dma_start3A_665 = tpu.memref_slice %arg10[%dma_start3A_663, %dma_start3A_664] : memref<100001x64xf32, #tpu.memory_space<hbm>> -> memref<100001x64xf32, #tpu.memory_space<hbm>>
        tpu.enqueue_indirect_dma source(%dma_start3A_665 : memref<100001x64xf32, #tpu.memory_space<hbm>>) target(%dma_start3A_659 : memref<100x64xf32, #tpu.memory_space<vmem>>) offsets(%dma_start3A_662 : memref<100xi32, #tpu.memory_space<vmem>>) semaphore(%arg16 : memref<!tpu.dma_semaphore, #tpu.memory_space<semaphore_mem>>)
        %add3A_666 = arith.constant 3 : i32
        %add3A_667 = arith.addi %scan3A_157, %add3A_666 : i32
        %lt3A_668 = arith.constant 32 : i32
        %lt3A_669 = arith.cmpi slt, %add3A_667, %lt3A_668 : i32
        %convert_element_type3A_670 = arith.extui %lt3A_669 : i1 to i32
        %cond3A_671 = arith.constant 0 : i32
        %cond3A_672 = arith.cmpi ne, %convert_element_type3A_670, %cond3A_671 : i32
        scf.if %cond3A_672 {
          %add3A_673 = arith.constant 3 : i32
          %add3A_674 = arith.addi %scan3A_157, %add3A_673 : i32
          %add3A_675 = arith.constant 3 : i32
          %add3A_676 = arith.addi %scan3A_157, %add3A_675 : i32
          %rem3A_677 = arith.constant 4 : i32
          %rem3A_678 = arith.remsi %add3A_676, %rem3A_677 : i32
          %add3A_679 = arith.addi %mul3A_2, %add3A_674 : i32
          %dma_start3A_680 = arith.constant 0 : i32
          %dma_start3A_681 = arith.constant 0 : i32
          %dma_start3A_682 = tpu.memref_slice %arg12[%rem3A_678, %dma_start3A_680, %dma_start3A_681] : memref<4x16x100xi32, #tpu.memory_space<vmem>> -> memref<1x16x100xi32, #tpu.memory_space<vmem>>
          %dma_start3A_683 = tpu.memref_squeeze %dma_start3A_682 : memref<1x16x100xi32, #tpu.memory_space<vmem>> -> memref<16x100xi32, #tpu.memory_space<vmem>>
          %dma_start3A_684 = arith.constant 0 : i32
          %dma_start3A_685 = arith.constant 0 : i32
          %dma_start3A_686 = tpu.memref_slice %arg2[%add3A_679, %dma_start3A_684, %dma_start3A_685] : memref<1024x16x100xi32, #tpu.memory_space<hbm>> -> memref<1x16x100xi32, #tpu.memory_space<hbm>>
          %dma_start3A_687 = tpu.memref_squeeze %dma_start3A_686 : memref<1x16x100xi32, #tpu.memory_space<hbm>> -> memref<16x100xi32, #tpu.memory_space<hbm>>
          %dma_start3A_688 = arith.constant 0 : i32
          %dma_start3A_689 = arith.constant 0 : i32
          %dma_start3A_690 = tpu.memref_slice %arg12[%rem3A_678, %dma_start3A_688, %dma_start3A_689] : memref<4x16x100xi32, #tpu.memory_space<vmem>> -> memref<1x16x100xi32, #tpu.memory_space<vmem>>
          %dma_start3A_691 = tpu.memref_squeeze %dma_start3A_690 : memref<1x16x100xi32, #tpu.memory_space<vmem>> -> memref<16x100xi32, #tpu.memory_space<vmem>>
          %dma_start3A_692 = arith.constant 0 : i32
          %dma_start3A_693 = arith.constant 0 : i32
          %dma_start3A_694 = tpu.memref_slice %arg2[%add3A_679, %dma_start3A_692, %dma_start3A_693] : memref<1024x16x100xi32, #tpu.memory_space<hbm>> -> memref<1x16x100xi32, #tpu.memory_space<hbm>>
          %dma_start3A_695 = tpu.memref_squeeze %dma_start3A_694 : memref<1x16x100xi32, #tpu.memory_space<hbm>> -> memref<16x100xi32, #tpu.memory_space<hbm>>
          tpu.enqueue_dma source(%dma_start3A_695 : memref<16x100xi32, #tpu.memory_space<hbm>>) target(%dma_start3A_691 : memref<16x100xi32, #tpu.memory_space<vmem>>) target_semaphore(%arg15 : memref<!tpu.dma_semaphore, #tpu.memory_space<semaphore_mem>>)
        } else {
        }
      } else {
      }
      %scan3A_528 = arith.constant 0 : i32
      %scan3A_529 = arith.constant 0 : i32
      %scan3A_530 = arith.constant 50 : i32
      %scan3A_531 = arith.addi %scan3A_529, %scan3A_530 : i32
      %scan3A_532 = arith.constant 1 : i32
      %scan3A_533 = scf.for %scan3A_537 = %scan3A_529 to %scan3A_531 step %scan3A_532 iter_args(%scan3A_538 = %scan3A_528) -> (i32)  : i32 {
        %mul3A_539 = arith.constant 2 : i32
        %mul3A_540 = arith.muli %mul3A_539, %scan3A_537 : i32
        %add3A_541 = arith.constant 0 : i32
        %add3A_542 = arith.addi %mul3A_540, %add3A_541 : i32
        %get3A = arith.constant 1 : i32
        %get3A_543 = arith.constant 0 : i32
        %get3A_544 = arith.index_cast %get3A : i32 to index
        %get3A_545 = arith.index_cast %get3A_543 : i32 to index
        %get3A_546 = arith.index_cast %add3A_542 : i32 to index
        %get3A_547 = arith.constant 0 : index
        %get3A_548 = tpu.vector_load %arg13[%get3A_544, %get3A_545, %get3A_546, %get3A_547] {strides = array<i32>} : memref<2x8x100x64xf32, #tpu.memory_space<vmem>>, vector<1x1x1x16xf32>,
        %get3A_549 = vector.shape_cast %get3A_548 : vector<1x1x1x16xf32> to vector<16xf32>
        %get3A_550 = arith.constant 1 : i32
        %get3A_551 = arith.constant 1 : i32
        %get3A_552 = arith.index_cast %get3A_550 : i32 to index
        %get3A_553 = arith.index_cast %get3A_551 : i32 to index
        %get3A_554 = arith.index_cast %add3A_542 : i32 to index
        %get3A_555 = arith.constant 0 : index
        %get3A_556 = tpu.vector_load %arg13[%get3A_552, %get3A_553, %get3A_554, %get3A_555] {strides = array<i32>} : memref<2x8x100x64xf32, #tpu.memory_space<vmem>>, vector<1x1x1x16xf32>,
        %get3A_557 = vector.shape_cast %get3A_556 : vector<1x1x1x16xf32> to vector<16xf32>
        %add3A_558 = arith.addf %get3A_549, %get3A_557 : vector<16xf32>
        %get3A_559 = arith.constant 1 : i32
        %get3A_560 = arith.constant 2 : i32
        %get3A_561 = arith.index_cast %get3A_559 : i32 to index
        %get3A_562 = arith.index_cast %get3A_560 : i32 to index
        %get3A_563 = arith.index_cast %add3A_542 : i32 to index
        %get3A_564 = arith.constant 0 : index
        %get3A_565 = tpu.vector_load %arg13[%get3A_561, %get3A_562, %get3A_563, %get3A_564] {strides = array<i32>} : memref<2x8x100x64xf32, #tpu.memory_space<vmem>>, vector<1x1x1x16xf32>,
        %get3A_566 = vector.shape_cast %get3A_565 : vector<1x1x1x16xf32> to vector<16xf32>
        %add3A_567 = arith.addf %add3A_558, %get3A_566 : vector<16xf32>
        %get3A_568 = arith.constant 1 : i32
        %get3A_569 = arith.constant 3 : i32
        %get3A_570 = arith.index_cast %get3A_568 : i32 to index
        %get3A_571 = arith.index_cast %get3A_569 : i32 to index
        %get3A_572 = arith.index_cast %add3A_542 : i32 to index
        %get3A_573 = arith.constant 0 : index
        %get3A_574 = tpu.vector_load %arg13[%get3A_570, %get3A_571, %get3A_572, %get3A_573] {strides = array<i32>} : memref<2x8x100x64xf32, #tpu.memory_space<vmem>>, vector<1x1x1x16xf32>,
        %get3A_575 = vector.shape_cast %get3A_574 : vector<1x1x1x16xf32> to vector<16xf32>
        %add3A_576 = arith.addf %add3A_567, %get3A_575 : vector<16xf32>
        %get3A_577 = arith.constant 1 : i32
        %get3A_578 = arith.constant 4 : i32
        %get3A_579 = arith.index_cast %get3A_577 : i32 to index
        %get3A_580 = arith.index_cast %get3A_578 : i32 to index
        %get3A_581 = arith.index_cast %add3A_542 : i32 to index
        %get3A_582 = arith.constant 0 : index
        %get3A_583 = tpu.vector_load %arg13[%get3A_579, %get3A_580, %get3A_581, %get3A_582] {strides = array<i32>} : memref<2x8x100x64xf32, #tpu.memory_space<vmem>>, vector<1x1x1x16xf32>,
        %get3A_584 = vector.shape_cast %get3A_583 : vector<1x1x1x16xf32> to vector<16xf32>
        %add3A_585 = arith.addf %add3A_576, %get3A_584 : vector<16xf32>
        %get3A_586 = arith.constant 1 : i32
        %get3A_587 = arith.constant 5 : i32
        %get3A_588 = arith.index_cast %get3A_586 : i32 to index
        %get3A_589 = arith.index_cast %get3A_587 : i32 to index
        %get3A_590 = arith.index_cast %add3A_542 : i32 to index
        %get3A_591 = arith.constant 0 : index
        %get3A_592 = tpu.vector_load %arg13[%get3A_588, %get3A_589, %get3A_590, %get3A_591] {strides = array<i32>} : memref<2x8x100x64xf32, #tpu.memory_space<vmem>>, vector<1x1x1x16xf32>,
        %get3A_593 = vector.shape_cast %get3A_592 : vector<1x1x1x16xf32> to vector<16xf32>
        %add3A_594 = arith.addf %add3A_585, %get3A_593 : vector<16xf32>
        %get3A_595 = arith.constant 1 : i32
        %get3A_596 = arith.constant 6 : i32
        %get3A_597 = arith.index_cast %get3A_595 : i32 to index
        %get3A_598 = arith.index_cast %get3A_596 : i32 to index
        %get3A_599 = arith.index_cast %add3A_542 : i32 to index
        %get3A_600 = arith.constant 0 : index
        %get3A_601 = tpu.vector_load %arg13[%get3A_597, %get3A_598, %get3A_599, %get3A_600] {strides = array<i32>} : memref<2x8x100x64xf32, #tpu.memory_space<vmem>>, vector<1x1x1x16xf32>,
        %get3A_602 = vector.shape_cast %get3A_601 : vector<1x1x1x16xf32> to vector<16xf32>
        %add3A_603 = arith.addf %add3A_594, %get3A_602 : vector<16xf32>
        %get3A_604 = arith.constant 1 : i32
        %get3A_605 = arith.constant 7 : i32
        %get3A_606 = arith.index_cast %get3A_604 : i32 to index
        %get3A_607 = arith.index_cast %get3A_605 : i32 to index
        %get3A_608 = arith.index_cast %add3A_542 : i32 to index
        %get3A_609 = arith.constant 0 : index
        %get3A_610 = tpu.vector_load %arg13[%get3A_606, %get3A_607, %get3A_608, %get3A_609] {strides = array<i32>} : memref<2x8x100x64xf32, #tpu.memory_space<vmem>>, vector<1x1x1x16xf32>,
        %get3A_611 = vector.shape_cast %get3A_610 : vector<1x1x1x16xf32> to vector<16xf32>
        %add3A_612 = arith.addf %add3A_603, %get3A_611 : vector<16xf32>
        %add3A_613 = arith.constant 50 : i32
        %add3A_614 = arith.addi %add3A_613, %scan3A_537 : i32
        %swap3A = arith.index_cast %add3A_614 : i32 to index
        %swap3A_615 = arith.constant 0 : index
        %swap3A_616 = tpu.vector_load %arg14[%swap3A, %swap3A_615] {strides = array<i32>} : memref<100x128xf32, #tpu.memory_space<vmem>>, vector<1x16xf32>,
        %swap3A_617 = vector.shape_cast %swap3A_616 : vector<1x16xf32> to vector<16xf32>
        %swap3A_618 = vector.shape_cast %add3A_612 : vector<16xf32> to vector<1x16xf32>
        tpu.vector_store %arg14[%swap3A, %swap3A_615], %swap3A_618 {strides = array<i32>} : memref<100x128xf32, #tpu.memory_space<vmem>>, vector<1x16xf32>,
        %get3A_619 = arith.constant 1 : i32
        %get3A_620 = arith.constant 0 : i32
        %get3A_621 = arith.index_cast %get3A_619 : i32 to index
        %get3A_622 = arith.index_cast %get3A_620 : i32 to index
        %get3A_623 = arith.index_cast %add3A_542 : i32 to index
        %get3A_624 = arith.constant 16 : index
        %get3A_625 = tpu.vector_load %arg13[%get3A_621, %get3A_622, %get3A_623, %get3A_624] {strides = array<i32>} : memref<2x8x100x64xf32, #tpu.memory_space<vmem>>, vector<1x1x1x16xf32>,
        %get3A_626 = vector.shape_cast %get3A_625 : vector<1x1x1x16xf32> to vector<16xf32>
        %get3A_627 = arith.constant 1 : i32
        %get3A_628 = arith.constant 1 : i32
        %get3A_629 = arith.index_cast %get3A_627 : i32 to index
        %get3A_630 = arith.index_cast %get3A_628 : i32 to index
        %get3A_631 = arith.index_cast %add3A_542 : i32 to index
        %get3A_632 = arith.constant 16 : index
        %get3A_633 = tpu.vector_load %arg13[%get3A_629, %get3A_630, %get3A_631, %get3A_632] {strides = array<i32>} : memref<2x8x100x64xf32, #tpu.memory_space<vmem>>, vector<1x1x1x16xf32>,
        %get3A_634 = vector.shape_cast %get3A_633 : vector<1x1x1x16xf32> to vector<16xf32>
        %add3A_635 = arith.addf %get3A_626, %get3A_634 : vector<16xf32>
        %get3A_636 = arith.constant 1 : i32
        %get3A_637 = arith.constant 2 : i32
        %get3A_638 = arith.index_cast %get3A_636 : i32 to index
        %get3A_639 = arith.index_cast %get3A_637 : i32 to index
        %get3A_640 = arith.index_cast %add3A_542 : i32 to index
        %get3A_641 = arith.constant 16 : index
        %get3A_642 = tpu.vector_load %arg13[%get3A_638, %get3A_639, %get3A_640, %get3A_641] {strides = array<i32>} : memref<2x8x100x64xf32, #tpu.memory_space<vmem>>, vector<1x1x1x16xf32>,
        %get3A_643 = vector.shape_cast %get3A_642 : vector<1x1x1x16xf32> to vector<16xf32>
        %add3A_644 = arith.addf %add3A_635, %get3A_643 : vector<16xf32>
        %get3A_645 = arith.constant 1 : i32
        %get3A_646 = arith.constant 3 : i32
        %get3A_647 = arith.index_cast %get3A_645 : i32 to index
        %get3A_648 = arith.index_cast %get3A_646 : i32 to index
        %get3A_649 = arith.index_cast %add3A_542 : i32 to index
        %get3A_650 = arith.constant 16 : index
        %get3A_651 = tpu.vector_load %arg13[%get3A_647, %get3A_648, %get3A_649, %get3A_650] {strides = array<i32>} : memref<2x8x100x64xf32, #tpu.memory_space<vmem>>, vector<1x1x1x16xf32>,
        %get3A_652 = vector.shape_cast %get3A_651 : vector<1x1x1x16xf32> to vector<16xf32>
        %add3A_653 = arith.addf %add3A_644, %get3A_652 : vector<16xf32>
        %get3A_654 = arith.constant 1 : i32
        %get3A_655 = arith.constant 4 : i32
        %get3A_656 = arith.index_cast %get3A_654 : i32 to index
        %get3A_657 = arith.index_cast %get3A_655 : i32 to index
        %get3A_658 = arith.index_cast %add3A_542 : i32 to index
        %get3A_659 = arith.constant 16 : index
        %get3A_660 = tpu.vector_load %arg13[%get3A_656, %get3A_657, %get3A_658, %get3A_659] {strides = array<i32>} : memref<2x8x100x64xf32, #tpu.memory_space<vmem>>, vector<1x1x1x16xf32>,
        %get3A_661 = vector.shape_cast %get3A_660 : vector<1x1x1x16xf32> to vector<16xf32>
        %add3A_662 = arith.addf %add3A_653, %get3A_661 : vector<16xf32>
        %get3A_663 = arith.constant 1 : i32
        %get3A_664 = arith.constant 5 : i32
        %get3A_665 = arith.index_cast %get3A_663 : i32 to index
        %get3A_666 = arith.index_cast %get3A_664 : i32 to index
        %get3A_667 = arith.index_cast %add3A_542 : i32 to index
        %get3A_668 = arith.constant 16 : index
        %get3A_669 = tpu.vector_load %arg13[%get3A_665, %get3A_666, %get3A_667, %get3A_668] {strides = array<i32>} : memref<2x8x100x64xf32, #tpu.memory_space<vmem>>, vector<1x1x1x16xf32>,
        %get3A_670 = vector.shape_cast %get3A_669 : vector<1x1x1x16xf32> to vector<16xf32>
        %add3A_671 = arith.addf %add3A_662, %get3A_670 : vector<16xf32>
        %get3A_672 = arith.constant 1 : i32
        %get3A_673 = arith.constant 6 : i32
        %get3A_674 = arith.index_cast %get3A_672 : i32 to index
        %get3A_675 = arith.index_cast %get3A_673 : i32 to index
        %get3A_676 = arith.index_cast %add3A_542 : i32 to index
        %get3A_677 = arith.constant 16 : index
        %get3A_678 = tpu.vector_load %arg13[%get3A_674, %get3A_675, %get3A_676, %get3A_677] {strides = array<i32>} : memref<2x8x100x64xf32, #tpu.memory_space<vmem>>, vector<1x1x1x16xf32>,
        %get3A_679 = vector.shape_cast %get3A_678 : vector<1x1x1x16xf32> to vector<16xf32>
        %add3A_680 = arith.addf %add3A_671, %get3A_679 : vector<16xf32>
        %get3A_681 = arith.constant 1 : i32
        %get3A_682 = arith.constant 7 : i32
        %get3A_683 = arith.index_cast %get3A_681 : i32 to index
        %get3A_684 = arith.index_cast %get3A_682 : i32 to index
        %get3A_685 = arith.index_cast %add3A_542 : i32 to index
        %get3A_686 = arith.constant 16 : index
        %get3A_687 = tpu.vector_load %arg13[%get3A_683, %get3A_684, %get3A_685, %get3A_686] {strides = array<i32>} : memref<2x8x100x64xf32, #tpu.memory_space<vmem>>, vector<1x1x1x16xf32>,
        %get3A_688 = vector.shape_cast %get3A_687 : vector<1x1x1x16xf32> to vector<16xf32>
        %add3A_689 = arith.addf %add3A_680, %get3A_688 : vector<16xf32>
        %add3A_690 = arith.constant 50 : i32
        %add3A_691 = arith.addi %add3A_690, %scan3A_537 : i32
        %swap3A_692 = arith.index_cast %add3A_691 : i32 to index
        %swap3A_693 = arith.constant 16 : index
        %swap3A_694 = tpu.vector_load %arg14[%swap3A_692, %swap3A_693] {strides = array<i32>} : memref<100x128xf32, #tpu.memory_space<vmem>>, vector<1x16xf32>,
        %swap3A_695 = vector.shape_cast %swap3A_694 : vector<1x16xf32> to vector<16xf32>
        %swap3A_696 = vector.shape_cast %add3A_689 : vector<16xf32> to vector<1x16xf32>
        tpu.vector_store %arg14[%swap3A_692, %swap3A_693], %swap3A_696 {strides = array<i32>} : memref<100x128xf32, #tpu.memory_space<vmem>>, vector<1x16xf32>,
        %get3A_697 = arith.constant 1 : i32
        %get3A_698 = arith.constant 0 : i32
        %get3A_699 = arith.index_cast %get3A_697 : i32 to index
        %get3A_700 = arith.index_cast %get3A_698 : i32 to index
        %get3A_701 = arith.index_cast %add3A_542 : i32 to index
        %get3A_702 = arith.constant 32 : index
        %get3A_703 = tpu.vector_load %arg13[%get3A_699, %get3A_700, %get3A_701, %get3A_702] {strides = array<i32>} : memref<2x8x100x64xf32, #tpu.memory_space<vmem>>, vector<1x1x1x16xf32>,
        %get3A_704 = vector.shape_cast %get3A_703 : vector<1x1x1x16xf32> to vector<16xf32>
        %get3A_705 = arith.constant 1 : i32
        %get3A_706 = arith.constant 1 : i32
        %get3A_707 = arith.index_cast %get3A_705 : i32 to index
        %get3A_708 = arith.index_cast %get3A_706 : i32 to index
        %get3A_709 = arith.index_cast %add3A_542 : i32 to index
        %get3A_710 = arith.constant 32 : index
        %get3A_711 = tpu.vector_load %arg13[%get3A_707, %get3A_708, %get3A_709, %get3A_710] {strides = array<i32>} : memref<2x8x100x64xf32, #tpu.memory_space<vmem>>, vector<1x1x1x16xf32>,
        %get3A_712 = vector.shape_cast %get3A_711 : vector<1x1x1x16xf32> to vector<16xf32>
        %add3A_713 = arith.addf %get3A_704, %get3A_712 : vector<16xf32>
        %get3A_714 = arith.constant 1 : i32
        %get3A_715 = arith.constant 2 : i32
        %get3A_716 = arith.index_cast %get3A_714 : i32 to index
        %get3A_717 = arith.index_cast %get3A_715 : i32 to index
        %get3A_718 = arith.index_cast %add3A_542 : i32 to index
        %get3A_719 = arith.constant 32 : index
        %get3A_720 = tpu.vector_load %arg13[%get3A_716, %get3A_717, %get3A_718, %get3A_719] {strides = array<i32>} : memref<2x8x100x64xf32, #tpu.memory_space<vmem>>, vector<1x1x1x16xf32>,
        %get3A_721 = vector.shape_cast %get3A_720 : vector<1x1x1x16xf32> to vector<16xf32>
        %add3A_722 = arith.addf %add3A_713, %get3A_721 : vector<16xf32>
        %get3A_723 = arith.constant 1 : i32
        %get3A_724 = arith.constant 3 : i32
        %get3A_725 = arith.index_cast %get3A_723 : i32 to index
        %get3A_726 = arith.index_cast %get3A_724 : i32 to index
        %get3A_727 = arith.index_cast %add3A_542 : i32 to index
        %get3A_728 = arith.constant 32 : index
        %get3A_729 = tpu.vector_load %arg13[%get3A_725, %get3A_726, %get3A_727, %get3A_728] {strides = array<i32>} : memref<2x8x100x64xf32, #tpu.memory_space<vmem>>, vector<1x1x1x16xf32>,
        %get3A_730 = vector.shape_cast %get3A_729 : vector<1x1x1x16xf32> to vector<16xf32>
        %add3A_731 = arith.addf %add3A_722, %get3A_730 : vector<16xf32>
        %get3A_732 = arith.constant 1 : i32
        %get3A_733 = arith.constant 4 : i32
        %get3A_734 = arith.index_cast %get3A_732 : i32 to index
        %get3A_735 = arith.index_cast %get3A_733 : i32 to index
        %get3A_736 = arith.index_cast %add3A_542 : i32 to index
        %get3A_737 = arith.constant 32 : index
        %get3A_738 = tpu.vector_load %arg13[%get3A_734, %get3A_735, %get3A_736, %get3A_737] {strides = array<i32>} : memref<2x8x100x64xf32, #tpu.memory_space<vmem>>, vector<1x1x1x16xf32>,
        %get3A_739 = vector.shape_cast %get3A_738 : vector<1x1x1x16xf32> to vector<16xf32>
        %add3A_740 = arith.addf %add3A_731, %get3A_739 : vector<16xf32>
        %get3A_741 = arith.constant 1 : i32
        %get3A_742 = arith.constant 5 : i32
        %get3A_743 = arith.index_cast %get3A_741 : i32 to index
        %get3A_744 = arith.index_cast %get3A_742 : i32 to index
        %get3A_745 = arith.index_cast %add3A_542 : i32 to index
        %get3A_746 = arith.constant 32 : index
        %get3A_747 = tpu.vector_load %arg13[%get3A_743, %get3A_744, %get3A_745, %get3A_746] {strides = array<i32>} : memref<2x8x100x64xf32, #tpu.memory_space<vmem>>, vector<1x1x1x16xf32>,
        %get3A_748 = vector.shape_cast %get3A_747 : vector<1x1x1x16xf32> to vector<16xf32>
        %add3A_749 = arith.addf %add3A_740, %get3A_748 : vector<16xf32>
        %get3A_750 = arith.constant 1 : i32
        %get3A_751 = arith.constant 6 : i32
        %get3A_752 = arith.index_cast %get3A_750 : i32 to index
        %get3A_753 = arith.index_cast %get3A_751 : i32 to index
        %get3A_754 = arith.index_cast %add3A_542 : i32 to index
        %get3A_755 = arith.constant 32 : index
        %get3A_756 = tpu.vector_load %arg13[%get3A_752, %get3A_753, %get3A_754, %get3A_755] {strides = array<i32>} : memref<2x8x100x64xf32, #tpu.memory_space<vmem>>, vector<1x1x1x16xf32>,
        %get3A_757 = vector.shape_cast %get3A_756 : vector<1x1x1x16xf32> to vector<16xf32>
        %add3A_758 = arith.addf %add3A_749, %get3A_757 : vector<16xf32>
        %get3A_759 = arith.constant 1 : i32
        %get3A_760 = arith.constant 7 : i32
        %get3A_761 = arith.index_cast %get3A_759 : i32 to index
        %get3A_762 = arith.index_cast %get3A_760 : i32 to index
        %get3A_763 = arith.index_cast %add3A_542 : i32 to index
        %get3A_764 = arith.constant 32 : index
        %get3A_765 = tpu.vector_load %arg13[%get3A_761, %get3A_762, %get3A_763, %get3A_764] {strides = array<i32>} : memref<2x8x100x64xf32, #tpu.memory_space<vmem>>, vector<1x1x1x16xf32>,
        %get3A_766 = vector.shape_cast %get3A_765 : vector<1x1x1x16xf32> to vector<16xf32>
        %add3A_767 = arith.addf %add3A_758, %get3A_766 : vector<16xf32>
        %add3A_768 = arith.constant 50 : i32
        %add3A_769 = arith.addi %add3A_768, %scan3A_537 : i32
        %swap3A_770 = arith.index_cast %add3A_769 : i32 to index
        %swap3A_771 = arith.constant 32 : index
        %swap3A_772 = tpu.vector_load %arg14[%swap3A_770, %swap3A_771] {strides = array<i32>} : memref<100x128xf32, #tpu.memory_space<vmem>>, vector<1x16xf32>,
        %swap3A_773 = vector.shape_cast %swap3A_772 : vector<1x16xf32> to vector<16xf32>
        %swap3A_774 = vector.shape_cast %add3A_767 : vector<16xf32> to vector<1x16xf32>
        tpu.vector_store %arg14[%swap3A_770, %swap3A_771], %swap3A_774 {strides = array<i32>} : memref<100x128xf32, #tpu.memory_space<vmem>>, vector<1x16xf32>,
        %get3A_775 = arith.constant 1 : i32
        %get3A_776 = arith.constant 0 : i32
        %get3A_777 = arith.index_cast %get3A_775 : i32 to index
        %get3A_778 = arith.index_cast %get3A_776 : i32 to index
        %get3A_779 = arith.index_cast %add3A_542 : i32 to index
        %get3A_780 = arith.constant 48 : index
        %get3A_781 = tpu.vector_load %arg13[%get3A_777, %get3A_778, %get3A_779, %get3A_780] {strides = array<i32>} : memref<2x8x100x64xf32, #tpu.memory_space<vmem>>, vector<1x1x1x16xf32>,
        %get3A_782 = vector.shape_cast %get3A_781 : vector<1x1x1x16xf32> to vector<16xf32>
        %get3A_783 = arith.constant 1 : i32
        %get3A_784 = arith.constant 1 : i32
        %get3A_785 = arith.index_cast %get3A_783 : i32 to index
        %get3A_786 = arith.index_cast %get3A_784 : i32 to index
        %get3A_787 = arith.index_cast %add3A_542 : i32 to index
        %get3A_788 = arith.constant 48 : index
        %get3A_789 = tpu.vector_load %arg13[%get3A_785, %get3A_786, %get3A_787, %get3A_788] {strides = array<i32>} : memref<2x8x100x64xf32, #tpu.memory_space<vmem>>, vector<1x1x1x16xf32>,
        %get3A_790 = vector.shape_cast %get3A_789 : vector<1x1x1x16xf32> to vector<16xf32>
        %add3A_791 = arith.addf %get3A_782, %get3A_790 : vector<16xf32>
        %get3A_792 = arith.constant 1 : i32
        %get3A_793 = arith.constant 2 : i32
        %get3A_794 = arith.index_cast %get3A_792 : i32 to index
        %get3A_795 = arith.index_cast %get3A_793 : i32 to index
        %get3A_796 = arith.index_cast %add3A_542 : i32 to index
        %get3A_797 = arith.constant 48 : index
        %get3A_798 = tpu.vector_load %arg13[%get3A_794, %get3A_795, %get3A_796, %get3A_797] {strides = array<i32>} : memref<2x8x100x64xf32, #tpu.memory_space<vmem>>, vector<1x1x1x16xf32>,
        %get3A_799 = vector.shape_cast %get3A_798 : vector<1x1x1x16xf32> to vector<16xf32>
        %add3A_800 = arith.addf %add3A_791, %get3A_799 : vector<16xf32>
        %get3A_801 = arith.constant 1 : i32
        %get3A_802 = arith.constant 3 : i32
        %get3A_803 = arith.index_cast %get3A_801 : i32 to index
        %get3A_804 = arith.index_cast %get3A_802 : i32 to index
        %get3A_805 = arith.index_cast %add3A_542 : i32 to index
        %get3A_806 = arith.constant 48 : index
        %get3A_807 = tpu.vector_load %arg13[%get3A_803, %get3A_804, %get3A_805, %get3A_806] {strides = array<i32>} : memref<2x8x100x64xf32, #tpu.memory_space<vmem>>, vector<1x1x1x16xf32>,
        %get3A_808 = vector.shape_cast %get3A_807 : vector<1x1x1x16xf32> to vector<16xf32>
        %add3A_809 = arith.addf %add3A_800, %get3A_808 : vector<16xf32>
        %get3A_810 = arith.constant 1 : i32
        %get3A_811 = arith.constant 4 : i32
        %get3A_812 = arith.index_cast %get3A_810 : i32 to index
        %get3A_813 = arith.index_cast %get3A_811 : i32 to index
        %get3A_814 = arith.index_cast %add3A_542 : i32 to index
        %get3A_815 = arith.constant 48 : index
        %get3A_816 = tpu.vector_load %arg13[%get3A_812, %get3A_813, %get3A_814, %get3A_815] {strides = array<i32>} : memref<2x8x100x64xf32, #tpu.memory_space<vmem>>, vector<1x1x1x16xf32>,
        %get3A_817 = vector.shape_cast %get3A_816 : vector<1x1x1x16xf32> to vector<16xf32>
        %add3A_818 = arith.addf %add3A_809, %get3A_817 : vector<16xf32>
        %get3A_819 = arith.constant 1 : i32
        %get3A_820 = arith.constant 5 : i32
        %get3A_821 = arith.index_cast %get3A_819 : i32 to index
        %get3A_822 = arith.index_cast %get3A_820 : i32 to index
        %get3A_823 = arith.index_cast %add3A_542 : i32 to index
        %get3A_824 = arith.constant 48 : index
        %get3A_825 = tpu.vector_load %arg13[%get3A_821, %get3A_822, %get3A_823, %get3A_824] {strides = array<i32>} : memref<2x8x100x64xf32, #tpu.memory_space<vmem>>, vector<1x1x1x16xf32>,
        %get3A_826 = vector.shape_cast %get3A_825 : vector<1x1x1x16xf32> to vector<16xf32>
        %add3A_827 = arith.addf %add3A_818, %get3A_826 : vector<16xf32>
        %get3A_828 = arith.constant 1 : i32
        %get3A_829 = arith.constant 6 : i32
        %get3A_830 = arith.index_cast %get3A_828 : i32 to index
        %get3A_831 = arith.index_cast %get3A_829 : i32 to index
        %get3A_832 = arith.index_cast %add3A_542 : i32 to index
        %get3A_833 = arith.constant 48 : index
        %get3A_834 = tpu.vector_load %arg13[%get3A_830, %get3A_831, %get3A_832, %get3A_833] {strides = array<i32>} : memref<2x8x100x64xf32, #tpu.memory_space<vmem>>, vector<1x1x1x16xf32>,
        %get3A_835 = vector.shape_cast %get3A_834 : vector<1x1x1x16xf32> to vector<16xf32>
        %add3A_836 = arith.addf %add3A_827, %get3A_835 : vector<16xf32>
        %get3A_837 = arith.constant 1 : i32
        %get3A_838 = arith.constant 7 : i32
        %get3A_839 = arith.index_cast %get3A_837 : i32 to index
        %get3A_840 = arith.index_cast %get3A_838 : i32 to index
        %get3A_841 = arith.index_cast %add3A_542 : i32 to index
        %get3A_842 = arith.constant 48 : index
        %get3A_843 = tpu.vector_load %arg13[%get3A_839, %get3A_840, %get3A_841, %get3A_842] {strides = array<i32>} : memref<2x8x100x64xf32, #tpu.memory_space<vmem>>, vector<1x1x1x16xf32>,
        %get3A_844 = vector.shape_cast %get3A_843 : vector<1x1x1x16xf32> to vector<16xf32>
        %add3A_845 = arith.addf %add3A_836, %get3A_844 : vector<16xf32>
        %add3A_846 = arith.constant 50 : i32
        %add3A_847 = arith.addi %add3A_846, %scan3A_537 : i32
        %swap3A_848 = arith.index_cast %add3A_847 : i32 to index
        %swap3A_849 = arith.constant 48 : index
        %swap3A_850 = tpu.vector_load %arg14[%swap3A_848, %swap3A_849] {strides = array<i32>} : memref<100x128xf32, #tpu.memory_space<vmem>>, vector<1x16xf32>,
        %swap3A_851 = vector.shape_cast %swap3A_850 : vector<1x16xf32> to vector<16xf32>
        %swap3A_852 = vector.shape_cast %add3A_845 : vector<16xf32> to vector<1x16xf32>
        tpu.vector_store %arg14[%swap3A_848, %swap3A_849], %swap3A_852 {strides = array<i32>} : memref<100x128xf32, #tpu.memory_space<vmem>>, vector<1x16xf32>,
        %mul3A_853 = arith.constant 2 : i32
        %mul3A_854 = arith.muli %mul3A_853, %scan3A_537 : i32
        %add3A_855 = arith.constant 1 : i32
        %add3A_856 = arith.addi %mul3A_854, %add3A_855 : i32
        %get3A_857 = arith.constant 1 : i32
        %get3A_858 = arith.constant 0 : i32
        %get3A_859 = arith.index_cast %get3A_857 : i32 to index
        %get3A_860 = arith.index_cast %get3A_858 : i32 to index
        %get3A_861 = arith.index_cast %add3A_856 : i32 to index
        %get3A_862 = arith.constant 0 : index
        %get3A_863 = tpu.vector_load %arg13[%get3A_859, %get3A_860, %get3A_861, %get3A_862] {strides = array<i32>} : memref<2x8x100x64xf32, #tpu.memory_space<vmem>>, vector<1x1x1x16xf32>,
        %get3A_864 = vector.shape_cast %get3A_863 : vector<1x1x1x16xf32> to vector<16xf32>
        %get3A_865 = arith.constant 1 : i32
        %get3A_866 = arith.constant 1 : i32
        %get3A_867 = arith.index_cast %get3A_865 : i32 to index
        %get3A_868 = arith.index_cast %get3A_866 : i32 to index
        %get3A_869 = arith.index_cast %add3A_856 : i32 to index
        %get3A_870 = arith.constant 0 : index
        %get3A_871 = tpu.vector_load %arg13[%get3A_867, %get3A_868, %get3A_869, %get3A_870] {strides = array<i32>} : memref<2x8x100x64xf32, #tpu.memory_space<vmem>>, vector<1x1x1x16xf32>,
        %get3A_872 = vector.shape_cast %get3A_871 : vector<1x1x1x16xf32> to vector<16xf32>
        %add3A_873 = arith.addf %get3A_864, %get3A_872 : vector<16xf32>
        %get3A_874 = arith.constant 1 : i32
        %get3A_875 = arith.constant 2 : i32
        %get3A_876 = arith.index_cast %get3A_874 : i32 to index
        %get3A_877 = arith.index_cast %get3A_875 : i32 to index
        %get3A_878 = arith.index_cast %add3A_856 : i32 to index
        %get3A_879 = arith.constant 0 : index
        %get3A_880 = tpu.vector_load %arg13[%get3A_876, %get3A_877, %get3A_878, %get3A_879] {strides = array<i32>} : memref<2x8x100x64xf32, #tpu.memory_space<vmem>>, vector<1x1x1x16xf32>,
        %get3A_881 = vector.shape_cast %get3A_880 : vector<1x1x1x16xf32> to vector<16xf32>
        %add3A_882 = arith.addf %add3A_873, %get3A_881 : vector<16xf32>
        %get3A_883 = arith.constant 1 : i32
        %get3A_884 = arith.constant 3 : i32
        %get3A_885 = arith.index_cast %get3A_883 : i32 to index
        %get3A_886 = arith.index_cast %get3A_884 : i32 to index
        %get3A_887 = arith.index_cast %add3A_856 : i32 to index
        %get3A_888 = arith.constant 0 : index
        %get3A_889 = tpu.vector_load %arg13[%get3A_885, %get3A_886, %get3A_887, %get3A_888] {strides = array<i32>} : memref<2x8x100x64xf32, #tpu.memory_space<vmem>>, vector<1x1x1x16xf32>,
        %get3A_890 = vector.shape_cast %get3A_889 : vector<1x1x1x16xf32> to vector<16xf32>
        %add3A_891 = arith.addf %add3A_882, %get3A_890 : vector<16xf32>
        %get3A_892 = arith.constant 1 : i32
        %get3A_893 = arith.constant 4 : i32
        %get3A_894 = arith.index_cast %get3A_892 : i32 to index
        %get3A_895 = arith.index_cast %get3A_893 : i32 to index
        %get3A_896 = arith.index_cast %add3A_856 : i32 to index
        %get3A_897 = arith.constant 0 : index
        %get3A_898 = tpu.vector_load %arg13[%get3A_894, %get3A_895, %get3A_896, %get3A_897] {strides = array<i32>} : memref<2x8x100x64xf32, #tpu.memory_space<vmem>>, vector<1x1x1x16xf32>,
        %get3A_899 = vector.shape_cast %get3A_898 : vector<1x1x1x16xf32> to vector<16xf32>
        %add3A_900 = arith.addf %add3A_891, %get3A_899 : vector<16xf32>
        %get3A_901 = arith.constant 1 : i32
        %get3A_902 = arith.constant 5 : i32
        %get3A_903 = arith.index_cast %get3A_901 : i32 to index
        %get3A_904 = arith.index_cast %get3A_902 : i32 to index
        %get3A_905 = arith.index_cast %add3A_856 : i32 to index
        %get3A_906 = arith.constant 0 : index
        %get3A_907 = tpu.vector_load %arg13[%get3A_903, %get3A_904, %get3A_905, %get3A_906] {strides = array<i32>} : memref<2x8x100x64xf32, #tpu.memory_space<vmem>>, vector<1x1x1x16xf32>,
        %get3A_908 = vector.shape_cast %get3A_907 : vector<1x1x1x16xf32> to vector<16xf32>
        %add3A_909 = arith.addf %add3A_900, %get3A_908 : vector<16xf32>
        %get3A_910 = arith.constant 1 : i32
        %get3A_911 = arith.constant 6 : i32
        %get3A_912 = arith.index_cast %get3A_910 : i32 to index
        %get3A_913 = arith.index_cast %get3A_911 : i32 to index
        %get3A_914 = arith.index_cast %add3A_856 : i32 to index
        %get3A_915 = arith.constant 0 : index
        %get3A_916 = tpu.vector_load %arg13[%get3A_912, %get3A_913, %get3A_914, %get3A_915] {strides = array<i32>} : memref<2x8x100x64xf32, #tpu.memory_space<vmem>>, vector<1x1x1x16xf32>,
        %get3A_917 = vector.shape_cast %get3A_916 : vector<1x1x1x16xf32> to vector<16xf32>
        %add3A_918 = arith.addf %add3A_909, %get3A_917 : vector<16xf32>
        %get3A_919 = arith.constant 1 : i32
        %get3A_920 = arith.constant 7 : i32
        %get3A_921 = arith.index_cast %get3A_919 : i32 to index
        %get3A_922 = arith.index_cast %get3A_920 : i32 to index
        %get3A_923 = arith.index_cast %add3A_856 : i32 to index
        %get3A_924 = arith.constant 0 : index
        %get3A_925 = tpu.vector_load %arg13[%get3A_921, %get3A_922, %get3A_923, %get3A_924] {strides = array<i32>} : memref<2x8x100x64xf32, #tpu.memory_space<vmem>>, vector<1x1x1x16xf32>,
        %get3A_926 = vector.shape_cast %get3A_925 : vector<1x1x1x16xf32> to vector<16xf32>
        %add3A_927 = arith.addf %add3A_918, %get3A_926 : vector<16xf32>
        %add3A_928 = arith.constant 50 : i32
        %add3A_929 = arith.addi %add3A_928, %scan3A_537 : i32
        %swap3A_930 = arith.index_cast %add3A_929 : i32 to index
        %swap3A_931 = arith.constant 64 : index
        %swap3A_932 = tpu.vector_load %arg14[%swap3A_930, %swap3A_931] {strides = array<i32>} : memref<100x128xf32, #tpu.memory_space<vmem>>, vector<1x16xf32>,
        %swap3A_933 = vector.shape_cast %swap3A_932 : vector<1x16xf32> to vector<16xf32>
        %swap3A_934 = vector.shape_cast %add3A_927 : vector<16xf32> to vector<1x16xf32>
        tpu.vector_store %arg14[%swap3A_930, %swap3A_931], %swap3A_934 {strides = array<i32>} : memref<100x128xf32, #tpu.memory_space<vmem>>, vector<1x16xf32>,
        %get3A_935 = arith.constant 1 : i32
        %get3A_936 = arith.constant 0 : i32
        %get3A_937 = arith.index_cast %get3A_935 : i32 to index
        %get3A_938 = arith.index_cast %get3A_936 : i32 to index
        %get3A_939 = arith.index_cast %add3A_856 : i32 to index
        %get3A_940 = arith.constant 16 : index
        %get3A_941 = tpu.vector_load %arg13[%get3A_937, %get3A_938, %get3A_939, %get3A_940] {strides = array<i32>} : memref<2x8x100x64xf32, #tpu.memory_space<vmem>>, vector<1x1x1x16xf32>,
        %get3A_942 = vector.shape_cast %get3A_941 : vector<1x1x1x16xf32> to vector<16xf32>
        %get3A_943 = arith.constant 1 : i32
        %get3A_944 = arith.constant 1 : i32
        %get3A_945 = arith.index_cast %get3A_943 : i32 to index
        %get3A_946 = arith.index_cast %get3A_944 : i32 to index
        %get3A_947 = arith.index_cast %add3A_856 : i32 to index
        %get3A_948 = arith.constant 16 : index
        %get3A_949 = tpu.vector_load %arg13[%get3A_945, %get3A_946, %get3A_947, %get3A_948] {strides = array<i32>} : memref<2x8x100x64xf32, #tpu.memory_space<vmem>>, vector<1x1x1x16xf32>,
        %get3A_950 = vector.shape_cast %get3A_949 : vector<1x1x1x16xf32> to vector<16xf32>
        %add3A_951 = arith.addf %get3A_942, %get3A_950 : vector<16xf32>
        %get3A_952 = arith.constant 1 : i32
        %get3A_953 = arith.constant 2 : i32
        %get3A_954 = arith.index_cast %get3A_952 : i32 to index
        %get3A_955 = arith.index_cast %get3A_953 : i32 to index
        %get3A_956 = arith.index_cast %add3A_856 : i32 to index
        %get3A_957 = arith.constant 16 : index
        %get3A_958 = tpu.vector_load %arg13[%get3A_954, %get3A_955, %get3A_956, %get3A_957] {strides = array<i32>} : memref<2x8x100x64xf32, #tpu.memory_space<vmem>>, vector<1x1x1x16xf32>,
        %get3A_959 = vector.shape_cast %get3A_958 : vector<1x1x1x16xf32> to vector<16xf32>
        %add3A_960 = arith.addf %add3A_951, %get3A_959 : vector<16xf32>
        %get3A_961 = arith.constant 1 : i32
        %get3A_962 = arith.constant 3 : i32
        %get3A_963 = arith.index_cast %get3A_961 : i32 to index
        %get3A_964 = arith.index_cast %get3A_962 : i32 to index
        %get3A_965 = arith.index_cast %add3A_856 : i32 to index
        %get3A_966 = arith.constant 16 : index
        %get3A_967 = tpu.vector_load %arg13[%get3A_963, %get3A_964, %get3A_965, %get3A_966] {strides = array<i32>} : memref<2x8x100x64xf32, #tpu.memory_space<vmem>>, vector<1x1x1x16xf32>,
        %get3A_968 = vector.shape_cast %get3A_967 : vector<1x1x1x16xf32> to vector<16xf32>
        %add3A_969 = arith.addf %add3A_960, %get3A_968 : vector<16xf32>
        %get3A_970 = arith.constant 1 : i32
        %get3A_971 = arith.constant 4 : i32
        %get3A_972 = arith.index_cast %get3A_970 : i32 to index
        %get3A_973 = arith.index_cast %get3A_971 : i32 to index
        %get3A_974 = arith.index_cast %add3A_856 : i32 to index
        %get3A_975 = arith.constant 16 : index
        %get3A_976 = tpu.vector_load %arg13[%get3A_972, %get3A_973, %get3A_974, %get3A_975] {strides = array<i32>} : memref<2x8x100x64xf32, #tpu.memory_space<vmem>>, vector<1x1x1x16xf32>,
        %get3A_977 = vector.shape_cast %get3A_976 : vector<1x1x1x16xf32> to vector<16xf32>
        %add3A_978 = arith.addf %add3A_969, %get3A_977 : vector<16xf32>
        %get3A_979 = arith.constant 1 : i32
        %get3A_980 = arith.constant 5 : i32
        %get3A_981 = arith.index_cast %get3A_979 : i32 to index
        %get3A_982 = arith.index_cast %get3A_980 : i32 to index
        %get3A_983 = arith.index_cast %add3A_856 : i32 to index
        %get3A_984 = arith.constant 16 : index
        %get3A_985 = tpu.vector_load %arg13[%get3A_981, %get3A_982, %get3A_983, %get3A_984] {strides = array<i32>} : memref<2x8x100x64xf32, #tpu.memory_space<vmem>>, vector<1x1x1x16xf32>,
        %get3A_986 = vector.shape_cast %get3A_985 : vector<1x1x1x16xf32> to vector<16xf32>
        %add3A_987 = arith.addf %add3A_978, %get3A_986 : vector<16xf32>
        %get3A_988 = arith.constant 1 : i32
        %get3A_989 = arith.constant 6 : i32
        %get3A_990 = arith.index_cast %get3A_988 : i32 to index
        %get3A_991 = arith.index_cast %get3A_989 : i32 to index
        %get3A_992 = arith.index_cast %add3A_856 : i32 to index
        %get3A_993 = arith.constant 16 : index
        %get3A_994 = tpu.vector_load %arg13[%get3A_990, %get3A_991, %get3A_992, %get3A_993] {strides = array<i32>} : memref<2x8x100x64xf32, #tpu.memory_space<vmem>>, vector<1x1x1x16xf32>,
        %get3A_995 = vector.shape_cast %get3A_994 : vector<1x1x1x16xf32> to vector<16xf32>
        %add3A_996 = arith.addf %add3A_987, %get3A_995 : vector<16xf32>
        %get3A_997 = arith.constant 1 : i32
        %get3A_998 = arith.constant 7 : i32
        %get3A_999 = arith.index_cast %get3A_997 : i32 to index
        %get3A_1000 = arith.index_cast %get3A_998 : i32 to index
        %get3A_1001 = arith.index_cast %add3A_856 : i32 to index
        %get3A_1002 = arith.constant 16 : index
        %get3A_1003 = tpu.vector_load %arg13[%get3A_999, %get3A_1000, %get3A_1001, %get3A_1002] {strides = array<i32>} : memref<2x8x100x64xf32, #tpu.memory_space<vmem>>, vector<1x1x1x16xf32>,
        %get3A_1004 = vector.shape_cast %get3A_1003 : vector<1x1x1x16xf32> to vector<16xf32>
        %add3A_1005 = arith.addf %add3A_996, %get3A_1004 : vector<16xf32>
        %add3A_1006 = arith.constant 50 : i32
        %add3A_1007 = arith.addi %add3A_1006, %scan3A_537 : i32
        %swap3A_1008 = arith.index_cast %add3A_1007 : i32 to index
        %swap3A_1009 = arith.constant 80 : index
        %swap3A_1010 = tpu.vector_load %arg14[%swap3A_1008, %swap3A_1009] {strides = array<i32>} : memref<100x128xf32, #tpu.memory_space<vmem>>, vector<1x16xf32>,
        %swap3A_1011 = vector.shape_cast %swap3A_1010 : vector<1x16xf32> to vector<16xf32>
        %swap3A_1012 = vector.shape_cast %add3A_1005 : vector<16xf32> to vector<1x16xf32>
        tpu.vector_store %arg14[%swap3A_1008, %swap3A_1009], %swap3A_1012 {strides = array<i32>} : memref<100x128xf32, #tpu.memory_space<vmem>>, vector<1x16xf32>,
        %get3A_1013 = arith.constant 1 : i32
        %get3A_1014 = arith.constant 0 : i32
        %get3A_1015 = arith.index_cast %get3A_1013 : i32 to index
        %get3A_1016 = arith.index_cast %get3A_1014 : i32 to index
        %get3A_1017 = arith.index_cast %add3A_856 : i32 to index
        %get3A_1018 = arith.constant 32 : index
        %get3A_1019 = tpu.vector_load %arg13[%get3A_1015, %get3A_1016, %get3A_1017, %get3A_1018] {strides = array<i32>} : memref<2x8x100x64xf32, #tpu.memory_space<vmem>>, vector<1x1x1x16xf32>,
        %get3A_1020 = vector.shape_cast %get3A_1019 : vector<1x1x1x16xf32> to vector<16xf32>
        %get3A_1021 = arith.constant 1 : i32
        %get3A_1022 = arith.constant 1 : i32
        %get3A_1023 = arith.index_cast %get3A_1021 : i32 to index
        %get3A_1024 = arith.index_cast %get3A_1022 : i32 to index
        %get3A_1025 = arith.index_cast %add3A_856 : i32 to index
        %get3A_1026 = arith.constant 32 : index
        %get3A_1027 = tpu.vector_load %arg13[%get3A_1023, %get3A_1024, %get3A_1025, %get3A_1026] {strides = array<i32>} : memref<2x8x100x64xf32, #tpu.memory_space<vmem>>, vector<1x1x1x16xf32>,
        %get3A_1028 = vector.shape_cast %get3A_1027 : vector<1x1x1x16xf32> to vector<16xf32>
        %add3A_1029 = arith.addf %get3A_1020, %get3A_1028 : vector<16xf32>
        %get3A_1030 = arith.constant 1 : i32
        %get3A_1031 = arith.constant 2 : i32
        %get3A_1032 = arith.index_cast %get3A_1030 : i32 to index
        %get3A_1033 = arith.index_cast %get3A_1031 : i32 to index
        %get3A_1034 = arith.index_cast %add3A_856 : i32 to index
        %get3A_1035 = arith.constant 32 : index
        %get3A_1036 = tpu.vector_load %arg13[%get3A_1032, %get3A_1033, %get3A_1034, %get3A_1035] {strides = array<i32>} : memref<2x8x100x64xf32, #tpu.memory_space<vmem>>, vector<1x1x1x16xf32>,
        %get3A_1037 = vector.shape_cast %get3A_1036 : vector<1x1x1x16xf32> to vector<16xf32>
        %add3A_1038 = arith.addf %add3A_1029, %get3A_1037 : vector<16xf32>
        %get3A_1039 = arith.constant 1 : i32
        %get3A_1040 = arith.constant 3 : i32
        %get3A_1041 = arith.index_cast %get3A_1039 : i32 to index
        %get3A_1042 = arith.index_cast %get3A_1040 : i32 to index
        %get3A_1043 = arith.index_cast %add3A_856 : i32 to index
        %get3A_1044 = arith.constant 32 : index
        %get3A_1045 = tpu.vector_load %arg13[%get3A_1041, %get3A_1042, %get3A_1043, %get3A_1044] {strides = array<i32>} : memref<2x8x100x64xf32, #tpu.memory_space<vmem>>, vector<1x1x1x16xf32>,
        %get3A_1046 = vector.shape_cast %get3A_1045 : vector<1x1x1x16xf32> to vector<16xf32>
        %add3A_1047 = arith.addf %add3A_1038, %get3A_1046 : vector<16xf32>
        %get3A_1048 = arith.constant 1 : i32
        %get3A_1049 = arith.constant 4 : i32
        %get3A_1050 = arith.index_cast %get3A_1048 : i32 to index
        %get3A_1051 = arith.index_cast %get3A_1049 : i32 to index
        %get3A_1052 = arith.index_cast %add3A_856 : i32 to index
        %get3A_1053 = arith.constant 32 : index
        %get3A_1054 = tpu.vector_load %arg13[%get3A_1050, %get3A_1051, %get3A_1052, %get3A_1053] {strides = array<i32>} : memref<2x8x100x64xf32, #tpu.memory_space<vmem>>, vector<1x1x1x16xf32>,
        %get3A_1055 = vector.shape_cast %get3A_1054 : vector<1x1x1x16xf32> to vector<16xf32>
        %add3A_1056 = arith.addf %add3A_1047, %get3A_1055 : vector<16xf32>
        %get3A_1057 = arith.constant 1 : i32
        %get3A_1058 = arith.constant 5 : i32
        %get3A_1059 = arith.index_cast %get3A_1057 : i32 to index
        %get3A_1060 = arith.index_cast %get3A_1058 : i32 to index
        %get3A_1061 = arith.index_cast %add3A_856 : i32 to index
        %get3A_1062 = arith.constant 32 : index
        %get3A_1063 = tpu.vector_load %arg13[%get3A_1059, %get3A_1060, %get3A_1061, %get3A_1062] {strides = array<i32>} : memref<2x8x100x64xf32, #tpu.memory_space<vmem>>, vector<1x1x1x16xf32>,
        %get3A_1064 = vector.shape_cast %get3A_1063 : vector<1x1x1x16xf32> to vector<16xf32>
        %add3A_1065 = arith.addf %add3A_1056, %get3A_1064 : vector<16xf32>
        %get3A_1066 = arith.constant 1 : i32
        %get3A_1067 = arith.constant 6 : i32
        %get3A_1068 = arith.index_cast %get3A_1066 : i32 to index
        %get3A_1069 = arith.index_cast %get3A_1067 : i32 to index
        %get3A_1070 = arith.index_cast %add3A_856 : i32 to index
        %get3A_1071 = arith.constant 32 : index
        %get3A_1072 = tpu.vector_load %arg13[%get3A_1068, %get3A_1069, %get3A_1070, %get3A_1071] {strides = array<i32>} : memref<2x8x100x64xf32, #tpu.memory_space<vmem>>, vector<1x1x1x16xf32>,
        %get3A_1073 = vector.shape_cast %get3A_1072 : vector<1x1x1x16xf32> to vector<16xf32>
        %add3A_1074 = arith.addf %add3A_1065, %get3A_1073 : vector<16xf32>
        %get3A_1075 = arith.constant 1 : i32
        %get3A_1076 = arith.constant 7 : i32
        %get3A_1077 = arith.index_cast %get3A_1075 : i32 to index
        %get3A_1078 = arith.index_cast %get3A_1076 : i32 to index
        %get3A_1079 = arith.index_cast %add3A_856 : i32 to index
        %get3A_1080 = arith.constant 32 : index
        %get3A_1081 = tpu.vector_load %arg13[%get3A_1077, %get3A_1078, %get3A_1079, %get3A_1080] {strides = array<i32>} : memref<2x8x100x64xf32, #tpu.memory_space<vmem>>, vector<1x1x1x16xf32>,
        %get3A_1082 = vector.shape_cast %get3A_1081 : vector<1x1x1x16xf32> to vector<16xf32>
        %add3A_1083 = arith.addf %add3A_1074, %get3A_1082 : vector<16xf32>
        %add3A_1084 = arith.constant 50 : i32
        %add3A_1085 = arith.addi %add3A_1084, %scan3A_537 : i32
        %swap3A_1086 = arith.index_cast %add3A_1085 : i32 to index
        %swap3A_1087 = arith.constant 96 : index
        %swap3A_1088 = tpu.vector_load %arg14[%swap3A_1086, %swap3A_1087] {strides = array<i32>} : memref<100x128xf32, #tpu.memory_space<vmem>>, vector<1x16xf32>,
        %swap3A_1089 = vector.shape_cast %swap3A_1088 : vector<1x16xf32> to vector<16xf32>
        %swap3A_1090 = vector.shape_cast %add3A_1083 : vector<16xf32> to vector<1x16xf32>
        tpu.vector_store %arg14[%swap3A_1086, %swap3A_1087], %swap3A_1090 {strides = array<i32>} : memref<100x128xf32, #tpu.memory_space<vmem>>, vector<1x16xf32>,
        %get3A_1091 = arith.constant 1 : i32
        %get3A_1092 = arith.constant 0 : i32
        %get3A_1093 = arith.index_cast %get3A_1091 : i32 to index
        %get3A_1094 = arith.index_cast %get3A_1092 : i32 to index
        %get3A_1095 = arith.index_cast %add3A_856 : i32 to index
        %get3A_1096 = arith.constant 48 : index
        %get3A_1097 = tpu.vector_load %arg13[%get3A_1093, %get3A_1094, %get3A_1095, %get3A_1096] {strides = array<i32>} : memref<2x8x100x64xf32, #tpu.memory_space<vmem>>, vector<1x1x1x16xf32>,
        %get3A_1098 = vector.shape_cast %get3A_1097 : vector<1x1x1x16xf32> to vector<16xf32>
        %get3A_1099 = arith.constant 1 : i32
        %get3A_1100 = arith.constant 1 : i32
        %get3A_1101 = arith.index_cast %get3A_1099 : i32 to index
        %get3A_1102 = arith.index_cast %get3A_1100 : i32 to index
        %get3A_1103 = arith.index_cast %add3A_856 : i32 to index
        %get3A_1104 = arith.constant 48 : index
        %get3A_1105 = tpu.vector_load %arg13[%get3A_1101, %get3A_1102, %get3A_1103, %get3A_1104] {strides = array<i32>} : memref<2x8x100x64xf32, #tpu.memory_space<vmem>>, vector<1x1x1x16xf32>,
        %get3A_1106 = vector.shape_cast %get3A_1105 : vector<1x1x1x16xf32> to vector<16xf32>
        %add3A_1107 = arith.addf %get3A_1098, %get3A_1106 : vector<16xf32>
        %get3A_1108 = arith.constant 1 : i32
        %get3A_1109 = arith.constant 2 : i32
        %get3A_1110 = arith.index_cast %get3A_1108 : i32 to index
        %get3A_1111 = arith.index_cast %get3A_1109 : i32 to index
        %get3A_1112 = arith.index_cast %add3A_856 : i32 to index
        %get3A_1113 = arith.constant 48 : index
        %get3A_1114 = tpu.vector_load %arg13[%get3A_1110, %get3A_1111, %get3A_1112, %get3A_1113] {strides = array<i32>} : memref<2x8x100x64xf32, #tpu.memory_space<vmem>>, vector<1x1x1x16xf32>,
        %get3A_1115 = vector.shape_cast %get3A_1114 : vector<1x1x1x16xf32> to vector<16xf32>
        %add3A_1116 = arith.addf %add3A_1107, %get3A_1115 : vector<16xf32>
        %get3A_1117 = arith.constant 1 : i32
        %get3A_1118 = arith.constant 3 : i32
        %get3A_1119 = arith.index_cast %get3A_1117 : i32 to index
        %get3A_1120 = arith.index_cast %get3A_1118 : i32 to index
        %get3A_1121 = arith.index_cast %add3A_856 : i32 to index
        %get3A_1122 = arith.constant 48 : index
        %get3A_1123 = tpu.vector_load %arg13[%get3A_1119, %get3A_1120, %get3A_1121, %get3A_1122] {strides = array<i32>} : memref<2x8x100x64xf32, #tpu.memory_space<vmem>>, vector<1x1x1x16xf32>,
        %get3A_1124 = vector.shape_cast %get3A_1123 : vector<1x1x1x16xf32> to vector<16xf32>
        %add3A_1125 = arith.addf %add3A_1116, %get3A_1124 : vector<16xf32>
        %get3A_1126 = arith.constant 1 : i32
        %get3A_1127 = arith.constant 4 : i32
        %get3A_1128 = arith.index_cast %get3A_1126 : i32 to index
        %get3A_1129 = arith.index_cast %get3A_1127 : i32 to index
        %get3A_1130 = arith.index_cast %add3A_856 : i32 to index
        %get3A_1131 = arith.constant 48 : index
        %get3A_1132 = tpu.vector_load %arg13[%get3A_1128, %get3A_1129, %get3A_1130, %get3A_1131] {strides = array<i32>} : memref<2x8x100x64xf32, #tpu.memory_space<vmem>>, vector<1x1x1x16xf32>,
        %get3A_1133 = vector.shape_cast %get3A_1132 : vector<1x1x1x16xf32> to vector<16xf32>
        %add3A_1134 = arith.addf %add3A_1125, %get3A_1133 : vector<16xf32>
        %get3A_1135 = arith.constant 1 : i32
        %get3A_1136 = arith.constant 5 : i32
        %get3A_1137 = arith.index_cast %get3A_1135 : i32 to index
        %get3A_1138 = arith.index_cast %get3A_1136 : i32 to index
        %get3A_1139 = arith.index_cast %add3A_856 : i32 to index
        %get3A_1140 = arith.constant 48 : index
        %get3A_1141 = tpu.vector_load %arg13[%get3A_1137, %get3A_1138, %get3A_1139, %get3A_1140] {strides = array<i32>} : memref<2x8x100x64xf32, #tpu.memory_space<vmem>>, vector<1x1x1x16xf32>,
        %get3A_1142 = vector.shape_cast %get3A_1141 : vector<1x1x1x16xf32> to vector<16xf32>
        %add3A_1143 = arith.addf %add3A_1134, %get3A_1142 : vector<16xf32>
        %get3A_1144 = arith.constant 1 : i32
        %get3A_1145 = arith.constant 6 : i32
        %get3A_1146 = arith.index_cast %get3A_1144 : i32 to index
        %get3A_1147 = arith.index_cast %get3A_1145 : i32 to index
        %get3A_1148 = arith.index_cast %add3A_856 : i32 to index
        %get3A_1149 = arith.constant 48 : index
        %get3A_1150 = tpu.vector_load %arg13[%get3A_1146, %get3A_1147, %get3A_1148, %get3A_1149] {strides = array<i32>} : memref<2x8x100x64xf32, #tpu.memory_space<vmem>>, vector<1x1x1x16xf32>,
        %get3A_1151 = vector.shape_cast %get3A_1150 : vector<1x1x1x16xf32> to vector<16xf32>
        %add3A_1152 = arith.addf %add3A_1143, %get3A_1151 : vector<16xf32>
        %get3A_1153 = arith.constant 1 : i32
        %get3A_1154 = arith.constant 7 : i32
        %get3A_1155 = arith.index_cast %get3A_1153 : i32 to index
        %get3A_1156 = arith.index_cast %get3A_1154 : i32 to index
        %get3A_1157 = arith.index_cast %add3A_856 : i32 to index
        %get3A_1158 = arith.constant 48 : index
        %get3A_1159 = tpu.vector_load %arg13[%get3A_1155, %get3A_1156, %get3A_1157, %get3A_1158] {strides = array<i32>} : memref<2x8x100x64xf32, #tpu.memory_space<vmem>>, vector<1x1x1x16xf32>,
        %get3A_1160 = vector.shape_cast %get3A_1159 : vector<1x1x1x16xf32> to vector<16xf32>
        %add3A_1161 = arith.addf %add3A_1152, %get3A_1160 : vector<16xf32>
        %add3A_1162 = arith.constant 50 : i32
        %add3A_1163 = arith.addi %add3A_1162, %scan3A_537 : i32
        %swap3A_1164 = arith.index_cast %add3A_1163 : i32 to index
        %swap3A_1165 = arith.constant 112 : index
        %swap3A_1166 = tpu.vector_load %arg14[%swap3A_1164, %swap3A_1165] {strides = array<i32>} : memref<100x128xf32, #tpu.memory_space<vmem>>, vector<1x16xf32>,
        %swap3A_1167 = vector.shape_cast %swap3A_1166 : vector<1x16xf32> to vector<16xf32>
        %swap3A_1168 = vector.shape_cast %add3A_1161 : vector<16xf32> to vector<1x16xf32>
        tpu.vector_store %arg14[%swap3A_1164, %swap3A_1165], %swap3A_1168 {strides = array<i32>} : memref<100x128xf32, #tpu.memory_space<vmem>>, vector<1x16xf32>,
        %scan3A_1169 = arith.constant 0 : i32
        scf.yield %scan3A_1169 : i32
      }
      %scan3A_534 = arith.constant 50 : i32
      %mul3A_535 = arith.constant 100 : i32
      %mul3A_536 = arith.muli %add3A_158, %mul3A_535 : i32
      "tpu.region"() ({
        %run_scoped3A_537 = tpu.sem_alloc : memref<!tpu.dma_semaphore, #tpu.memory_space<semaphore_mem>>
        %dma_start3A_538 = arith.constant 0 : i32
        %dma_start3A_539 = tpu.memref_slice %arg11[%mul3A_536, %dma_start3A_538] : memref<102400x128xf32, #tpu.memory_space<hbm>> -> memref<100x128xf32, #tpu.memory_space<hbm>>
        %dma_start3A_540 = arith.constant 0 : i32
        %dma_start3A_541 = tpu.memref_slice %arg11[%mul3A_536, %dma_start3A_540] : memref<102400x128xf32, #tpu.memory_space<hbm>> -> memref<100x128xf32, #tpu.memory_space<hbm>>
        tpu.enqueue_dma source(%arg14 : memref<100x128xf32, #tpu.memory_space<vmem>>) target(%dma_start3A_541 : memref<100x128xf32, #tpu.memory_space<hbm>>) target_semaphore(%run_scoped3A_537 : memref<!tpu.dma_semaphore, #tpu.memory_space<semaphore_mem>>)
        %dma_wait3A_542 = arith.constant 0 : i32
        %dma_wait3A_543 = tpu.memref_slice %arg11[%mul3A_536, %dma_wait3A_542] : memref<102400x128xf32, #tpu.memory_space<hbm>> -> memref<100x128xf32, #tpu.memory_space<hbm>>
        %dma_wait3A_544 = arith.constant 0 : i32
        %dma_wait3A_545 = tpu.memref_slice %arg11[%mul3A_536, %dma_wait3A_544] : memref<102400x128xf32, #tpu.memory_space<hbm>> -> memref<100x128xf32, #tpu.memory_space<hbm>>
        tpu.wait_dma2 semaphore(%run_scoped3A_537 : memref<!tpu.dma_semaphore, #tpu.memory_space<semaphore_mem>>) src(%arg14 : memref<100x128xf32, #tpu.memory_space<vmem>>) dst(%dma_wait3A_545 : memref<100x128xf32, #tpu.memory_space<hbm>>)
        tpu.yield
      }) : () -> ()
    }
    %scan3A_156 = arith.constant 32 : i32
    return
  }
}

</mosaic_0001>

<sc_bundles>
// kernel: kernel.3.cloned.1.call-start
scs
__scs_entry_jumppad:
0x0: {  	(pc) =	sbr.rel $0x88, $3  }
0x1: {  	(tag) =	ssettag $0x0;
	lr =	simm.s32 $0x1  }
0x2: {  	[smem:$0x3F9F] =	sst lr;
	_ =	strace $0xD0000000  }
0x3: {  	_ = 	snop  }
0x4: {  	_ = 	snop  }
0x5: {  	_ = 	snop  }
0x6: {  	_ = 	snop  }
0x7: {  	_ = 	snop  }
__scs_overlays_trampoline_lowered:
0x8: {  	[smem:$0x3FAE] =	sst s0  }
0x9: {  	[smem:$0x3FAF] =	sst s1  }
0xa: {  	[smem:$0x3FB0] =	sst s2  }
0xb: {  	[smem:$0x3FB1] =	sst s3  }
0xc: {  	[smem:$0x3FB2] =	sst s4  }
0xd: {  	[smem:$0x3FB3] =	sst s5  }
0xe: {  	[smem:$0x3FB4] =	sst s6  }
0xf: {  	[smem:$0x3FB5] =	sst s7  }
0x10: {  	[smem:$0x3FB6] =	sst s8  }
0x11: {  	[smem:$0x3FB7] =	sst s9;
	s0 =	simm.s32 @!p0 $0x0  }
0x12: {  	s1 =	sld [smem:$0x3F9D];
	s0 =	simm.s32 @p0 $0x1  }
0x13: {  	[smem:$0x3FB8] =	sst s0;
	s0 =	simm.s32 @!p1 $0x0  }
0x14: {  	s2 =	sld [smem:$0x3F9C];
	s0 =	simm.s32 @p1 $0x1  }
0x15: {  	[smem:$0x3FB9] =	sst s0;
	s0 =	simm.s32 @!p2 $0x0  }
0x16: {  	s3 =	sld [smem:$0x3FDB];
	s0 =	simm.s32 @p2 $0x1  }
0x17: {  	s4 =	simm.s32 $0x1BF5;
	[smem:$0x3FBB] =	sst s0  }
0x18: {  	s0 =	sld [smem:$0x3F9E];
	_ =	swait.ge [sflag:s4], $0x0  }
0x19: {  	s7 =	sld [smem:$0x3F9F]  }
0x1a: {  	s8 =	sadd.s32 $0xFFFFE003, lr  }
0x1b: {  	s9 =	sadd.s32 $0xFFFFFEF7, lr;
	s5 =	simm.s32 $0xFFFFFFFF;
	p2 =	slt.u32 s8, $0xFFFFF086  }
0x1c: {  	p1 =	slt.u32 s9, $0xF7A;
	s5 =	simm.s32 @!p2 $0x0  }
0x1d: {  	s5 =	simm.s32 @p1 $0x1;
	p0 =	seq.s32 s7, s2  }
0x1e: {  	s7 =	smul.u32 @!p0 $0xF7A, s2;
	p2 =	seq.s32 @!p0 s5, $0x0  }
0x1f: {  	s9 =	smul.u32 $0xF7A, s1;
	s8 =	simm.s32 @!p0 $0x1BF5;
	p2 =	por !p2, p0  }
0x20: {  	[sflag:s8] =	ssyncset.s32 @!p0 $0xFFFFF086;
	s6 =	sadd.s32 @!p0 s3, s7;
	s7 =	simm.s32 @!p0 $0x108  }
0x21: {  	s3 =	sadd.s32 s3, s9;
	s6 =	sadd.s32 @!p0 $0x88, s6;
	s7 =	simm.s32 @p2 $0x1082  }
0x22: {  	[simem:s7], [sflag:s8] =	dma.local @!p0 [hbm:s6], $0xF7A  }
0x23: {  	s9 =	sor.u32 $0xD0000000, s2;
	s6 =	simm.s32 $0x108;
	_ =	swait.ge @!p0 [sflag:s8], $0x0  }
0x24: {  	s3 =	sadd.s32 $0x88, s3;
	s6 =	simm.s32 @!p1 $0x1082;
	[sflag:s4] =	ssyncset.s32 $0xFFFFF086  }
0x25: {  	[simem:s6], [sflag:s4] =	dma.local [hbm:s3], $0xF7A  }
0x26: {  	[smem:$0x3F9F] =	sst s1;
	(tag) =	ssettag s2;
	_ =	strace s9  }
0x27: {  	s1 =	sld [smem:$0x3FAF]  }
0x28: {  	s2 =	sld [smem:$0x3FB0]  }
0x29: {  	s4 =	sld [smem:$0x3FB2]  }
0x2a: {  	p0 =	seq.s32 s5, $0x0;
	s5 =	sld [smem:$0x3FB3]  }
0x2b: {  	s6 =	sld [smem:$0x3FB4]  }
0x2c: {  	s7 =	sld [smem:$0x3FB5]  }
0x2d: {  	s3 =	simm.s32 $0x108;
	s8 =	sld [smem:$0x3FB6]  }
0x2e: {  	s3 =	simm.s32 @!p0 $0x1082;
	s9 =	sld [smem:$0x3FB7]  }
0x2f: {  	lr =	sadd.s32 s0, s3;
	s0 =	sld [smem:$0x3FAE]  }
0x30: {  	s3 =	sld [smem:$0x3FB1]  }
0x31: {  	[smem:$0x3FBA] =	sst s10  }
0x32: {  	s10 =	sld [smem:$0x3FB8];
	_ =	sdelay $0x3  }
0x33: {  	p0 =	seq.s32 s10, $0x1;
	s10 =	sld [smem:$0x3FBA];
	_ =	sdelay $0x3  }
0x34: {  	[smem:$0x3FBA] =	sst s10  }
0x35: {  	s10 =	sld [smem:$0x3FB9];
	_ =	sdelay $0x3  }
0x36: {  	p1 =	seq.s32 s10, $0x1;
	s10 =	sld [smem:$0x3FBA];
	_ =	sdelay $0x3  }
0x37: {  	[smem:$0x3FBA] =	sst s10  }
0x38: {  	s10 =	sld [smem:$0x3FBB]  }
0x39: {  	_ = 	snop;
	(pc) =	sbr.ind lr, $3  }
0x3a: {  	_ = 	snop  }
0x3b: {  	_ = 	snop  }
0x3c: {  	p2 =	seq.s32 s10, $0x1;
	s10 =	sld [smem:$0x3FBA]  }
0x3d: {  	_ =	shalt  }
0x3e: {  	_ =	shalt  }
0x3f: {  	_ =	shalt  }
0x40: {  	_ =	shalt  }
0x41: {  	_ =	shalt  }
0x42: {  	_ =	shalt  }
0x43: {  	_ =	shalt  }
0x44: {  	_ =	shalt  }
0x45: {  	_ =	shalt  }
0x46: {  	_ =	shalt  }
0x47: {  	_ =	shalt  }
0x48: {  	_ =	shalt  }
0x49: {  	_ =	shalt  }
0x4a: {  	_ =	shalt  }
0x4b: {  	_ =	shalt  }
0x4c: {  	_ =	shalt  }
0x4d: {  	_ =	shalt  }
0x4e: {  	_ =	shalt  }
0x4f: {  	_ =	shalt  }
0x50: {  	_ =	shalt  }
0x51: {  	_ =	shalt  }
0x52: {  	_ =	shalt  }
0x53: {  	_ =	shalt  }
0x54: {  	_ =	shalt  }
0x55: {  	_ =	shalt  }
0x56: {  	_ =	shalt  }
0x57: {  	_ =	shalt  }
0x58: {  	_ =	shalt  }
0x59: {  	_ =	shalt  }
0x5a: {  	_ =	shalt  }
0x5b: {  	_ =	shalt  }
0x5c: {  	_ =	shalt  }
0x5d: {  	_ =	shalt  }
0x5e: {  	_ =	shalt  }
0x5f: {  	_ =	shalt  }
0x60: {  	_ =	shalt  }
0x61: {  	_ =	shalt  }
0x62: {  	_ =	shalt  }
0x63: {  	_ =	shalt  }
0x64: {  	_ =	shalt  }
0x65: {  	_ =	shalt  }
0x66: {  	_ =	shalt  }
0x67: {  	_ =	shalt  }
0x68: {  	_ =	shalt  }
0x69: {  	_ =	shalt  }
0x6a: {  	_ =	shalt  }
0x6b: {  	_ =	shalt  }
0x6c: {  	_ =	shalt  }
0x6d: {  	_ =	shalt  }
0x6e: {  	_ =	shalt  }
0x6f: {  	_ =	shalt  }
0x70: {  	_ =	shalt  }
0x71: {  	_ =	shalt  }
0x72: {  	_ =	shalt  }
0x73: {  	_ =	shalt  }
0x74: {  	_ =	shalt  }
0x75: {  	_ =	shalt  }
0x76: {  	_ =	shalt  }
0x77: {  	_ =	shalt  }
0x78: {  	_ =	shalt  }
0x79: {  	_ =	shalt  }
0x7a: {  	_ =	shalt  }
0x7b: {  	_ =	shalt  }
0x7c: {  	_ =	shalt  }
0x7d: {  	_ =	shalt  }
0x7e: {  	_ =	shalt  }
0x7f: {  	_ =	shalt  }
0x80: {  	_ =	shalt  }
0x81: {  	_ =	shalt  }
0x82: {  	_ =	shalt  }
0x83: {  	_ =	shalt  }
0x84: {  	_ =	shalt  }
0x85: {  	_ =	shalt  }
0x86: {  	_ =	shalt  }
0x87: {  	_ =	shalt  }
.Lfunc_end0:
.L_simem_size_0:
called_computation.1_lowered:
.L_overlay_start_0:
0x88: {  	s2 =	sld [smem:$0x3FD9]  }
0x89: {  	s3 =	sld [smem:$0x3FFE];
	_ =	sdelay $0x1  }
0x8a: {  	s1 =	srdreg.scid  }
0x8b: {  	s0 =	sand.u32 $0x1, s1  }
0x8c: {  	s17 =	sshll.u32 s0, $0xA;
	s2 =	sadd.s32 s3, s2  }
0x8d: {  	s2 =	sadd.s32 s2, s17  }
0x8e: {  	[smem:$0x3FC6] =	sst s2  }
0x8f: {  	_ = 	snop  }
0x90: {  	s2 =	sld [smem:$0x3FD0];
	(tm) =	ssettm $0x1  }
0x91: {  	s18 =	sld [smem:$0x3FFB];
	_ =	sdelay $0x3  }
0x92: {  	_ =	strace s18  }
0x93: {  	s3 =	sld [smem:$0x3FFC];
	_ =	sdelay $0x3  }
0x94: {  	_ =	strace s3  }
0x95: {  	s3 =	sld [smem:$0x3FFD];
	_ =	sdelay $0x3  }
0x96: {  	_ =	strace s3  }
0x97: {  	_ =	strace $0x8FFFFFFF  }
0x98: {  	s19 =	sld [smem:$0x3FDB];
	_ =	sdelay $0x1  }
0x99: {  	s4 =	simm.s32 $_scs_section_size  }
0x9a: {  	s5 =	simm.s32 $_size__tile_overlayer_lowered;
	s6 =	simm.s32 $_tile_overlayer_lowered  }
0x9b: {  	s22 =	simm.s32 $0x1BFF;
	s21 =	sshll.u32 s6, $0x1;
	s3 =	sadd.s32 s4, s19  }
0x9c: {  	s7 =	simm.s32 $0x0;
	s20 =	sshll.u32 s5, $0x1;
	s5 =	sadd.s32 s21, s3  }
0x9d: {  	[timem:s7], [sflag:s22] =	dma.local [hbm:s5], s20  }
0x9e: {  	_ =	swait.ge [sflag:s22], s20  }
0x9f: {  	s4 =	ssub.s32 $0x0, s20;
	[sflag:s22] =	ssyncset.done $0x0  }
0xa0: {  	[sflag:s22] =	ssyncadd.s32 s4;
	_ =	sdelay $0x1  }
0xa1: {  	s23 =	simm.s32 $0x1B8B  }
0xa2: {  	_ =	swait.ge [sflag:s23], $0x1  }
0xa3: {  	[sflag:s23] =	ssyncset.done $0x0  }
0xa4: {  	s25 =	simm.s32 $0x1B8E;
	s24 =	sld [smem:$0x3FFE];
	[sflag:s23] =	ssyncadd.s32 $0xFFFFFFFF  }
0xa5: {  	s26 =	simm.s32 $execute0_lowered;
	[smem:$0x3FD2] =	sst s25  }
0xa6: {  	s5 =	sshll.u32 s26, $0x1;
	_ =	strace $0x80000046;
	[dreg:$0x1] =	wrdreg $0xFFFFFFFF  }
0xa7: {  	s28 =	simm.s32 $_size_execute0_lowered;
	s3 =	sadd.s32 s3, s5;
	[dreg:$0x0] =	wrdreg $0x0  }
0xa8: {  	s5 =	sshll.u32 s28, $0x1;
	[dreg:$0x2] =	wrdreg s3  }
0xa9: {  	[dreg:$0x3] =	wrdreg s5  }
0xaa: {  	[dreg:$0x4] =	wrdreg $0xC0  }
0xab: {  	_ =	task [dreg:s7], $0x5FFFF  }
0xac: {  	[dreg:$0x1] =	wrdreg $0xFFFFFFFF  }
0xad: {  	[dreg:$0x0] =	wrdreg $0x60  }
0xae: {  	[dreg:$0x2] =	wrdreg s24  }
0xaf: {  	[dreg:$0x3] =	wrdreg s2  }
0xb0: {  	[dreg:$0x4] =	wrdreg $0x9  }
0xb1: {  	_ =	task.clear_ibuf [dreg:s7], $0x5FFFF;
	_ =	strace $0x90000046  }
0xb2: {  	s29 =	simm.s32 $0x9;
	_ =	strace $0x80000048  }
0xb3: {  	_ =	swait.ge [sflag:s29], $0x1  }
0xb4: {  	[sflag:s29] =	ssyncadd.s32 $0xFFFFFFFF  }
0xb5: {  	_ =	strace $0x90000048  }
0xb6: {  	_ =	sfence  }
0xb7: {  	s30 =	sld [smem:$0x0];
	_ =	sdelay $0x2  }
0xb8: {  	s31 =	sshll.u32 s1, $0xD;
	s1 =	sshrl.u32 s1, $0x2  }
0xb9: {  	s3 =	sand.u32 $0x4000, s31;
	s1 =	sadd.s32 s1, s30  }
0xba: {  	s0 =	sor.u32 s3, s0;
	s1 =	sshll.u32 s1, $0x11  }
0xbb: {  	s0 =	sor.u32 s1, s0  }
0xbc: {  	s0 =	sadd.s32 $0x8F2B, s0  }
0xbd: {  	[sflag:s0] =	ssyncadd.remote.s32 $0x1  }
0xbe: {  	_ =	sfence.sel $0xFFFF  }
0xbf: {  	[dreg:$0x0] =	wrdreg $0xFFFFFFFF;
	(pc) =	sbr.abs _section_cstart, $3  }
0xc0: {  	[dreg:$0x1] =	wrdreg $0xFFFFFFFF  }
0xc1: {  	_ =	task.clear_ibuf [dreg:s7], $0x2FFFF;
	_ =	strace $0x9FFFFFFF  }
0xc2: {  	(tm) =	ssettm $0x7FFFFFFF  }
0xc3: {  	_ =	shalt  }
tec
execute0_lowered:
.L_overlay_start_1:
0x0: {  	(tag) =	ssettag $0x1  }
0x1: {  	s0 =	rddreg [dreg:$0x0]  }
0x2: {  	s1 =	rddreg [dreg:$0x1];
	s3 =	simm.s32 $0x0;
	s2 =	srdreg.scid  }
0x3: {  	s5 =	stileid.u32;
	s18 =	simm.s32 $0x4;
	s19 =	simm.s32 $0x64  }
0x4: {  	s28 =	simm.s32 $0x11400;
	s29 =	simm.s32 $0x12D00;
	s30 =	simm.s32 $0x14600  }
0x5: {  	s31 =	simm.s32 $0x15F00;
	s21 =	simm.s32 $0x1AA00;
	[smem:$0x7FF] =	sst s3  }
0x6: {  	s4 =	sadd.s32 $0x58C400, s0;
	s7 =	sshll.u32 s5, $0x6;
	s5 =	sadd.s32 $0x4C8E00, s0  }
0x7: {  	s20 =	simm.s32 $0x3;
	s6 =	sadd.s32 $0x405800, s0;
	s9 =	sadd.s32 $0x342200, s0  }
0x8: {  	s2 =	sand.u32 $0x1, s2;
	s10 =	sadd.s32 $0x27EC00, s0;
	s11 =	sadd.s32 $0x1BB600, s0  }
0x9: {  	s12 =	sadd.s32 $0xF8000, s0;
	s8 =	sshll.u32 s2, $0x5;
	s2 =	ssub.s32 $0x2, s2  }
0xa: {  	s14 =	sadd.s32 $0x34A00, s0;
	s7 =	sor.u32 s8, s7;
	s15 =	sshrl.u32 s2, $0x1  }
0xb: {  	_ =	strace $0x80000047;
	s13 =	smul.u32 $0xD0, s7;
	s24 =	ssub.s32 s2, s15  }
0xc: {  	s8 =	sadd.s32 $0xA00, s0;
	s2 =	simm.s32 $0x19100;
	s0 =	smax.u32 s24, $0x1  }
0xd: {  	s15 =	simm.s32 $0x0;
	s13 =	sadd.s32 s8, s13;
	[dreg:$0x6] =	wrdreg s0  }
0xe: {  	s24 =	simm.s32 $0x2;
	s25 =	sadd.s32 $0xD0, s13;
	[dreg:$0x3] =	wrdreg s13  }
0xf: {  	s0 =	simm.s32 $0x17800;
	s26 =	sadd.s32 $0x1A0, s13;
	[dreg:$0x4] =	wrdreg s25  }
0x10: {  	[dreg:$0x5] =	wrdreg s26;
	s25 =	simm.s32 $0xE200;
	s26 =	simm.s32 $0xFB00  }
.LBB2_1:
0x11: {  	[dreg:$0x7] =	wrdreg s15  }
0x12: {  	s13 =	rddreg [dreg:$0x3]  }
0x13: {  	[tilespmem:s3], [sflag:$0x4] =	stream.linear.gather [hbm4b:s13+s3], $0x680, $0x38;
	[tilespmem:$0x1DC00] =	vst v63  }
0x14: {  	_ =	swait.ge [sflag:s18], $0x680  }
0x15: {  	[sflag:s18] =	ssyncset.done $0x0  }
0x16: {  	s17 =	simm.s32 $0x1A00;
	[sflag:s18] =	ssyncadd.s32 $0xFFFFF980  }
0x17: {  	[tilespmem:s17], [sflag:$0x2] =	stream.indirect.gather [hbm4b:s4+s19], $0x40, s3, s19, $0xb8;
	[tilespmem:$0x1DC00] =	vst v63  }
0x18: {  	s22 =	simm.s32 $0xD0;
	s23 =	simm.s32 $0x3300  }
0x19: {  	[tilespmem:s23], [sflag:$0x2] =	stream.indirect.gather [hbm4b:s5+s19], $0x40, s22, s19, $0xb8;
	[tilespmem:$0x1DC00] =	vst v63  }
0x1a: {  	s16 =	simm.s32 $0x1A0;
	s17 =	simm.s32 $0x4C00  }
0x1b: {  	[tilespmem:s17], [sflag:$0x2] =	stream.indirect.gather [hbm4b:s6+s19], $0x40, s16, s19, $0xb8;
	[tilespmem:$0x1DC00] =	vst v63  }
0x1c: {  	s22 =	simm.s32 $0x270;
	s23 =	simm.s32 $0x6500  }
0x1d: {  	[tilespmem:s23], [sflag:$0x2] =	stream.indirect.gather [hbm4b:s9+s19], $0x40, s22, s19, $0xb8;
	[tilespmem:$0x1DC00] =	vst v63  }
0x1e: {  	s16 =	simm.s32 $0x340;
	s17 =	simm.s32 $0x7E00  }
0x1f: {  	[tilespmem:s17], [sflag:$0x2] =	stream.indirect.gather [hbm4b:s10+s19], $0x40, s16, s19, $0xb8;
	[tilespmem:$0x1DC00] =	vst v63  }
0x20: {  	s22 =	simm.s32 $0x410;
	s23 =	simm.s32 $0x9700  }
0x21: {  	[tilespmem:s23], [sflag:$0x2] =	stream.indirect.gather [hbm4b:s11+s19], $0x40, s22, s19, $0xb8;
	[tilespmem:$0x1DC00] =	vst v63  }
0x22: {  	s16 =	simm.s32 $0x4E0;
	s17 =	simm.s32 $0xB000  }
0x23: {  	[tilespmem:s17], [sflag:$0x2] =	stream.indirect.gather [hbm4b:s12+s19], $0x40, s16, s19, $0xb8;
	[tilespmem:$0x1DC00] =	vst v63  }
0x24: {  	s22 =	simm.s32 $0x5B0;
	s23 =	simm.s32 $0xC900  }
0x25: {  	[tilespmem:s23], [sflag:$0x2] =	stream.indirect.gather [hbm4b:s14+s19], $0x40, s22, s19, $0xb8;
	[tilespmem:$0x1DC00] =	vst v63  }
0x26: {  	s16 =	rddreg [dreg:$0x4];
	s17 =	simm.s32 $0x680  }
0x27: {  	[tilespmem:s17], [sflag:$0x1] =	stream.linear.gather [hbm4b:s16+s3], $0x680, $0x38;
	[tilespmem:$0x1DC00] =	vst v63  }
0x28: {  	s22 =	rddreg [dreg:$0x5];
	s23 =	simm.s32 $0xD00  }
0x29: {  	[tilespmem:s23], [sflag:$0x1] =	stream.linear.gather [hbm4b:s22+s3], $0x680, $0x38;
	[tilespmem:$0x1DC00] =	vst v63  }
0x2a: {  	s23 =	simm.s32 $0x0  }
.LBB2_2:
0x2b: {  	_ =	swait.ge [sflag:s24], $0x1900  }
0x2c: {  	[sflag:s24] =	ssyncset.done $0x0  }
0x2d: {  	[sflag:s24] =	ssyncadd.s32 $0xFFFFE700  }
0x2e: {  	_ =	swait.ge [sflag:s24], $0x1900  }
0x2f: {  	[sflag:s24] =	ssyncset.done $0x0  }
0x30: {  	[sflag:s24] =	ssyncadd.s32 $0xFFFFE700  }
0x31: {  	_ =	swait.ge [sflag:s24], $0x1900  }
0x32: {  	[sflag:s24] =	ssyncset.done $0x0  }
0x33: {  	[sflag:s24] =	ssyncadd.s32 $0xFFFFE700  }
0x34: {  	_ =	swait.ge [sflag:s24], $0x1900  }
0x35: {  	[sflag:s24] =	ssyncset.done $0x0  }
0x36: {  	[sflag:s24] =	ssyncadd.s32 $0xFFFFE700  }
0x37: {  	_ =	swait.ge [sflag:s24], $0x1900  }
0x38: {  	[sflag:s24] =	ssyncset.done $0x0  }
0x39: {  	[sflag:s24] =	ssyncadd.s32 $0xFFFFE700  }
0x3a: {  	_ =	swait.ge [sflag:s24], $0x1900  }
0x3b: {  	[sflag:s24] =	ssyncset.done $0x0  }
0x3c: {  	[sflag:s24] =	ssyncadd.s32 $0xFFFFE700  }
0x3d: {  	_ =	swait.ge [sflag:s24], $0x1900  }
0x3e: {  	s13 =	sand.u32 $0x3, s23;
	[sflag:s24] =	ssyncset.done $0x0  }
0x3f: {  	s13 =	smul.u32 $0x1A00, s13;
	[sflag:s24] =	ssyncadd.s32 $0xFFFFE700  }
0x40: {  	_ =	swait.ge [sflag:s24], $0x1900  }
0x41: {  	s13 =	sshrl.u32 s13, $0x2;
	[sflag:s24] =	ssyncset.done $0x0  }
0x42: {  	s15 =	sor.u32 $0x68, s13;
	[sflag:s24] =	ssyncadd.s32 $0xFFFFE700  }
0x43: {  	[tilespmem:s25], [sflag:$0x3] =	stream.indirect.gather [hbm4b:s4+s19], $0x40, s15, s19, $0xb8;
	[tilespmem:$0x1DC00] =	vst v63  }
0x44: {  	s16 =	sadd.s32 $0x138, s13  }
0x45: {  	[tilespmem:s26], [sflag:$0x3] =	stream.indirect.gather [hbm4b:s5+s19], $0x40, s16, s19, $0xb8;
	[tilespmem:$0x1DC00] =	vst v63  }
0x46: {  	s17 =	sadd.s32 $0x208, s13  }
0x47: {  	[tilespmem:s28], [sflag:$0x3] =	stream.indirect.gather [hbm4b:s6+s19], $0x40, s17, s19, $0xb8;
	[tilespmem:$0x1DC00] =	vst v63  }
0x48: {  	s22 =	sadd.s32 $0x2D8, s13  }
0x49: {  	[tilespmem:s29], [sflag:$0x3] =	stream.indirect.gather [hbm4b:s9+s19], $0x40, s22, s19, $0xb8;
	[tilespmem:$0x1DC00] =	vst v63  }
0x4a: {  	s16 =	sadd.s32 $0x3A8, s13  }
0x4b: {  	[tilespmem:s30], [sflag:$0x3] =	stream.indirect.gather [hbm4b:s10+s19], $0x40, s16, s19, $0xb8;
	[tilespmem:$0x1DC00] =	vst v63  }
0x4c: {  	s17 =	sadd.s32 $0x478, s13  }
0x4d: {  	[tilespmem:s31], [sflag:$0x3] =	stream.indirect.gather [hbm4b:s11+s19], $0x40, s17, s19, $0xb8;
	[tilespmem:$0x1DC00] =	vst v63  }
0x4e: {  	s22 =	sadd.s32 $0x548, s13  }
0x4f: {  	[tilespmem:s0], [sflag:$0x3] =	stream.indirect.gather [hbm4b:s12+s19], $0x40, s22, s19, $0xb8;
	[tilespmem:$0x1DC00] =	vst v63  }
0x50: {  	s15 =	simm.s32 $0x0;
	s13 =	sadd.s32 $0x618, s13  }
0x51: {  	[tilespmem:s2], [sflag:$0x3] =	stream.indirect.gather [hbm4b:s14+s19], $0x40, s13, s19, $0xb8;
	[tilespmem:$0x1DC00] =	vst v63  }
0x52: {  	v0 =	vld [tilespmem:s15+$0x1A70]  }
0x53: {  	v1 =	vld [tilespmem:s15+$0x3370]  }
0x54: {  	v2 =	vld [tilespmem:s15+$0x1A00]  }
0x55: {  	v3 =	vld [tilespmem:s15+$0x4C70]  }
0x56: {  	v4 =	vld [tilespmem:s15+$0x3300]  }
0x57: {  	v5 =	vld [tilespmem:s15+$0x6570]  }
0x58: {  	v6 =	vld [tilespmem:s15+$0x1A10]  }
0x59: {  	v7 =	vld [tilespmem:s15+$0x3310]  }
0x5a: {  	v8 =	vld [tilespmem:s15+$0x1A20]  }
0x5b: {  	v9 =	vld [tilespmem:s15+$0x3320]  }
0x5c: {  	v10 =	vld [tilespmem:s15+$0x1A30]  }
0x5d: {  	v11 =	vld [tilespmem:s15+$0x1A40]  }
0x5e: {  	v12 =	vld [tilespmem:s15+$0x1A50]  }
0x5f: {  	v13 =	vld [tilespmem:s15+$0x1A60]  }
0x60: {  	v14 =	vld [tilespmem:s15+$0x4C00]  }
0x61: {  	v15 =	vld [tilespmem:s15+$0x4C10]  }
0x62: {  	v16 =	vld [tilespmem:s15+$0x4C20]  }
0x63: {  	v17 =	vld [tilespmem:s15+$0x4C30]  }
0x64: {  	v18 =	vld [tilespmem:s15+$0x4C40]  }
0x65: {  	v19 =	vld [tilespmem:s15+$0x4C50]  }
0x66: {  	v20 =	vld [tilespmem:s15+$0x4C60]  }
0x67: {  	v21 =	vld [tilespmem:s15+$0x6500]  }
0x68: {  	v22 =	vld [tilespmem:s15+$0x6510]  }
0x69: {  	v23 =	vld [tilespmem:s15+$0x6520]  }
0x6a: {  	v24 =	vld [tilespmem:s15+$0x6530]  }
0x6b: {  	v25 =	vld [tilespmem:s15+$0x6540]  }
0x6c: {  	v26 =	vld [tilespmem:s15+$0x6550]  }
0x6d: {  	v27 =	vld [tilespmem:s15+$0x6560]  }
0x6e: {  	v28 =	vld [tilespmem:s15+$0x7E00]  }
0x6f: {  	v29 =	vld [tilespmem:s15+$0x7E10]  }
0x70: {  	v30 =	vld [tilespmem:s15+$0x7E20]  }
0x71: {  	v31 =	vld [tilespmem:s15+$0x7E30]  }
0x72: {  	v32 =	vld [tilespmem:s15+$0x7E40]  }
0x73: {  	v33 =	vld [tilespmem:s15+$0x7E50]  }
0x74: {  	v34 =	vld [tilespmem:s15+$0x7E60]  }
0x75: {  	v52 =	vld [tilespmem:s15+$0x9750];
	v0 =	vadd.f32 v1, v0  }
0x76: {  	v1 =	vld [tilespmem:s15+$0x7E70]  }
0x77: {  	v2 =	vadd.f32 v4, v2;
	v4 =	vld [tilespmem:s15+$0x9700];
	v0 =	vadd.f32 v3, v0  }
0x78: {  	v6 =	vadd.f32 v7, v6;
	v3 =	vld [tilespmem:s15+$0x9770]  }
0x79: {  	v7 =	vadd.f32 v9, v8;
	v8 =	vld [tilespmem:s15+$0x9710];
	v0 =	vadd.f32 v5, v0  }
0x7a: {  	v2 =	vadd.f32 v14, v2;
	v6 =	vadd.f32 v15, v6;
	v5 =	vld [tilespmem:s15+$0xB070]  }
0x7b: {  	v9 =	vld [tilespmem:s15+$0x9720];
	v7 =	vadd.f32 v16, v7;
	v0 =	vadd.f32 v1, v0  }
0x7c: {  	v2 =	vadd.f32 v21, v2;
	v6 =	vadd.f32 v22, v6;
	v1 =	vld [tilespmem:s15+$0xC970]  }
0x7d: {  	v55 =	vld [tilespmem:s15+$0xB010];
	v7 =	vadd.f32 v23, v7;
	v0 =	vadd.f32 v3, v0  }
0x7e: {  	v56 =	vld [tilespmem:s15+$0xB020];
	v2 =	vadd.f32 v28, v2;
	v6 =	vadd.f32 v29, v6  }
0x7f: {  	v7 =	vadd.f32 v30, v7;
	v3 =	vld [tilespmem:s15+$0x3330];
	v0 =	vadd.f32 v5, v0  }
0x80: {  	v2 =	vadd.f32 v4, v2;
	v4 =	vadd.f32 v8, v6;
	v5 =	vld [tilespmem:s15+$0x3340]  }
0x81: {  	v6 =	vadd.f32 v9, v7;
	v9 =	vld [tilespmem:s15+$0xC910];
	v0 =	vadd.f32 v1, v0  }
0x82: {  	v1 =	vld [tilespmem:s15+$0x3350]  }
0x83: {  	[tilespmem:s15+$0x1AA70] =	vst v0;
	v0 =	vld [tilespmem:s15+$0x3360]  }
0x84: {  	v53 =	vld [tilespmem:s15+$0x9760];
	v62 =	vadd.f32 v55, v4;
	v3 =	vadd.f32 v3, v10  }
0x85: {  	v54 =	vld [tilespmem:s15+$0xB000];
	v63 =	vadd.f32 v56, v6;
	v5 =	vadd.f32 v5, v11  }
0x86: {  	v57 =	vld [tilespmem:s15+$0xB030];
	v9 =	vadd.f32 v9, v62;
	v3 =	vadd.f32 v17, v3  }
0x87: {  	v10 =	vld [tilespmem:s15+$0x9730];
	v1 =	vadd.f32 v1, v12;
	v5 =	vadd.f32 v18, v5  }
0x88: {  	v11 =	vld [tilespmem:s15+$0x9740];
	v3 =	vadd.f32 v24, v3;
	v0 =	vadd.f32 v0, v13  }
0x89: {  	v58 =	vld [tilespmem:s15+$0xB040];
	v1 =	vadd.f32 v19, v1;
	v5 =	vadd.f32 v25, v5  }
0x8a: {  	v59 =	vld [tilespmem:s15+$0xB050];
	v3 =	vadd.f32 v31, v3;
	v0 =	vadd.f32 v20, v0  }
0x8b: {  	v61 =	vld [tilespmem:s15+$0xC900];
	v1 =	vadd.f32 v26, v1;
	v5 =	vadd.f32 v32, v5  }
0x8c: {  	v3 =	vadd.f32 v10, v3;
	v10 =	vld [tilespmem:s15+$0xC920];
	v0 =	vadd.f32 v27, v0  }
0x8d: {  	v60 =	vld [tilespmem:s15+$0xB060];
	v1 =	vadd.f32 v33, v1;
	v8 =	vadd.f32 v11, v5  }
0x8e: {  	v7 =	vld [tilespmem:s15+$0xC930];
	v11 =	vadd.f32 v54, v2;
	v0 =	vadd.f32 v34, v0  }
0x8f: {  	v4 =	vld [tilespmem:s15+$0xC940];
	v6 =	vadd.f32 v57, v3;
	v1 =	vadd.f32 v52, v1  }
0x90: {  	v5 =	vld [tilespmem:s15+$0xC950];
	v11 =	vadd.f32 v61, v11;
	v0 =	vadd.f32 v53, v0  }
0x91: {  	s13 =	simm.s32 $0x80;
	v2 =	vadd.f32 v58, v8;
	v8 =	vld [tilespmem:s15+$0xC960];
	v10 =	vadd.f32 v10, v63  }
0x92: {  	s16 =	simm.s32 $0x400;
	v3 =	vadd.f32 v59, v1;
	v1 =	vld [tilespmem:s13+$0x1A70];
	[tilespmem:s15+$0x1AA00] =	vst v11;
	v0 =	vadd.f32 v60, v0  }
.LBB2_3:
0x93: {  	p0 =	sne.s32 s16, $0x6200;
	v11 =	vld [tilespmem:s13+$0x3370];
	[tilespmem:s15+$0x1AA10] =	vst v9;
	v6 =	vadd.f32 v7, v6  }
0x94: {  	v7 =	vld [tilespmem:s13+$0x1A00];
	[tilespmem:s15+$0x1AA20] =	vst v10;
	v2 =	vadd.f32 v4, v2  }
0x95: {  	v4 =	vld [tilespmem:s13+$0x4C70];
	[tilespmem:s15+$0x1AA30] =	vst v6;
	v3 =	vadd.f32 v5, v3  }
0x96: {  	v5 =	vld [tilespmem:s13+$0x3300];
	[tilespmem:s15+$0x1AA40] =	vst v2;
	v0 =	vadd.f32 v8, v0  }
0x97: {  	v2 =	vld [tilespmem:s13+$0x6570];
	[tilespmem:s15+$0x1AA50] =	vst v3  }
0x98: {  	v3 =	vld [tilespmem:s13+$0x1A10];
	v1 =	vadd.f32 v11, v1;
	[tilespmem:s15+$0x1AA60] =	vst v0;
	s15 =	smov.u32 s13  }
0x99: {  	v0 =	vld [tilespmem:s15+$0x7E70]  }
0x9a: {  	v6 =	vld [tilespmem:s15+$0x3310];
	v1 =	vadd.f32 v4, v1  }
0x9b: {  	v4 =	vadd.f32 v5, v7;
	v5 =	vld [tilespmem:s15+$0x9770]  }
0x9c: {  	v7 =	vld [tilespmem:s15+$0x1A20];
	v1 =	vadd.f32 v2, v1  }
0x9d: {  	v2 =	vld [tilespmem:s15+$0xB070]  }
0x9e: {  	v8 =	vld [tilespmem:s15+$0x3320];
	v0 =	vadd.f32 v0, v1  }
0x9f: {  	v1 =	vadd.f32 v6, v3;
	v3 =	vld [tilespmem:s15+$0xC970]  }
0xa0: {  	v6 =	vld [tilespmem:s15+$0x1A30];
	v0 =	vadd.f32 v5, v0  }
0xa1: {  	v5 =	vld [tilespmem:s15+$0x3330]  }
0xa2: {  	v9 =	vld [tilespmem:s15+$0x1A40];
	v0 =	vadd.f32 v2, v0  }
0xa3: {  	v2 =	vadd.f32 v8, v7;
	v7 =	vld [tilespmem:s15+$0x3340]  }
0xa4: {  	v8 =	vld [tilespmem:s15+$0x1A50];
	v0 =	vadd.f32 v3, v0  }
0xa5: {  	v3 =	vld [tilespmem:s15+$0x3350]  }
0xa6: {  	v5 =	vadd.f32 v5, v6;
	v6 =	vld [tilespmem:s15+$0x1A60];
	[tilespmem:s15+$0x1AA70] =	vst v0  }
0xa7: {  	v0 =	vld [tilespmem:s15+$0x3360]  }
0xa8: {  	v10 =	vld [tilespmem:s15+$0x4C00];
	v7 =	vadd.f32 v7, v9  }
0xa9: {  	v9 =	vld [tilespmem:s15+$0x4C10]  }
0xaa: {  	v11 =	vld [tilespmem:s15+$0x4C20];
	v3 =	vadd.f32 v3, v8  }
0xab: {  	v8 =	vld [tilespmem:s15+$0x4C30]  }
0xac: {  	v12 =	vld [tilespmem:s15+$0x4C40];
	v0 =	vadd.f32 v0, v6  }
0xad: {  	v4 =	vadd.f32 v10, v4;
	v6 =	vld [tilespmem:s15+$0x4C50]  }
0xae: {  	v1 =	vadd.f32 v9, v1;
	v9 =	vld [tilespmem:s15+$0x4C60]  }
0xaf: {  	v10 =	vld [tilespmem:s15+$0x6500];
	v2 =	vadd.f32 v11, v2  }
0xb0: {  	v11 =	vld [tilespmem:s15+$0x6510];
	v5 =	vadd.f32 v8, v5  }
0xb1: {  	v8 =	vld [tilespmem:s15+$0x6520];
	v7 =	vadd.f32 v12, v7  }
0xb2: {  	v12 =	vld [tilespmem:s15+$0x6530];
	v3 =	vadd.f32 v6, v3  }
0xb3: {  	v6 =	vld [tilespmem:s15+$0x6540];
	v0 =	vadd.f32 v9, v0  }
0xb4: {  	v4 =	vadd.f32 v10, v4;
	v9 =	vld [tilespmem:s15+$0x6550]  }
0xb5: {  	v1 =	vadd.f32 v11, v1;
	v10 =	vld [tilespmem:s15+$0x6560]  }
0xb6: {  	v11 =	vld [tilespmem:s15+$0x7E00];
	v2 =	vadd.f32 v8, v2  }
0xb7: {  	v8 =	vld [tilespmem:s15+$0x7E10];
	v5 =	vadd.f32 v12, v5  }
0xb8: {  	v12 =	vld [tilespmem:s15+$0x7E20];
	v6 =	vadd.f32 v6, v7  }
0xb9: {  	v7 =	vld [tilespmem:s15+$0x7E30];
	v3 =	vadd.f32 v9, v3  }
0xba: {  	v9 =	vld [tilespmem:s15+$0x7E40];
	v0 =	vadd.f32 v10, v0  }
0xbb: {  	v4 =	vadd.f32 v11, v4;
	v10 =	vld [tilespmem:s15+$0x7E50]  }
0xbc: {  	v1 =	vadd.f32 v8, v1;
	v8 =	vld [tilespmem:s15+$0x7E60]  }
0xbd: {  	v11 =	vld [tilespmem:s15+$0x9700];
	v2 =	vadd.f32 v12, v2  }
0xbe: {  	v12 =	vld [tilespmem:s15+$0x9710];
	v5 =	vadd.f32 v7, v5  }
0xbf: {  	v7 =	vld [tilespmem:s15+$0x9720];
	v6 =	vadd.f32 v9, v6  }
0xc0: {  	v9 =	vld [tilespmem:s15+$0x9730];
	v3 =	vadd.f32 v10, v3  }
0xc1: {  	v10 =	vld [tilespmem:s15+$0x9740];
	v0 =	vadd.f32 v8, v0  }
0xc2: {  	v4 =	vadd.f32 v11, v4;
	v8 =	vld [tilespmem:s15+$0x9750]  }
0xc3: {  	v1 =	vadd.f32 v12, v1;
	v11 =	vld [tilespmem:s15+$0x9760]  }
0xc4: {  	v12 =	vld [tilespmem:s15+$0xB000];
	v2 =	vadd.f32 v7, v2  }
0xc5: {  	v7 =	vld [tilespmem:s15+$0xB010];
	v5 =	vadd.f32 v9, v5  }
0xc6: {  	v9 =	vld [tilespmem:s15+$0xB020];
	v10 =	vadd.f32 v10, v6  }
0xc7: {  	v6 =	vld [tilespmem:s15+$0xB030];
	v3 =	vadd.f32 v8, v3  }
0xc8: {  	v8 =	vld [tilespmem:s15+$0xB040];
	v0 =	vadd.f32 v11, v0  }
0xc9: {  	v11 =	vadd.f32 v12, v4;
	v4 =	vld [tilespmem:s15+$0xB050]  }
0xca: {  	v1 =	vadd.f32 v7, v1;
	v12 =	vld [tilespmem:s15+$0xB060]  }
0xcb: {  	v13 =	vld [tilespmem:s15+$0xC900];
	v14 =	vadd.f32 v9, v2  }
0xcc: {  	v9 =	vld [tilespmem:s15+$0xC910];
	v6 =	vadd.f32 v6, v5  }
0xcd: {  	v15 =	vld [tilespmem:s15+$0xC920];
	v2 =	vadd.f32 v8, v10  }
.Ltmp0:
0xce: {  	v7 =	vld [tilespmem:s15+$0xC930];
	v3 =	vadd.f32 v4, v3;
	(pc) =	sbr.rel @p0 .LBB2_3-.Ltmp0, $4  }
0xcf: {  	v4 =	vld [tilespmem:s15+$0xC940];
	v0 =	vadd.f32 v12, v0  }
0xd0: {  	v10 =	vadd.f32 v13, v11;
	v5 =	vld [tilespmem:s15+$0xC950]  }
0xd1: {  	s13 =	sshra.s32 s16, $0x2;
	v9 =	vadd.f32 v9, v1;
	v8 =	vld [tilespmem:s15+$0xC960]  }
0xd2: {  	s16 =	sadd.s32 $0x200, s16;
	v1 =	vld [tilespmem:s13+$0x1A70];
	[tilespmem:s15+$0x1AA00] =	vst v10;
	v10 =	vadd.f32 v15, v14  }
0xd3: {  	v11 =	vld [tilespmem:s13+$0x3370];
	[tilespmem:s15+$0x1AA10] =	vst v9;
	v6 =	vadd.f32 v7, v6  }
0xd4: {  	v9 =	vld [tilespmem:s13+$0x1A00];
	[tilespmem:s15+$0x1AA20] =	vst v10;
	v2 =	vadd.f32 v4, v2  }
0xd5: {  	v7 =	vld [tilespmem:s13+$0x4C70];
	[tilespmem:s15+$0x1AA30] =	vst v6;
	v3 =	vadd.f32 v5, v3  }
0xd6: {  	v4 =	vld [tilespmem:s13+$0x3300];
	[tilespmem:s15+$0x1AA40] =	vst v2;
	v0 =	vadd.f32 v8, v0  }
0xd7: {  	v2 =	vld [tilespmem:s13+$0x6570];
	[tilespmem:s15+$0x1AA50] =	vst v3  }
0xd8: {  	v3 =	vld [tilespmem:s13+$0x1A10];
	[tilespmem:s15+$0x1AA60] =	vst v0  }
0xd9: {  	v0 =	vadd.f32 v11, v1;
	v1 =	vld [tilespmem:s13+$0x7E70]  }
0xda: {  	v5 =	vld [tilespmem:s13+$0x3310]  }
0xdb: {  	v6 =	vld [tilespmem:s13+$0x9770]  }
0xdc: {  	v8 =	vld [tilespmem:s13+$0x3320]  }
0xdd: {  	v10 =	vld [tilespmem:s13+$0x1A30]  }
0xde: {  	v11 =	vld [tilespmem:s13+$0x1A40]  }
0xdf: {  	v12 =	vld [tilespmem:s13+$0x1A50]  }
0xe0: {  	v13 =	vld [tilespmem:s13+$0x1A60]  }
0xe1: {  	v14 =	vld [tilespmem:s13+$0x4C00]  }
0xe2: {  	v15 =	vld [tilespmem:s13+$0x4C10]  }
0xe3: {  	v16 =	vld [tilespmem:s13+$0x4C20]  }
0xe4: {  	v17 =	vld [tilespmem:s13+$0x4C30]  }
0xe5: {  	v18 =	vld [tilespmem:s13+$0x4C40]  }
0xe6: {  	v19 =	vld [tilespmem:s13+$0x4C50]  }
0xe7: {  	v20 =	vld [tilespmem:s13+$0x4C60]  }
0xe8: {  	v21 =	vld [tilespmem:s13+$0x6500]  }
0xe9: {  	v22 =	vld [tilespmem:s13+$0x6510]  }
0xea: {  	v23 =	vld [tilespmem:s13+$0x6520]  }
0xeb: {  	v24 =	vld [tilespmem:s13+$0x6530]  }
0xec: {  	v25 =	vld [tilespmem:s13+$0x6540]  }
0xed: {  	v26 =	vld [tilespmem:s13+$0x6550]  }
0xee: {  	v27 =	vld [tilespmem:s13+$0x6560]  }
0xef: {  	v28 =	vld [tilespmem:s13+$0x7E00]  }
0xf0: {  	v29 =	vld [tilespmem:s13+$0x7E10]  }
0xf1: {  	v30 =	vld [tilespmem:s13+$0x7E20]  }
0xf2: {  	v31 =	vld [tilespmem:s13+$0x7E30]  }
0xf3: {  	v32 =	vld [tilespmem:s13+$0x7E40]  }
0xf4: {  	v33 =	vld [tilespmem:s13+$0x7E50]  }
0xf5: {  	v34 =	vld [tilespmem:s13+$0x7E60]  }
0xf6: {  	v48 =	vld [tilespmem:s13+$0x9750]  }
0xf7: {  	v49 =	vld [tilespmem:s13+$0x9760]  }
0xf8: {  	v0 =	vadd.f32 v7, v0;
	v7 =	vld [tilespmem:s13+$0x1A20]  }
0xf9: {  	v50 =	vld [tilespmem:s13+$0xB000]  }
0xfa: {  	v51 =	vld [tilespmem:s13+$0xB010];
	v0 =	vadd.f32 v2, v0  }
0xfb: {  	v4 =	vadd.f32 v4, v9;
	v2 =	vld [tilespmem:s13+$0xB070]  }
0xfc: {  	v9 =	vld [tilespmem:s13+$0x9700];
	v0 =	vadd.f32 v1, v0;
	v3 =	vadd.f32 v5, v3  }
0xfd: {  	v1 =	vld [tilespmem:s13+$0xC970];
	v4 =	vadd.f32 v14, v4;
	v5 =	vadd.f32 v8, v7  }
0xfe: {  	v0 =	vadd.f32 v6, v0;
	v6 =	vld [tilespmem:s13+$0x3330];
	v3 =	vadd.f32 v15, v3  }
0xff: {  	v7 =	vld [tilespmem:s13+$0x9710];
	v4 =	vadd.f32 v21, v4;
	v5 =	vadd.f32 v16, v5  }
0x100: {  	v0 =	vadd.f32 v2, v0;
	v2 =	vld [tilespmem:s13+$0x3340];
	v3 =	vadd.f32 v22, v3  }
0x101: {  	v8 =	vld [tilespmem:s13+$0x9720];
	v4 =	vadd.f32 v28, v4;
	v5 =	vadd.f32 v23, v5  }
0x102: {  	v0 =	vadd.f32 v1, v0;
	v1 =	vld [tilespmem:s13+$0x3350];
	v3 =	vadd.f32 v29, v3  }
0x103: {  	v52 =	vld [tilespmem:s13+$0xB020];
	v4 =	vadd.f32 v9, v4;
	v6 =	vadd.f32 v6, v10  }
0x104: {  	v9 =	vld [tilespmem:s13+$0xC900];
	v5 =	vadd.f32 v30, v5;
	v3 =	vadd.f32 v7, v3  }
0x105: {  	[tilespmem:s13+$0x1AA70] =	vst v0;
	v0 =	vld [tilespmem:s13+$0x3360];
	v4 =	vadd.f32 v50, v4;
	v2 =	vadd.f32 v2, v11  }
0x106: {  	v53 =	vld [tilespmem:s13+$0xB030];
	v6 =	vadd.f32 v17, v6;
	v5 =	vadd.f32 v8, v5  }
0x107: {  	v7 =	vld [tilespmem:s13+$0xC910];
	v3 =	vadd.f32 v51, v3;
	v1 =	vadd.f32 v1, v12  }
0x108: {  	v54 =	vld [tilespmem:s13+$0xB040];
	v2 =	vadd.f32 v18, v2;
	v6 =	vadd.f32 v24, v6  }
0x109: {  	v10 =	vld [tilespmem:s13+$0x9730];
	v5 =	vadd.f32 v52, v5;
	v4 =	vadd.f32 v9, v4  }
0x10a: {  	v11 =	vld [tilespmem:s13+$0x9740];
	v0 =	vadd.f32 v0, v13;
	v1 =	vadd.f32 v19, v1  }
0x10b: {  	v8 =	vld [tilespmem:s13+$0xC920];
	v2 =	vadd.f32 v25, v2;
	v6 =	vadd.f32 v31, v6  }
0x10c: {  	v55 =	vld [tilespmem:s13+$0xB050];
	v3 =	vadd.f32 v7, v3;
	v0 =	vadd.f32 v20, v0  }
0x10d: {  	v56 =	vld [tilespmem:s13+$0xB060];
	v1 =	vadd.f32 v26, v1;
	v2 =	vadd.f32 v32, v2  }
0x10e: {  	v6 =	vadd.f32 v10, v6;
	v10 =	vld [tilespmem:s13+$0xC930];
	v0 =	vadd.f32 v27, v0  }
0x10f: {  	v1 =	vadd.f32 v33, v1;
	v2 =	vadd.f32 v11, v2;
	v11 =	vld [tilespmem:s13+$0xC940]  }
0x110: {  	v9 =	vld [tilespmem:s13+$0xC950];
	[tilespmem:s13+$0x1AA00] =	vst v4;
	v4 =	vadd.f32 v8, v5;
	v0 =	vadd.f32 v34, v0  }
0x111: {  	v7 =	vld [tilespmem:s13+$0xC960];
	v6 =	vadd.f32 v53, v6;
	v1 =	vadd.f32 v48, v1  }
0x112: {  	v2 =	vadd.f32 v54, v2;
	v0 =	vadd.f32 v49, v0  }
0x113: {  	[tilespmem:s13+$0x1AA10] =	vst v3;
	v3 =	vadd.f32 v10, v6;
	v1 =	vadd.f32 v55, v1  }
0x114: {  	[tilespmem:s13+$0x1AA20] =	vst v4;
	v2 =	vadd.f32 v11, v2;
	v0 =	vadd.f32 v56, v0  }
0x115: {  	[tilespmem:s13+$0x1AA30] =	vst v3;
	v1 =	vadd.f32 v9, v1  }
0x116: {  	[tilespmem:s13+$0x1AA40] =	vst v2;
	v0 =	vadd.f32 v7, v0  }
0x117: {  	[tilespmem:s13+$0x1AA50] =	vst v1  }
0x118: {  	[tilespmem:s13+$0x1AA60] =	vst v0  }
0x119: {  	_ =	swait.ge [sflag:s20], $0x1900  }
0x11a: {  	[sflag:s20] =	ssyncset.done $0x0  }
0x11b: {  	[sflag:s20] =	ssyncadd.s32 $0xFFFFE700  }
0x11c: {  	_ =	swait.ge [sflag:s20], $0x1900  }
0x11d: {  	[sflag:s20] =	ssyncset.done $0x0  }
0x11e: {  	[sflag:s20] =	ssyncadd.s32 $0xFFFFE700  }
0x11f: {  	_ =	swait.ge [sflag:s20], $0x1900  }
0x120: {  	[sflag:s20] =	ssyncset.done $0x0  }
0x121: {  	[sflag:s20] =	ssyncadd.s32 $0xFFFFE700  }
0x122: {  	_ =	swait.ge [sflag:s20], $0x1900  }
0x123: {  	[sflag:s20] =	ssyncset.done $0x0  }
0x124: {  	[sflag:s20] =	ssyncadd.s32 $0xFFFFE700  }
0x125: {  	_ =	swait.ge [sflag:s20], $0x1900  }
0x126: {  	[sflag:s20] =	ssyncset.done $0x0  }
0x127: {  	[sflag:s20] =	ssyncadd.s32 $0xFFFFE700  }
0x128: {  	_ =	swait.ge [sflag:s20], $0x1900  }
0x129: {  	[sflag:s20] =	ssyncset.done $0x0  }
0x12a: {  	[sflag:s20] =	ssyncadd.s32 $0xFFFFE700  }
0x12b: {  	_ =	swait.ge [sflag:s20], $0x1900  }
0x12c: {  	[sflag:s20] =	ssyncset.done $0x0  }
0x12d: {  	[sflag:s20] =	ssyncadd.s32 $0xFFFFE700  }
0x12e: {  	p0 =	seq.s32 s23, $0x1F;
	_ =	swait.ge [sflag:s20], $0x1900  }
0x12f: {  	s13 =	sadd.s32 @!p0 $0x1, s23;
	[sflag:s20] =	ssyncset.done $0x0  }
0x130: {  	s15 =	simm.s32 @!p0 $0x1;
	s13 =	sand.u32 @!p0 $0x3, s13;
	[sflag:s20] =	ssyncadd.s32 $0xFFFFE700  }
0x131: {  	s13 =	smul.u32 @!p0 $0x1A00, s13;
	_ =	swait.ge @!p0 [sflag:s15], $0x680  }
0x132: {  	s16 =	simm.s32 @!p0 $0x1A00;
	[sflag:s15] =	ssyncset.done @!p0 $0x0  }
0x133: {  	s13 =	sshrl.u32 @!p0 s13, $0x2;
	[sflag:s15] =	ssyncadd.s32 @!p0 $0xFFFFF980;
	s15 =	simm.s32 @!p0 $0x64  }
0x134: {  	[tilespmem:s16], [sflag:$0x2] =	stream.indirect.gather @!p0 [hbm4b:s4+s15], $0x40, s13, s15, $0xb8;
	[tilespmem:$0x1DC00] =	vst v63  }
0x135: {  	s17 =	simm.s32 @!p0 $0x3300;
	s16 =	sadd.s32 @!p0 $0xD0, s13  }
0x136: {  	[tilespmem:s17], [sflag:$0x2] =	stream.indirect.gather @!p0 [hbm4b:s5+s15], $0x40, s16, s15, $0xb8;
	[tilespmem:$0x1DC00] =	vst v63  }
0x137: {  	s16 =	sadd.s32 @!p0 $0x1A0, s13;
	s17 =	simm.s32 @!p0 $0x4C00  }
0x138: {  	[tilespmem:s17], [sflag:$0x2] =	stream.indirect.gather @!p0 [hbm4b:s6+s15], $0x40, s16, s15, $0xb8;
	[tilespmem:$0x1DC00] =	vst v63  }
0x139: {  	s16 =	sadd.s32 @!p0 $0x270, s13;
	s17 =	simm.s32 @!p0 $0x6500  }
0x13a: {  	[tilespmem:s17], [sflag:$0x2] =	stream.indirect.gather @!p0 [hbm4b:s9+s15], $0x40, s16, s15, $0xb8;
	[tilespmem:$0x1DC00] =	vst v63  }
0x13b: {  	s16 =	sadd.s32 @!p0 $0x340, s13;
	s17 =	simm.s32 @!p0 $0x7E00  }
0x13c: {  	[tilespmem:s17], [sflag:$0x2] =	stream.indirect.gather @!p0 [hbm4b:s10+s15], $0x40, s16, s15, $0xb8;
	[tilespmem:$0x1DC00] =	vst v63  }
0x13d: {  	p1 =	sgt.u32 @!p0 s23, $0x1C;
	s16 =	sadd.s32 @!p0 $0x410, s13;
	s17 =	simm.s32 @!p0 $0x9700  }
0x13e: {  	[tilespmem:s17], [sflag:$0x2] =	stream.indirect.gather @!p0 [hbm4b:s11+s15], $0x40, s16, s15, $0xb8;
	[tilespmem:$0x1DC00] =	vst v63  }
0x13f: {  	p1 =	por p1, p0;
	s16 =	sadd.s32 @!p0 $0x4E0, s13;
	s17 =	simm.s32 @!p0 $0xB000  }
0x140: {  	[tilespmem:s17], [sflag:$0x2] =	stream.indirect.gather @!p0 [hbm4b:s12+s15], $0x40, s16, s15, $0xb8;
	[tilespmem:$0x1DC00] =	vst v63  }
0x141: {  	s16 =	sadd.s32 @!p1 $0x3, s23  }
0x142: {  	s17 =	sand.u32 @!p1 $0x3, s16  }
0x143: {  	s16 =	sadd.s32 @!p1 s7, s16;
	s17 =	smul.u32 @!p1 $0x1A00, s17  }
0x144: {  	s22 =	simm.s32 @!p0 $0xC900;
	s13 =	sadd.s32 @!p0 $0x5B0, s13;
	s16 =	smul.u32 @!p1 $0xD0, s16  }
0x145: {  	[tilespmem:s22], [sflag:$0x2] =	stream.indirect.gather @!p0 [hbm4b:s14+s15], $0x40, s13, s15, $0xb8;
	[tilespmem:$0x1DC00] =	vst v63  }
0x146: {  	s13 =	sshrl.u32 @!p1 s17, $0x2;
	s15 =	sadd.s32 @!p1 s8, s16;
	s16 =	simm.s32 @!p1 $0x0  }
0x147: {  	[tilespmem:s13], [sflag:$0x1] =	stream.linear.gather @!p1 [hbm4b:s15+s16], $0x680, $0x38;
	[tilespmem:$0x1DC00] =	vst v63  }
0x148: {  	s16 =	simm.s32 $0x0  }
0x149: {  	v0 =	vld [tilespmem:s16+$0xE270]  }
0x14a: {  	v1 =	vld [tilespmem:s16+$0xFB70]  }
0x14b: {  	v2 =	vld [tilespmem:s16+$0xE200]  }
0x14c: {  	v3 =	vld [tilespmem:s16+$0x11470]  }
0x14d: {  	v4 =	vld [tilespmem:s16+$0xFB00]  }
0x14e: {  	v5 =	vld [tilespmem:s16+$0x12D70]  }
0x14f: {  	v6 =	vld [tilespmem:s16+$0xE210]  }
0x150: {  	v7 =	vld [tilespmem:s16+$0xFB10]  }
0x151: {  	v8 =	vld [tilespmem:s16+$0xE220]  }
0x152: {  	v9 =	vld [tilespmem:s16+$0xFB20]  }
0x153: {  	v10 =	vld [tilespmem:s16+$0xE230]  }
0x154: {  	v11 =	vld [tilespmem:s16+$0xE240]  }
0x155: {  	v57 =	vld [tilespmem:s16+$0xE250]  }
0x156: {  	v58 =	vld [tilespmem:s16+$0xE260]  }
0x157: {  	v59 =	vld [tilespmem:s16+$0x11400]  }
0x158: {  	v60 =	vld [tilespmem:s16+$0x11410]  }
0x159: {  	v61 =	vld [tilespmem:s16+$0x11420]  }
0x15a: {  	v62 =	vld [tilespmem:s16+$0x11430]  }
0x15b: {  	v63 =	vld [tilespmem:s16+$0x11440]  }
0x15c: {  	v36 =	vld [tilespmem:s16+$0x11450]  }
0x15d: {  	v37 =	vld [tilespmem:s16+$0x11460]  }
0x15e: {  	v38 =	vld [tilespmem:s16+$0x12D00]  }
0x15f: {  	v39 =	vld [tilespmem:s16+$0x12D10]  }
0x160: {  	v40 =	vld [tilespmem:s16+$0x12D20]  }
0x161: {  	v41 =	vld [tilespmem:s16+$0x12D30]  }
0x162: {  	v42 =	vld [tilespmem:s16+$0x12D40]  }
0x163: {  	v43 =	vld [tilespmem:s16+$0x12D50]  }
0x164: {  	v44 =	vld [tilespmem:s16+$0x12D60]  }
0x165: {  	v45 =	vld [tilespmem:s16+$0x14600]  }
0x166: {  	v46 =	vld [tilespmem:s16+$0x14610]  }
0x167: {  	v47 =	vld [tilespmem:s16+$0x14620]  }
0x168: {  	v48 =	vld [tilespmem:s16+$0x14630]  }
0x169: {  	v49 =	vld [tilespmem:s16+$0x14640]  }
0x16a: {  	v50 =	vld [tilespmem:s16+$0x14650]  }
0x16b: {  	v51 =	vld [tilespmem:s16+$0x14660]  }
0x16c: {  	v52 =	vld [tilespmem:s16+$0x15F50];
	v0 =	vadd.f32 v1, v0  }
0x16d: {  	v1 =	vld [tilespmem:s16+$0x14670]  }
0x16e: {  	v55 =	vld [tilespmem:s16+$0x17810];
	v0 =	vadd.f32 v3, v0  }
0x16f: {  	v3 =	vld [tilespmem:s16+$0x15F70]  }
0x170: {  	v2 =	vadd.f32 v4, v2;
	v4 =	vld [tilespmem:s16+$0x15F00];
	v0 =	vadd.f32 v5, v0  }
0x171: {  	v6 =	vadd.f32 v7, v6;
	v7 =	vadd.f32 v9, v8;
	v5 =	vld [tilespmem:s16+$0x17870]  }
0x172: {  	v8 =	vld [tilespmem:s16+$0x15F10];
	v2 =	vadd.f32 v59, v2;
	v0 =	vadd.f32 v1, v0  }
0x173: {  	v6 =	vadd.f32 v60, v6;
	v7 =	vadd.f32 v61, v7;
	v1 =	vld [tilespmem:s16+$0x19170]  }
0x174: {  	v9 =	vld [tilespmem:s16+$0x15F20];
	v2 =	vadd.f32 v38, v2;
	v0 =	vadd.f32 v3, v0  }
0x175: {  	v6 =	vadd.f32 v39, v6;
	v7 =	vadd.f32 v40, v7;
	v3 =	vld [tilespmem:s16+$0xFB30]  }
0x176: {  	v2 =	vadd.f32 v45, v2;
	v0 =	vadd.f32 v5, v0;
	v5 =	vld [tilespmem:s16+$0xFB40]  }
0x177: {  	v56 =	vld [tilespmem:s16+$0x17820];
	v6 =	vadd.f32 v46, v6;
	v7 =	vadd.f32 v47, v7  }
0x178: {  	v2 =	vadd.f32 v4, v2;
	v0 =	vadd.f32 v1, v0;
	v1 =	vld [tilespmem:s16+$0xFB50]  }
0x179: {  	v4 =	vadd.f32 v8, v6;
	v6 =	vadd.f32 v9, v7;
	v9 =	vld [tilespmem:s16+$0x19110]  }
0x17a: {  	v3 =	vadd.f32 v3, v10;
	[tilespmem:s16+$0x1C370] =	vst v0;
	v0 =	vld [tilespmem:s16+$0xFB60]  }
0x17b: {  	v53 =	vld [tilespmem:s16+$0x15F60];
	v5 =	vadd.f32 v5, v11  }
0x17c: {  	v54 =	vld [tilespmem:s16+$0x17800];
	v3 =	vadd.f32 v62, v3;
	v62 =	vadd.f32 v55, v4  }
0x17d: {  	v59 =	vld [tilespmem:s16+$0x17850];
	v1 =	vadd.f32 v1, v57;
	v5 =	vadd.f32 v63, v5  }
0x17e: {  	v10 =	vld [tilespmem:s16+$0x15F30];
	v3 =	vadd.f32 v41, v3;
	v63 =	vadd.f32 v56, v6  }
0x17f: {  	v11 =	vld [tilespmem:s16+$0x15F40];
	v9 =	vadd.f32 v9, v62;
	v0 =	vadd.f32 v0, v58  }
0x180: {  	v61 =	vld [tilespmem:s16+$0x19100];
	v1 =	vadd.f32 v36, v1;
	v5 =	vadd.f32 v42, v5  }
0x181: {  	v57 =	vld [tilespmem:s16+$0x17830];
	v3 =	vadd.f32 v48, v3;
	v0 =	vadd.f32 v37, v0  }
0x182: {  	v58 =	vld [tilespmem:s16+$0x17840];
	v1 =	vadd.f32 v43, v1;
	v5 =	vadd.f32 v49, v5  }
0x183: {  	v3 =	vadd.f32 v10, v3;
	v10 =	vld [tilespmem:s16+$0x19120];
	v0 =	vadd.f32 v44, v0  }
0x184: {  	v60 =	vld [tilespmem:s16+$0x17860];
	v1 =	vadd.f32 v50, v1;
	v8 =	vadd.f32 v11, v5  }
0x185: {  	v7 =	vld [tilespmem:s16+$0x19130];
	v11 =	vadd.f32 v54, v2;
	v0 =	vadd.f32 v51, v0  }
0x186: {  	v4 =	vld [tilespmem:s16+$0x19140];
	v6 =	vadd.f32 v57, v3;
	v1 =	vadd.f32 v52, v1  }
0x187: {  	v5 =	vld [tilespmem:s16+$0x19150];
	v11 =	vadd.f32 v61, v11;
	v0 =	vadd.f32 v53, v0  }
0x188: {  	s13 =	simm.s32 $0x80;
	v2 =	vadd.f32 v58, v8;
	v8 =	vld [tilespmem:s16+$0x19160];
	v10 =	vadd.f32 v10, v63  }
0x189: {  	s17 =	simm.s32 $0x400;
	s15 =	sadd.s32 s7, s23;
	v3 =	vadd.f32 v59, v1;
	v1 =	vld [tilespmem:s13+$0xE270];
	[tilespmem:s16+$0x1C300] =	vst v11;
	v0 =	vadd.f32 v60, v0  }
.LBB2_5:
0x18a: {  	p0 =	sne.s32 s17, $0x6200;
	v11 =	vld [tilespmem:s13+$0xFB70];
	[tilespmem:s16+$0x1C310] =	vst v9;
	v6 =	vadd.f32 v7, v6  }
0x18b: {  	v7 =	vld [tilespmem:s13+$0xE200];
	[tilespmem:s16+$0x1C320] =	vst v10;
	v2 =	vadd.f32 v4, v2  }
0x18c: {  	v4 =	vld [tilespmem:s13+$0x11470];
	[tilespmem:s16+$0x1C330] =	vst v6;
	v3 =	vadd.f32 v5, v3  }
0x18d: {  	v5 =	vld [tilespmem:s13+$0xFB00];
	[tilespmem:s16+$0x1C340] =	vst v2;
	v0 =	vadd.f32 v8, v0  }
0x18e: {  	v2 =	vld [tilespmem:s13+$0x12D70];
	[tilespmem:s16+$0x1C350] =	vst v3  }
0x18f: {  	v3 =	vld [tilespmem:s13+$0xE210];
	v1 =	vadd.f32 v11, v1;
	[tilespmem:s16+$0x1C360] =	vst v0;
	s16 =	smov.u32 s13  }
0x190: {  	v0 =	vld [tilespmem:s16+$0x14670]  }
0x191: {  	v6 =	vld [tilespmem:s16+$0xFB10];
	v1 =	vadd.f32 v4, v1  }
0x192: {  	v4 =	vadd.f32 v5, v7;
	v5 =	vld [tilespmem:s16+$0x15F70]  }
0x193: {  	v7 =	vld [tilespmem:s16+$0xE220];
	v1 =	vadd.f32 v2, v1  }
0x194: {  	v2 =	vld [tilespmem:s16+$0x17870]  }
0x195: {  	v8 =	vld [tilespmem:s16+$0xFB20];
	v0 =	vadd.f32 v0, v1  }
0x196: {  	v1 =	vadd.f32 v6, v3;
	v3 =	vld [tilespmem:s16+$0x19170]  }
0x197: {  	v6 =	vld [tilespmem:s16+$0xE230];
	v0 =	vadd.f32 v5, v0  }
0x198: {  	v5 =	vld [tilespmem:s16+$0xFB30]  }
0x199: {  	v9 =	vld [tilespmem:s16+$0xE240];
	v0 =	vadd.f32 v2, v0  }
0x19a: {  	v2 =	vadd.f32 v8, v7;
	v7 =	vld [tilespmem:s16+$0xFB40]  }
0x19b: {  	v8 =	vld [tilespmem:s16+$0xE250];
	v0 =	vadd.f32 v3, v0  }
0x19c: {  	v3 =	vld [tilespmem:s16+$0xFB50]  }
0x19d: {  	v5 =	vadd.f32 v5, v6;
	v6 =	vld [tilespmem:s16+$0xE260];
	[tilespmem:s16+$0x1C370] =	vst v0  }
0x19e: {  	v0 =	vld [tilespmem:s16+$0xFB60]  }
0x19f: {  	v10 =	vld [tilespmem:s16+$0x11400];
	v7 =	vadd.f32 v7, v9  }
0x1a0: {  	v9 =	vld [tilespmem:s16+$0x11410]  }
0x1a1: {  	v11 =	vld [tilespmem:s16+$0x11420];
	v3 =	vadd.f32 v3, v8  }
0x1a2: {  	v8 =	vld [tilespmem:s16+$0x11430]  }
0x1a3: {  	v12 =	vld [tilespmem:s16+$0x11440];
	v0 =	vadd.f32 v0, v6  }
0x1a4: {  	v4 =	vadd.f32 v10, v4;
	v6 =	vld [tilespmem:s16+$0x11450]  }
0x1a5: {  	v1 =	vadd.f32 v9, v1;
	v9 =	vld [tilespmem:s16+$0x11460]  }
0x1a6: {  	v10 =	vld [tilespmem:s16+$0x12D00];
	v2 =	vadd.f32 v11, v2  }
0x1a7: {  	v11 =	vld [tilespmem:s16+$0x12D10];
	v5 =	vadd.f32 v8, v5  }
0x1a8: {  	v8 =	vld [tilespmem:s16+$0x12D20];
	v7 =	vadd.f32 v12, v7  }
0x1a9: {  	v12 =	vld [tilespmem:s16+$0x12D30];
	v3 =	vadd.f32 v6, v3  }
0x1aa: {  	v6 =	vld [tilespmem:s16+$0x12D40];
	v0 =	vadd.f32 v9, v0  }
0x1ab: {  	v4 =	vadd.f32 v10, v4;
	v9 =	vld [tilespmem:s16+$0x12D50]  }
0x1ac: {  	v1 =	vadd.f32 v11, v1;
	v10 =	vld [tilespmem:s16+$0x12D60]  }
0x1ad: {  	v11 =	vld [tilespmem:s16+$0x14600];
	v2 =	vadd.f32 v8, v2  }
0x1ae: {  	v8 =	vld [tilespmem:s16+$0x14610];
	v5 =	vadd.f32 v12, v5  }
0x1af: {  	v12 =	vld [tilespmem:s16+$0x14620];
	v6 =	vadd.f32 v6, v7  }
0x1b0: {  	v7 =	vld [tilespmem:s16+$0x14630];
	v3 =	vadd.f32 v9, v3  }
0x1b1: {  	v9 =	vld [tilespmem:s16+$0x14640];
	v0 =	vadd.f32 v10, v0  }
0x1b2: {  	v4 =	vadd.f32 v11, v4;
	v10 =	vld [tilespmem:s16+$0x14650]  }
0x1b3: {  	v1 =	vadd.f32 v8, v1;
	v8 =	vld [tilespmem:s16+$0x14660]  }
0x1b4: {  	v11 =	vld [tilespmem:s16+$0x15F00];
	v2 =	vadd.f32 v12, v2  }
0x1b5: {  	v12 =	vld [tilespmem:s16+$0x15F10];
	v5 =	vadd.f32 v7, v5  }
0x1b6: {  	v7 =	vld [tilespmem:s16+$0x15F20];
	v6 =	vadd.f32 v9, v6  }
0x1b7: {  	v9 =	vld [tilespmem:s16+$0x15F30];
	v3 =	vadd.f32 v10, v3  }
0x1b8: {  	v10 =	vld [tilespmem:s16+$0x15F40];
	v0 =	vadd.f32 v8, v0  }
0x1b9: {  	v4 =	vadd.f32 v11, v4;
	v8 =	vld [tilespmem:s16+$0x15F50]  }
0x1ba: {  	v1 =	vadd.f32 v12, v1;
	v11 =	vld [tilespmem:s16+$0x15F60]  }
0x1bb: {  	v12 =	vld [tilespmem:s16+$0x17800];
	v2 =	vadd.f32 v7, v2  }
0x1bc: {  	v7 =	vld [tilespmem:s16+$0x17810];
	v5 =	vadd.f32 v9, v5  }
0x1bd: {  	v9 =	vld [tilespmem:s16+$0x17820];
	v10 =	vadd.f32 v10, v6  }
0x1be: {  	v6 =	vld [tilespmem:s16+$0x17830];
	v3 =	vadd.f32 v8, v3  }
0x1bf: {  	v8 =	vld [tilespmem:s16+$0x17840];
	v0 =	vadd.f32 v11, v0  }
0x1c0: {  	v11 =	vadd.f32 v12, v4;
	v4 =	vld [tilespmem:s16+$0x17850]  }
0x1c1: {  	v1 =	vadd.f32 v7, v1;
	v12 =	vld [tilespmem:s16+$0x17860]  }
0x1c2: {  	v13 =	vld [tilespmem:s16+$0x19100];
	v14 =	vadd.f32 v9, v2  }
0x1c3: {  	v9 =	vld [tilespmem:s16+$0x19110];
	v6 =	vadd.f32 v6, v5  }
0x1c4: {  	v15 =	vld [tilespmem:s16+$0x19120];
	v2 =	vadd.f32 v8, v10  }
.Ltmp1:
0x1c5: {  	v7 =	vld [tilespmem:s16+$0x19130];
	v3 =	vadd.f32 v4, v3;
	(pc) =	sbr.rel @p0 .LBB2_5-.Ltmp1, $4  }
0x1c6: {  	v4 =	vld [tilespmem:s16+$0x19140];
	v0 =	vadd.f32 v12, v0  }
0x1c7: {  	v10 =	vadd.f32 v13, v11;
	v5 =	vld [tilespmem:s16+$0x19150]  }
0x1c8: {  	s13 =	sshra.s32 s17, $0x2;
	v9 =	vadd.f32 v9, v1;
	v8 =	vld [tilespmem:s16+$0x19160]  }
0x1c9: {  	s17 =	sadd.s32 $0x200, s17;
	v1 =	vld [tilespmem:s13+$0xE270];
	[tilespmem:s16+$0x1C300] =	vst v10;
	v10 =	vadd.f32 v15, v14  }
0x1ca: {  	v11 =	vld [tilespmem:s13+$0xFB70];
	[tilespmem:s16+$0x1C310] =	vst v9;
	v6 =	vadd.f32 v7, v6  }
0x1cb: {  	v9 =	vld [tilespmem:s13+$0xE200];
	[tilespmem:s16+$0x1C320] =	vst v10;
	v2 =	vadd.f32 v4, v2  }
0x1cc: {  	v54 =	vld [tilespmem:s13+$0x11470];
	[tilespmem:s16+$0x1C330] =	vst v6;
	v3 =	vadd.f32 v5, v3  }
0x1cd: {  	v55 =	vld [tilespmem:s13+$0xFB00];
	[tilespmem:s16+$0x1C340] =	vst v2;
	v0 =	vadd.f32 v8, v0  }
0x1ce: {  	v2 =	vld [tilespmem:s13+$0x12D70];
	[tilespmem:s16+$0x1C350] =	vst v3  }
0x1cf: {  	v3 =	vld [tilespmem:s13+$0xE210];
	[tilespmem:s16+$0x1C360] =	vst v0  }
0x1d0: {  	v57 =	vld [tilespmem:s13+$0x14670]  }
0x1d1: {  	v58 =	vld [tilespmem:s13+$0xFB10]  }
0x1d2: {  	v6 =	vld [tilespmem:s13+$0x15F70]  }
0x1d3: {  	v59 =	vld [tilespmem:s13+$0xE220]  }
0x1d4: {  	v60 =	vld [tilespmem:s13+$0x17870]  }
0x1d5: {  	v61 =	vld [tilespmem:s13+$0xFB20]  }
0x1d6: {  	v62 =	vld [tilespmem:s13+$0x19170]  }
0x1d7: {  	v10 =	vld [tilespmem:s13+$0xE230]  }
0x1d8: {  	v63 =	vld [tilespmem:s13+$0xFB30]  }
0x1d9: {  	v36 =	vld [tilespmem:s13+$0xE240]  }
0x1da: {  	v37 =	vld [tilespmem:s13+$0xFB40]  }
0x1db: {  	v12 =	vld [tilespmem:s13+$0xE250]  }
0x1dc: {  	v38 =	vld [tilespmem:s13+$0xFB50]  }
0x1dd: {  	v13 =	vld [tilespmem:s13+$0xE260]  }
0x1de: {  	v39 =	vld [tilespmem:s13+$0xFB60]  }
0x1df: {  	v14 =	vld [tilespmem:s13+$0x11400]  }
0x1e0: {  	v15 =	vld [tilespmem:s13+$0x11410]  }
0x1e1: {  	v16 =	vld [tilespmem:s13+$0x11420]  }
0x1e2: {  	v17 =	vld [tilespmem:s13+$0x11430]  }
0x1e3: {  	v18 =	vld [tilespmem:s13+$0x11440]  }
0x1e4: {  	v19 =	vld [tilespmem:s13+$0x11450]  }
0x1e5: {  	v20 =	vld [tilespmem:s13+$0x11460]  }
0x1e6: {  	v21 =	vld [tilespmem:s13+$0x12D00]  }
0x1e7: {  	v22 =	vld [tilespmem:s13+$0x12D10]  }
0x1e8: {  	v23 =	vld [tilespmem:s13+$0x12D20]  }
0x1e9: {  	v24 =	vld [tilespmem:s13+$0x12D30]  }
0x1ea: {  	v25 =	vld [tilespmem:s13+$0x12D40]  }
0x1eb: {  	v26 =	vld [tilespmem:s13+$0x12D50]  }
0x1ec: {  	v27 =	vld [tilespmem:s13+$0x12D60]  }
0x1ed: {  	v56 =	vadd.f32 v11, v1;
	v28 =	vld [tilespmem:s13+$0x14600]  }
0x1ee: {  	v29 =	vld [tilespmem:s13+$0x14610]  }
0x1ef: {  	v30 =	vld [tilespmem:s13+$0x14620];
	v0 =	vadd.f32 v54, v56  }
0x1f0: {  	v31 =	vld [tilespmem:s13+$0x14630]  }
0x1f1: {  	v32 =	vld [tilespmem:s13+$0x14640];
	v0 =	vadd.f32 v2, v0  }
0x1f2: {  	v33 =	vld [tilespmem:s13+$0x14650];
	v4 =	vadd.f32 v55, v9  }
0x1f3: {  	v34 =	vld [tilespmem:s13+$0x14660];
	v0 =	vadd.f32 v57, v0;
	v3 =	vadd.f32 v58, v3  }
0x1f4: {  	v40 =	vld [tilespmem:s13+$0x15F00];
	v41 =	vadd.f32 v61, v59;
	v2 =	vadd.f32 v37, v36  }
0x1f5: {  	v42 =	vld [tilespmem:s13+$0x15F10];
	v1 =	vadd.f32 v38, v12;
	v4 =	vadd.f32 v14, v4  }
0x1f6: {  	v43 =	vld [tilespmem:s13+$0x15F20];
	v0 =	vadd.f32 v6, v0;
	v6 =	vadd.f32 v63, v10  }
0x1f7: {  	v44 =	vld [tilespmem:s13+$0x15F30];
	v3 =	vadd.f32 v15, v3;
	v5 =	vadd.f32 v16, v41  }
0x1f8: {  	v45 =	vld [tilespmem:s13+$0x15F40];
	v2 =	vadd.f32 v18, v2;
	v1 =	vadd.f32 v19, v1  }
0x1f9: {  	v46 =	vld [tilespmem:s13+$0x15F50];
	v4 =	vadd.f32 v21, v4;
	v0 =	vadd.f32 v60, v0  }
0x1fa: {  	v47 =	vld [tilespmem:s13+$0x15F60];
	v6 =	vadd.f32 v17, v6;
	v3 =	vadd.f32 v22, v3  }
0x1fb: {  	v48 =	vld [tilespmem:s13+$0x17800];
	v5 =	vadd.f32 v23, v5;
	v2 =	vadd.f32 v25, v2  }
0x1fc: {  	v49 =	vld [tilespmem:s13+$0x17810];
	v1 =	vadd.f32 v26, v1;
	v4 =	vadd.f32 v28, v4  }
0x1fd: {  	v50 =	vld [tilespmem:s13+$0x17820];
	v0 =	vadd.f32 v62, v0;
	v6 =	vadd.f32 v24, v6  }
0x1fe: {  	v51 =	vld [tilespmem:s13+$0x17830];
	v3 =	vadd.f32 v29, v3;
	v5 =	vadd.f32 v30, v5  }
0x1ff: {  	v52 =	vld [tilespmem:s13+$0x17840];
	v2 =	vadd.f32 v32, v2;
	v1 =	vadd.f32 v33, v1  }
0x200: {  	v53 =	vld [tilespmem:s13+$0x17850];
	v4 =	vadd.f32 v40, v4;
	[tilespmem:s13+$0x1C370] =	vst v0;
	v0 =	vadd.f32 v39, v13  }
0x201: {  	v55 =	vld [tilespmem:s13+$0x19100];
	v6 =	vadd.f32 v31, v6;
	v3 =	vadd.f32 v42, v3  }
0x202: {  	v54 =	vld [tilespmem:s13+$0x17860];
	v5 =	vadd.f32 v43, v5;
	v2 =	vadd.f32 v45, v2  }
0x203: {  	v56 =	vld [tilespmem:s13+$0x19110];
	v1 =	vadd.f32 v46, v1;
	v0 =	vadd.f32 v20, v0  }
0x204: {  	v57 =	vld [tilespmem:s13+$0x19120];
	v4 =	vadd.f32 v48, v4;
	v6 =	vadd.f32 v44, v6  }
0x205: {  	v59 =	vld [tilespmem:s13+$0x19140];
	v3 =	vadd.f32 v49, v3;
	v0 =	vadd.f32 v27, v0  }
0x206: {  	v60 =	vld [tilespmem:s13+$0x19150];
	v5 =	vadd.f32 v50, v5;
	v4 =	vadd.f32 v55, v4  }
0x207: {  	v58 =	vld [tilespmem:s13+$0x19130];
	v2 =	vadd.f32 v52, v2;
	v0 =	vadd.f32 v34, v0  }
0x208: {  	v61 =	vld [tilespmem:s13+$0x19160];
	v1 =	vadd.f32 v53, v1;
	v3 =	vadd.f32 v56, v3  }
0x209: {  	[tilespmem:s13+$0x1C300] =	vst v4;
	v62 =	vadd.f32 v57, v5;
	v0 =	vadd.f32 v47, v0  }
0x20a: {  	v6 =	vadd.f32 v51, v6;
	v2 =	vadd.f32 v59, v2;
	[tilespmem:s13+$0x1C310] =	vst v3  }
0x20b: {  	v1 =	vadd.f32 v60, v1;
	[tilespmem:s13+$0x1C320] =	vst v62;
	v0 =	vadd.f32 v54, v0  }
0x20c: {  	v63 =	vadd.f32 v58, v6;
	[tilespmem:s13+$0x1C340] =	vst v2  }
0x20d: {  	s15 =	smul.u32 $0x640, s15;
	s23 =	sadd.s32 $0x1, s23;
	[tilespmem:s13+$0x1C350] =	vst v1;
	v0 =	vadd.f32 v61, v0  }
0x20e: {  	p0 =	sne.s32 s23, $0x20;
	[tilespmem:s13+$0x1C330] =	vst v63  }
.Ltmp2:
0x20f: {  	s22 =	sadd.s32 s1, s15;
	[tilespmem:s13+$0x1C360] =	vst v0;
	(pc) =	sbr.rel @p0 .LBB2_2-.Ltmp2, $4  }
0x210: {  	[hbm4b:s22+s3] =	stream.linear.scatter [tilespmem:s21], [sflag:$0x4], $0x3200, $0x38;
	[tilespmem:$0x1DC00] =	vst v63  }
0x211: {  	_ =	swait.ge [sflag:s18], $0x3200  }
0x212: {  	[sflag:s18] =	ssyncset.done $0x0  }
0x213: {  	[sflag:s18] =	ssyncadd.s32 $0xFFFFCE00  }
0x214: {  	s15 =	rddreg [dreg:$0x7]  }
0x215: {  	s13 =	rddreg [dreg:$0x6];
	s15 =	sadd.s32 $0x1, s15  }
0x216: {  	p0 =	sne.s32 s15, s13  }
.Ltmp3:
0x217: {  	_ = 	snop;
	(pc) =	sbr.rel @p0 .LBB2_1-.Ltmp3, $1  }
0x218: {  	_ =	sdelay $0x3  }
0x219: {  	_ =	sfence.sel $0x180000  }
0x21a: {  	[bflag:$0x0] =	sbarrier.arrive $0xFFFF  }
0x21b: {  	_ =	strace $0x90000047  }
0x21c: {  	s0 =	stileid.u32;
	[bflag:$0x2] =	sbarrier.arrive $0xFFFF  }
0x21d: {  	p0 =	sne.s32 s0, $0x0;
	s0 =	rddreg [dreg:$0x2]  }
0x21e: {  	s0 =	sadd.s32 @!p0 $0x100000, s0  }
0x21f: {  	[sflag:s0] =	ssyncadd.tile.s32 @!p0 $0x1;
	_ =	shalt  }
.Lfunc_end2:
_tile_overlayer_lowered:
.L_overlay_start_2:
0x220: {  	(tag) =	ssettag $0x2  }
0x221: {  	s0 =	rddreg [dreg:$0x0];
	s2 =	stileid.u32  }
0x222: {  	s1 =	rddreg [dreg:$0x1];
	p0 =	sne.s32 s2, $0x0  }
0x223: {  	s3 =	rddreg [dreg:$0x2];
	[bflag:$0x3] =	sbarrier.arrive $0xFFFF;
	s2 =	simm.s32 @!p0 $0x1C04  }
0x224: {  	[timem:s3], [sflag:s2] =	dma.local @!p0 [hbm:s0], s1  }
0x225: {  	s0 =	simm.s32 @!p0 $0x4  }
0x226: {  	_ =	swait.ge @!p0 [sflag:s0], s1  }
0x227: {  	s1 =	ssub.s32 @!p0 $0x0, s1;
	[sflag:s0] =	ssyncset.done @!p0 $0x0  }
0x228: {  	[sflag:s0] =	ssyncadd.s32 @!p0 s1  }
0x229: {  	[bflag:$0x3] =	sbarrier.arrive $0xFFFF  }
0x22a: {  	_ =	shalt  }

// kernel: sparse-core-data-format-call.cloned.1.call-start
scs
called_computation_lowered:
.L_overlay_start_0:
0x0: {  	s2 =	sld [smem:$0x3FD9]  }
0x1: {  	s3 =	sld [smem:$0x3FFE];
	_ =	sdelay $0x1  }
0x2: {  	s1 =	srdreg.scid  }
0x3: {  	s0 =	sand.u32 $0x1, s1  }
0x4: {  	s18 =	sshll.u32 s0, $0xA;
	s2 =	sadd.s32 s3, s2  }
0x5: {  	s2 =	sadd.s32 s2, s18  }
0x6: {  	[smem:$0x3FC6] =	sst s2  }
0x7: {  	_ = 	snop  }
0x8: {  	s2 =	sld [smem:$0x3FD0];
	(tm) =	ssettm $0x1  }
0x9: {  	s19 =	sld [smem:$0x3FFB];
	_ =	sdelay $0x3  }
0xa: {  	_ =	strace s19  }
0xb: {  	s3 =	sld [smem:$0x3FFC];
	_ =	sdelay $0x3  }
0xc: {  	_ =	strace s3  }
0xd: {  	s3 =	sld [smem:$0x3FFD];
	_ =	sdelay $0x3  }
0xe: {  	_ =	strace s3  }
0xf: {  	_ =	strace $0x8FFFFFFF  }
0x10: {  	s20 =	sld [smem:$0x3FDB];
	_ =	sdelay $0x1  }
0x11: {  	s4 =	simm.s32 $_scs_section_size  }
0x12: {  	s5 =	simm.s32 $_size__tile_overlayer_lowered;
	s6 =	simm.s32 $_tile_overlayer_lowered  }
0x13: {  	s23 =	simm.s32 $0x1BFF;
	s22 =	sshll.u32 s6, $0x1;
	s3 =	sadd.s32 s4, s20  }
0x14: {  	s7 =	simm.s32 $0x0;
	s21 =	sshll.u32 s5, $0x1;
	s5 =	sadd.s32 s22, s3  }
0x15: {  	[timem:s7], [sflag:s23] =	dma.local [hbm:s5], s21  }
0x16: {  	_ =	swait.ge [sflag:s23], s21  }
0x17: {  	s4 =	ssub.s32 $0x0, s21;
	[sflag:s23] =	ssyncset.done $0x0  }
0x18: {  	[sflag:s23] =	ssyncadd.s32 s4;
	_ =	sdelay $0x1  }
0x19: {  	s24 =	simm.s32 $0x1B8B  }
0x1a: {  	_ =	swait.ge [sflag:s24], $0x1  }
0x1b: {  	[sflag:s24] =	ssyncset.done $0x0  }
0x1c: {  	s26 =	simm.s32 $0x1B8E;
	s25 =	sld [smem:$0x3FFE];
	[sflag:s24] =	ssyncadd.s32 $0xFFFFFFFF  }
0x1d: {  	s27 =	simm.s32 $execute0_lowered;
	[smem:$0x3FD2] =	sst s26  }
0x1e: {  	s5 =	sshll.u32 s27, $0x1;
	_ =	strace $0x80000049;
	[dreg:$0x1] =	wrdreg $0xFFFFFFFF  }
0x1f: {  	s28 =	simm.s32 $_size_execute0_lowered;
	s3 =	sadd.s32 s3, s5;
	[dreg:$0x0] =	wrdreg $0x0  }
0x20: {  	s5 =	sshll.u32 s28, $0x1;
	[dreg:$0x2] =	wrdreg s3  }
0x21: {  	[dreg:$0x3] =	wrdreg s5  }
0x22: {  	[dreg:$0x4] =	wrdreg $0xC0  }
0x23: {  	_ =	task [dreg:s7], $0x5FFFF  }
0x24: {  	[dreg:$0x1] =	wrdreg $0xFFFFFFFF  }
0x25: {  	[dreg:$0x0] =	wrdreg $0x60  }
0x26: {  	[dreg:$0x2] =	wrdreg s25  }
0x27: {  	[dreg:$0x3] =	wrdreg s2  }
0x28: {  	[dreg:$0x4] =	wrdreg $0x9  }
0x29: {  	_ =	task.clear_ibuf [dreg:s7], $0x5FFFF;
	_ =	strace $0x90000049  }
0x2a: {  	s29 =	simm.s32 $0x9;
	_ =	strace $0x8000004B  }
0x2b: {  	_ =	swait.ge [sflag:s29], $0x1  }
0x2c: {  	[sflag:s29] =	ssyncadd.s32 $0xFFFFFFFF  }
0x2d: {  	_ =	strace $0x9000004B  }
0x2e: {  	_ =	sfence  }
0x2f: {  	s30 =	sld [smem:$0x0];
	_ =	sdelay $0x2  }
0x30: {  	s31 =	sshll.u32 s1, $0xD;
	s1 =	sshrl.u32 s1, $0x2  }
0x31: {  	s3 =	sand.u32 $0x4000, s31;
	s1 =	sadd.s32 s1, s30  }
0x32: {  	s0 =	sor.u32 s3, s0;
	s1 =	sshll.u32 s1, $0x11  }
0x33: {  	s0 =	sor.u32 s1, s0  }
0x34: {  	s0 =	sadd.s32 $0x8F2B, s0  }
0x35: {  	[sflag:s0] =	ssyncadd.remote.s32 $0x1  }
0x36: {  	_ =	sfence.sel $0xFFFF  }
0x37: {  	[dreg:$0x0] =	wrdreg $0xFFFFFFFF;
	(pc) =	sbr.abs _section_cstart, $3  }
0x38: {  	[dreg:$0x1] =	wrdreg $0xFFFFFFFF  }
0x39: {  	_ =	task.clear_ibuf [dreg:s7], $0x2FFFF;
	_ =	strace $0x9FFFFFFF  }
0x3a: {  	(tm) =	ssettm $0x7FFFFFFF  }
0x3b: {  	_ =	shalt  }
tec
execute0_lowered:
.L_overlay_start_1:
0x0: {  	(tag) =	ssettag $0x1  }
0x1: {  	s0 =	stileid.u32;
	s6 =	rddreg [dreg:$0x0]  }
0x2: {  	s2 =	rddreg [dreg:$0x1];
	s5 =	srdreg.scid  }
0x3: {  	s31 =	simm.s32 $0x2;
	s13 =	simm.s32 $0x0;
	s1 =	sshll.u32 s0, $0x7  }
0x4: {  	s14 =	simm.s32 $0x0;
	s12 =	simm.s32 $0x0;
	s3 =	sand.u32 $0x380, s1  }
0x5: {  	s5 =	sshll.u32 s5, $0x4;
	s6 =	sadd.s32 $0xA00, s6;
	s4 =	ssub.s32 $0x400, s3  }
0x6: {  	s1 =	rddreg [dreg:$0x2];
	_ =	strace $0x8000004A;
	s7 =	sand.u32 $0x380, s4  }
0x7: {  	s5 =	sand.u32 $0x10, s5;
	p0 =	sne.s32 s7, $0x0;
	s7 =	simm.s32 $0x1  }
.Ltmp0:
0x8: {  	s8 =	sshrl.u32 s4, $0xA;
	s7 =	simm.s32 @!p0 $0x0;
	(pc) =	sbr.rel .LBB1_1-.Ltmp0, $4  }
0x9: {  	s9 =	sor.u32 s0, s5;
	s4 =	simm.s32 $0x1;
	s30 =	sadd.s32 s7, s8  }
0xa: {  	s11 =	smov.u32 s3;
	[sflag:s4] =	ssyncpa.u1 $0x0;
	s5 =	smul.u32 $0x32, s30  }
0xb: {  	[sflag:s31] =	ssyncpa.u1 $0x0;
	p0 =	por $0x0, $0x0;
	s7 =	sshrl.u32 s9, $0x3  }
0xc: {  	s9 =	simm.s32 $0x2000;
	s10 =	smov.u32 s7;
	s8 =	sor.u32 $0x1, s5  }
.LBB1_4:
0xd: {  	s17 =	sand.u32 $0x1F80, s14;
	s13 =	sshll.u32 s13, $0xD  }
0xe: {  	[tilespmem:s16+$0x810 ss:$0x81] =	vst.msk $0xffff, v2;
	s18 =	sshrl.u32 s14, $0x3;
	s31 =	sand.u32 $0x7, s14;
	s17 =	sadd.s32 s2, s17  }
0xf: {  	[tilespmem:s16+$0x1020 ss:$0x81] =	vst.msk $0xffff, v0;
	s18 =	sand.u32 $0xF, s18;
	s14 =	sshll.u32 s31, $0x12;
	s13 =	sadd.s32 s13, s17  }
0x10: {  	[tilespmem:s16+$0x0 ss:$0x81] =	vst.msk $0xffff, v1;
	s14 =	sor.u32 $0x400, s14;
	s13 =	sadd.s32 s18, s13  }
0x11: {  	[hbm4b:s13+s14] =	stream.strided.scatter [tilespmem:s15], [sflag:$0x2], $0x2000, s9, s14, $0x20;
	[tilespmem:$0x8080] =	vst v63  }
.LBB1_5:
0x12: {  	s15 =	sadd.s32 $0x4, s10  }
0x13: {  	s13 =	sadd.s32 $0x400, s11;
	s17 =	smov.u32 s11;
	p2 =	sgt.s32 s15, $0xC7  }
0x14: {  	s17 =	smov.u32 @p2 s13  }
0x15: {  	s15 =	smov.u32 @p2 s7;
	p2 =	sgt.s32 s17, $0x3FF  }
0x16: {  	s17 =	smov.u32 @p2 s3;
	p2 =	sne.s32 s12, s8  }
.Ltmp1:
0x17: {  	p1 =	slt.u32 s12, $0x2;
	(pc) =	sbr.rel @!p2 .LBB1_6-.Ltmp1, $4  }
0x18: {  	s16 =	simm.s32 @!p1 $0x2  }
0x19: {  	s14 =	smov.u32 s11;
	p0 =	por !p0, !p0;
	_ =	swait.ge @!p1 [sflag:s16], $0x2000  }
0x1a: {  	s13 =	smov.u32 s10;
	[sflag:s16] =	ssyncset.done @!p1 $0x0;
	s10 =	smov.u32 s15  }
0x1b: {  	s12 =	sadd.s32 $0x1, s12;
	[sflag:s16] =	ssyncadd.s32 @!p1 $0xFFFFE000;
	s11 =	smov.u32 s17  }
.LBB1_1:
0x1c: {  	p1 =	sge.u32 s12, s5  }
0x1d: {  	s15 =	sand.u32 @!p1 $0x1FFFFFF, s10  }
0x1e: {  	s16 =	smulhi.u32 @!p1 $0x147AE15, s15;
	_ =	sdelay $0x1  }
0x1f: {  	s16 =	smul.u32 @!p1 $0xC8, s16  }
0x20: {  	s17 =	sxor.u32 @!p1 $0xFFFFFFFF, s12;
	s18 =	smul.u32 @!p1 $0xC80, s11  }
0x21: {  	s31 =	sadd.s32 $0xFFFFFFFF, s12;
	s17 =	sshll.u32 @!p1 s17, $0xD;
	s15 =	ssub.s32 @!p1 s15, s16  }
0x22: {  	s16 =	sand.u32 @!p1 $0x2000, s17;
	s17 =	sadd.s32 @!p1 s6, s18;
	s15 =	sshll.u32 @!p1 s15, $0x4  }
0x23: {  	s18 =	simm.s32 @!p1 $0x6400;
	s15 =	sadd.s32 @!p1 s15, s17;
	s17 =	simm.s32 @!p1 $0x40  }
0x24: {  	[tilespmem:s16], [sflag:$0x1] =	stream.strided.gather @!p1 [hbm4b:s15+s17], $0x2000, s18, s17, $0x38;
	[tilespmem:$0x8080] =	vst v63  }
0x25: {  	p1 =	sge.u32 s31, s5  }
.Ltmp2:
0x26: {  	_ = 	snop;
	(pc) =	sbr.rel @p1 .LBB1_5-.Ltmp2, $1  }
0x27: {  	_ =	sdelay $0x3  }
0x28: {  	s15 =	simm.s32 $0x1  }
0x29: {  	_ =	swait.ge [sflag:s4], $0x2000;
	s15 =	simm.s32 @!p0 $0x0  }
0x2a: {  	[sflag:s4] =	ssyncset.done $0x0;
	s16 =	sshll.u32 s15, $0xD  }
0x2b: {  	[sflag:s4] =	ssyncadd.s32 $0xFFFFE000;
	s19 =	sor.u32 $0x20, s16  }
0x2c: {  	s15 =	smul.u32 $0x8100, s15;
	v3 =	vld [tilespmem:s19+$0x10]  }
0x2d: {  	s30 =	sand.u32 $0x1, s12;
	v2 =	vld [tilespmem:s19+$0xFFFFFFF0]  }
0x2e: {  	s16 =	smul.u32 $0x8100, s30;
	s15 =	sshrl.u32 s15, $0x2;
	v0 =	vld [tilespmem:s19+$0x0]  }
0x2f: {  	v1 =	vld [tilespmem:s19+$0xFFFFFFE0];
	s17 =	sor.u32 $0x4000, s15  }
0x30: {  	s31 =	sshrl.u32 s16, $0x2;
	s16 =	sadd.s32 $0x0, s17  }
0x31: {  	s18 =	simm.s32 $0x4;
	s19 =	sadd.s32 $0x40, s19;
	s15 =	sor.u32 $0x4000, s31;
	[tilespmem:s16+$0x1830 ss:$0x81] =	vst.msk $0xffff, v3  }
.LBB1_3:
0x32: {  	v3 =	vld [tilespmem:s19+$0x10];
	p1 =	sne.s32 s18, $0x1FC;
	[tilespmem:s16+$0x810 ss:$0x81] =	vst.msk $0xffff, v2;
	s20 =	smov.u32 s18;
	s18 =	sadd.s32 $0x4, s18  }
.Ltmp3:
0x33: {  	v2 =	vld [tilespmem:s19+$0xFFFFFFF0];
	[tilespmem:s16+$0x1020 ss:$0x81] =	vst.msk $0xffff, v0;
	(pc) =	sbr.rel @p1 .LBB1_3-.Ltmp3, $4  }
0x34: {  	v0 =	vld [tilespmem:s19+$0x0];
	[tilespmem:s16+$0x0 ss:$0x81] =	vst.msk $0xffff, v1  }
0x35: {  	s16 =	sshra.s32 s20, $0x2;
	v1 =	vld [tilespmem:s19+$0xFFFFFFE0]  }
0x36: {  	s16 =	sadd.s32 s16, s17  }
0x37: {  	s19 =	sadd.s32 $0x40, s19;
	[tilespmem:s16+$0x1830 ss:$0x81] =	vst.msk $0xffff, v3  }
.Ltmp4:
0x38: {  	_ = 	snop;
	(pc) =	sbr.rel .LBB1_4-.Ltmp4, $1  }
0x39: {  	_ =	sdelay $0x3  }
.LBB1_6:
0x3a: {  	_ =	sfence.sel $0x180000  }
0x3b: {  	s2 =	simm.s32 $0x1;
	[bflag:$0x0] =	sbarrier.arrive $0xFFFF  }
0x3c: {  	s31 =	simm.s32 $0x2;
	[sflag:s2] =	ssyncpa.u1 $0x1  }
0x3d: {  	[sflag:s31] =	ssyncpa.u1 $0x1  }
0x3e: {  	p0 =	sne.s32 s0, $0x0;
	_ =	strace $0x9000004A  }
0x3f: {  	s0 =	sadd.s32 @!p0 $0x100000, s1;
	[bflag:$0x2] =	sbarrier.arrive $0xFFFF  }
0x40: {  	[sflag:s0] =	ssyncadd.tile.s32 @!p0 $0x1;
	_ =	shalt  }
.Lfunc_end1:
_tile_overlayer_lowered:
.L_overlay_start_2:
0x41: {  	(tag) =	ssettag $0x2  }
0x42: {  	s0 =	rddreg [dreg:$0x0];
	s2 =	stileid.u32  }
0x43: {  	s1 =	rddreg [dreg:$0x1];
	p0 =	sne.s32 s2, $0x0  }
0x44: {  	s3 =	rddreg [dreg:$0x2];
	[bflag:$0x3] =	sbarrier.arrive $0xFFFF;
	s2 =	simm.s32 @!p0 $0x1C01  }
0x45: {  	[timem:s3], [sflag:s2] =	dma.local @!p0 [hbm:s0], s1  }
0x46: {  	s0 =	simm.s32 @!p0 $0x1  }
0x47: {  	_ =	swait.ge @!p0 [sflag:s0], s1  }
0x48: {  	s1 =	ssub.s32 @!p0 $0x0, s1;
	[sflag:s0] =	ssyncset.done @!p0 $0x0  }
0x49: {  	[sflag:s0] =	ssyncadd.s32 @!p0 s1  }
0x4a: {  	[bflag:$0x3] =	sbarrier.arrive $0xFFFF  }
0x4b: {  	_ =	shalt  }

</sc_bundles>
